<compile_context>
chip_gen: v7x
topology: tpu7x:2x2x1
jax: 0.10.2.dev20260603
libtpu: 0.0.44.dev20260713+nightly
codegen_flags: <defaults>
</compile_context>

<pallas_src>
import functools

import jax
import jax.numpy as jnp
from jax import lax
from jax.experimental import pallas as pl
from jax.experimental.pallas import tpu as pltpu
from jax.experimental.pallas import tpu_sc as plsc

E = 16
K = 2
H = 1024
F = 512
SCALE = 2.5
T = 4096
NSLOT = T * K
BT = 256
NBLK = 48
PAD = NBLK * BT

NC = 2
NS = 16
NW = NC * NS
CHUNK = 32
TOK_PER_W = T // NW
DCH = TOK_PER_W // CHUNK
SLOT_PER_W = NSLOT // NW
CCH = SLOT_PER_W // CHUNK


def _sigmoid(x):
    return 1.0 / (1.0 + jnp.exp(-x))


def _router_body(x_ref, wr_ref, idx_ref, w_ref):
    logits = lax.dot_general(x_ref[...], wr_ref[...],
                             (((1,), (1,)), ((), ())),
                             preferred_element_type=jnp.float32)
    scores = _sigmoid(logits)
    bt = scores.shape[0]
    iota = lax.broadcasted_iota(jnp.int32, (bt, E), 1)
    m1 = jnp.max(scores, axis=1, keepdims=True)
    i1 = jnp.min(jnp.where(scores == m1, iota, E), axis=1, keepdims=True)
    scores2 = jnp.where(iota == i1, -1.0, scores)
    m2 = jnp.max(scores2, axis=1, keepdims=True)
    i2 = jnp.min(jnp.where(scores2 == m2, iota, E), axis=1, keepdims=True)
    denom = m1 + m2 + 1e-20
    idx_ref[...] = jnp.concatenate([i1, i2], axis=1)
    w_ref[...] = jnp.concatenate([m1 / denom, m2 / denom], axis=1) * SCALE


def _router(x, wr):
    bt = 512
    return pl.pallas_call(
        _router_body,
        grid=(T // bt,),
        in_specs=[
            pl.BlockSpec((bt, H), lambda i: (i, 0)),
            pl.BlockSpec((E, H), lambda i: (0, 0)),
        ],
        out_specs=[
            pl.BlockSpec((bt, K), lambda i: (i, 0)),
            pl.BlockSpec((bt, K), lambda i: (i, 0)),
        ],
        out_shape=[
            jax.ShapeDtypeStruct((T, K), jnp.int32),
            jax.ShapeDtypeStruct((T, K), jnp.float32),
        ],
    )(x, wr)


_MR = 64
_MC = 128


def _metadata_body(e2d_ref, pos_ref, bex_ref):
    e2d = e2d_ref[...]
    r = lax.broadcasted_iota(jnp.int32, (_MC, _MC), 0)
    c = lax.broadcasted_iota(jnp.int32, (_MC, _MC), 1)
    upper_incl = (r <= c).astype(jnp.float32)
    r2 = lax.broadcasted_iota(jnp.int32, (_MR, _MR), 0)
    c2 = lax.broadcasted_iota(jnp.int32, (_MR, _MR), 1)
    lower_strict = (c2 < r2).astype(jnp.float32)

    counts = []
    for e in range(E):
        counts.append(jnp.sum((e2d == e).astype(jnp.float32)))
    pb = []
    acc = jnp.int32(0)
    blk_starts = []
    for e in range(E):
        blk_starts.append(acc)
        pb.append(acc * BT)
        nb = (counts[e].astype(jnp.int32) + (BT - 1)) // BT
        acc = acc + nb
    total_blocks = acc

    pos = jnp.zeros((_MR, _MC), jnp.float32)
    for e in range(E):
        m = (e2d == e).astype(jnp.float32)
        incl = lax.dot_general(m, upper_incl, (((1,), (0,)), ((), ())),
                               preferred_element_type=jnp.float32)
        tot = jnp.sum(m, axis=1, keepdims=True)
        ro = lax.dot_general(lower_strict, tot, (((1,), (0,)), ((), ())),
                             preferred_element_type=jnp.float32)
        rank = ro + incl - 1.0
        pos = pos + m * (pb[e].astype(jnp.float32) + rank)
    pos_ref[...] = pos.astype(jnp.int32)

    b_iota = lax.broadcasted_iota(jnp.int32, (1, NBLK), 1)
    bex = jnp.zeros((1, NBLK), jnp.int32)
    last_e = jnp.int32(-1)
    for e in range(E):
        bex = bex + (b_iota >= blk_starts[e]).astype(jnp.int32)
        last_e = last_e + (blk_starts[e] < total_blocks).astype(jnp.int32)
    bex = bex - 1
    bex_ref[0:1, :] = jnp.where(b_iota >= total_blocks, last_e, bex)
    bex_ref[1:2, :] = jnp.full((1, NBLK), 1, jnp.int32) * total_blocks


def _metadata(e2d):
    return pl.pallas_call(
        _metadata_body,
        in_specs=[pl.BlockSpec((_MR, _MC), lambda: (0, 0))],
        out_specs=[
            pl.BlockSpec((_MR, _MC), lambda: (0, 0)),
            pl.BlockSpec((2, NBLK), lambda: (0, 0)),
        ],
        out_shape=[
            jax.ShapeDtypeStruct((_MR, _MC), jnp.int32),
            jax.ShapeDtypeStruct((2, NBLK), jnp.int32),
        ],
    )(e2d)


def _sc_mesh():
    return plsc.VectorSubcoreMesh(core_axis_name="c", subcore_axis_name="s",
                                  num_cores=NC, num_subcores=NS)


def _sc_dispatch(x, pe, po):
    @functools.partial(
        pl.kernel,
        out_type=jax.ShapeDtypeStruct((PAD, H), jnp.float32),
        mesh=_sc_mesh(),
        scratch_types=[
            pltpu.VMEM((DCH, CHUNK), jnp.int32),
            pltpu.VMEM((DCH, CHUNK), jnp.int32),
            pltpu.VMEM((CHUNK, H), jnp.float32),
            pltpu.VMEM((CHUNK, H), jnp.float32),
            pltpu.VMEM((CHUNK, H), jnp.float32),
            pltpu.SemaphoreType.DMA,
            pltpu.SemaphoreType.DMA,
        ],
    )
    def body(x_hbm, pe_hbm, po_hbm, xs_hbm, pe_v, po_v, rows0, rows1, rows2,
             gsem, ssem):
        wid = lax.axis_index("s") * NC + lax.axis_index("c")
        tokbase = wid * TOK_PER_W
        pltpu.sync_copy(pe_hbm.at[wid], pe_v)
        pltpu.sync_copy(po_hbm.at[wid], po_v)
        rows = [rows0, rows1, rows2]
        gd = [None, None, None]
        sd = [None] * DCH
        gd[0] = pltpu.async_copy(x_hbm.at[pl.ds(tokbase, CHUNK)], rows[0], gsem)
        gd[1] = pltpu.async_copy(x_hbm.at[pl.ds(tokbase + CHUNK, CHUNK)],
                                 rows[1], gsem)
        for j in range(DCH):
            if j + 2 < DCH:
                if j >= 1:
                    sd[j - 1][0].wait()
                    sd[j - 1][1].wait()
                gd[(j + 2) % 3] = pltpu.async_copy(
                    x_hbm.at[pl.ds(tokbase + (j + 2) * CHUNK, CHUNK)],
                    rows[(j + 2) % 3], gsem)
            gd[j % 3].wait()
            sd[j] = (pltpu.async_copy(rows[j % 3], xs_hbm.at[pe_v.at[j]], ssem),
                     pltpu.async_copy(rows[j % 3], xs_hbm.at[po_v.at[j]], ssem))
        for j in range(DCH):
            if sd[j] is not None and j >= DCH - 3:
                sd[j][0].wait()
                sd[j][1].wait()

    return body(x, pe, po)


def _sc_combine(ys, posk):
    @functools.partial(
        pl.kernel,
        out_type=jax.ShapeDtypeStruct((NSLOT, H), jnp.float32),
        mesh=_sc_mesh(),
        scratch_types=[
            pltpu.VMEM((CCH, CHUNK), jnp.int32),
            pltpu.VMEM((CHUNK, H), jnp.float32),
            pltpu.VMEM((CHUNK, H), jnp.float32),
            pltpu.VMEM((CHUNK, H), jnp.float32),
            pltpu.SemaphoreType.DMA,
            pltpu.SemaphoreType.DMA,
        ],
    )
    def body(ys_hbm, posk_hbm, yg_hbm, pos_v, rows0, rows1, rows2, gsem, wsem):
        wid = lax.axis_index("s") * NC + lax.axis_index("c")
        base = wid * SLOT_PER_W
        pltpu.sync_copy(posk_hbm.at[wid], pos_v)
        rows = [rows0, rows1, rows2]
        gd = [None, None, None]
        wd = [None] * CCH
        gd[0] = pltpu.async_copy(ys_hbm.at[pos_v.at[0]], rows[0], gsem)
        gd[1] = pltpu.async_copy(ys_hbm.at[pos_v.at[1]], rows[1], gsem)
        for j in range(CCH):
            if j + 2 < CCH:
                if j >= 1:
                    wd[j - 1].wait()
                gd[(j + 2) % 3] = pltpu.async_copy(
                    ys_hbm.at[pos_v.at[j + 2]], rows[(j + 2) % 3], gsem)
            gd[j % 3].wait()
            wd[j] = pltpu.async_copy(rows[j % 3],
                                     yg_hbm.at[pl.ds(base + j * CHUNK, CHUNK)],
                                     wsem)
        for j in range(CCH - 3, CCH):
            wd[j].wait()

    return body(ys, posk)


def _grouped_body(meta_ref, xs_ref, wg_ref, wu_ref, wd_ref, ys_ref):
    b = pl.program_id(0)

    @pl.when(b < meta_ref[NBLK])
    def _():
        xb = xs_ref[...]
        g = lax.dot_general(xb, wg_ref[0], (((1,), (1,)), ((), ())),
                            preferred_element_type=jnp.float32)
        u = lax.dot_general(xb, wu_ref[0], (((1,), (1,)), ((), ())),
                            preferred_element_type=jnp.float32)
        h = g * _sigmoid(g) * u
        ys_ref[...] = lax.dot_general(h, wd_ref[0], (((1,), (1,)), ((), ())),
                                      preferred_element_type=jnp.float32)


def _row_map(b, meta):
    return (jnp.where(b < meta[NBLK], b, meta[NBLK] - 1), 0)


def _grouped_mlp(xs, wg, wu, wd, meta):
    grid_spec = pltpu.PrefetchScalarGridSpec(
        num_scalar_prefetch=1,
        grid=(NBLK,),
        in_specs=[
            pl.BlockSpec((BT, H), _row_map),
            pl.BlockSpec((1, F, H), lambda b, meta: (meta[b], 0, 0)),
            pl.BlockSpec((1, F, H), lambda b, meta: (meta[b], 0, 0)),
            pl.BlockSpec((1, H, F), lambda b, meta: (meta[b], 0, 0)),
        ],
        out_specs=pl.BlockSpec((BT, H), _row_map),
    )
    return pl.pallas_call(
        _grouped_body,
        grid_spec=grid_spec,
        out_shape=jax.ShapeDtypeStruct((PAD, H), jnp.float32),
    )(meta, xs, wg, wu, wd)


def _final_body(x_ref, yg_ref, w_ref, sg_ref, su_ref, sd_ref, out_ref):
    xb = x_ref[...]
    g = lax.dot_general(xb, sg_ref[...], (((1,), (1,)), ((), ())),
                        preferred_element_type=jnp.float32)
    u = lax.dot_general(xb, su_ref[...], (((1,), (1,)), ((), ())),
                        preferred_element_type=jnp.float32)
    h = g * _sigmoid(g) * u
    sh = lax.dot_general(h, sd_ref[...], (((1,), (1,)), ((), ())),
                         preferred_element_type=jnp.float32)
    w = w_ref[...]
    out_ref[...] = sh + w[:, 0:1] * yg_ref[0] + w[:, 1:2] * yg_ref[1]


def _final(x, yg, w, sg, su, sd):
    bt = 256
    return pl.pallas_call(
        _final_body,
        grid=(T // bt,),
        in_specs=[
            pl.BlockSpec((bt, H), lambda i: (i, 0)),
            pl.BlockSpec((K, bt, H), lambda i: (0, i, 0)),
            pl.BlockSpec((bt, K), lambda i: (i, 0)),
            pl.BlockSpec((F, H), lambda i: (0, 0)),
            pl.BlockSpec((F, H), lambda i: (0, 0)),
            pl.BlockSpec((H, F), lambda i: (0, 0)),
        ],
        out_specs=pl.BlockSpec((bt, H), lambda i: (i, 0)),
        out_shape=jax.ShapeDtypeStruct((T, H), jnp.float32),
    )(x, yg, w, sg, su, sd)


def kernel(hidden_states, router_weight, expert_gate, expert_up, expert_down,
           shared_gate, shared_up, shared_down):
    bsz, seq, h = hidden_states.shape
    x = hidden_states.reshape(-1, h)

    topk_idx, topk_w = _router(x, router_weight)
    pos2d, meta2d = _metadata(topk_idx.reshape(_MR, _MC))
    meta = meta2d.reshape(2 * NBLK)
    pos_kt = pos2d.reshape(T, K).T
    pe = pos_kt[0].reshape(NW, DCH, CHUNK)
    po = pos_kt[1].reshape(NW, DCH, CHUNK)
    posk = pos_kt.reshape(NW, CCH, CHUNK)

    xs = _sc_dispatch(x, pe, po)
    ys = _grouped_mlp(xs, expert_gate, expert_up, expert_down, meta)
    yg = _sc_combine(ys, posk)

    out = _final(x, yg.reshape(K, T, H), topk_w,
                 shared_gate, shared_up, shared_down)
    return out.reshape(bsz, seq, h)

# --- scband reference (transcript-rebuilt; emitter-appended) ---
"""Pipeline reference for scband-open-pangu-mo-e-9620726743828 (READ-ONLY COPY).

The authoritative reference and input builder live on the scoring server;
editing this copy changes nothing except your own understanding.
"""

import jax, jax.numpy as jnp
import numpy as np

E = 16
TOP_K = 2
H = 1024
F = 512  # moe_intermediate_size
SF = 512  # shared expert intermediate = moe_intermediate_size * num_shared_experts
SCALE = 2.5
B = 2
S = 2048


def _mlp(x, wg, wu, wd):
    # LlamaMLP: down_proj(silu(gate_proj(x)) * up_proj(x)); nn.Linear weight is [out, in]
    return (jax.nn.silu(x @ wg.T) * (x @ wu.T)) @ wd.T


def setup_inputs(seed: int = 0) -> dict:
    key = jax.random.key(seed)
    ks = jax.random.split(key, 8)
    return {
        "hidden_states": jax.random.normal(ks[0], (B, S, H), dtype=jnp.float32),
        "router_weight": jax.random.normal(ks[1], (E, H), dtype=jnp.float32) * 0.02,
        "expert_gate": jax.random.normal(ks[2], (E, F, H), dtype=jnp.float32) * 0.02,
        "expert_up": jax.random.normal(ks[3], (E, F, H), dtype=jnp.float32) * 0.02,
        "expert_down": jax.random.normal(ks[4], (E, H, F), dtype=jnp.float32) * 0.02,
        "shared_gate": jax.random.normal(ks[5], (SF, H), dtype=jnp.float32) * 0.02,
        "shared_up": jax.random.normal(ks[6], (SF, H), dtype=jnp.float32) * 0.02,
        "shared_down": jax.random.normal(ks[7], (H, SF), dtype=jnp.float32) * 0.02,
    }


def reference(hidden_states, router_weight, expert_gate, expert_up, expert_down,
              shared_gate, shared_up, shared_down):
    bsz, seq, h = hidden_states.shape
    # shared experts path
    shared_out = _mlp(hidden_states, shared_gate, shared_up, shared_down)
    x = hidden_states.reshape(-1, h)
    # gate: fp32 linear -> sigmoid -> topk
    logits = x.astype(jnp.float32) @ router_weight.astype(jnp.float32).T
    scores = jax.nn.sigmoid(logits)
    topk_w, topk_idx = jax.lax.top_k(scores, TOP_K)
    denom = topk_w.sum(axis=-1, keepdims=True) + 1e-20
    topk_w = topk_w / denom * SCALE
    # dispatch: each token-slot is handled by exactly one expert; accumulate
    # per-expert MLP outputs under a fixed-shape mask
    flat = topk_idx.reshape(-1)
    num_slots = x.shape[0] * TOP_K
    slot_token = jnp.arange(num_slots) // TOP_K
    num_experts = expert_gate.shape[0]
    final = jnp.zeros((num_slots, h), dtype=x.dtype)
    for i in range(num_experts):
        out_i = _mlp(x, expert_gate[i], expert_up[i], expert_down[i])
        mask = (flat == i)[:, None]
        final = final + jnp.where(mask, out_i[slot_token], jnp.zeros((), dtype=x.dtype))
    final = (final.reshape(-1, TOP_K, h) * topk_w[..., None]).sum(axis=1)
    final = final.reshape(bsz, seq, h)
    return final + shared_out

if __name__ == "__main__":
    import jax
    _d = setup_inputs()
    print(jax.jit(kernel)(*tuple(_d.values())))

</pallas_src>

<mosaic_0001>
#map = affine_map<(d0, d1) -> (0, 0)>
#map1 = affine_map<(d0, d1) -> (0, 0, 0)>
module attributes {stable_mosaic.version = 14 : i64} {
  func.func @body(%arg0: i32, %arg1: i32, %arg2: memref<12288x1024xf32, #tpu.memory_space<hbm>>, %arg3: memref<32x8x32xi32, #tpu.memory_space<hbm>>, %arg4: memref<8192x1024xf32, #tpu.memory_space<hbm>>, %arg5: memref<8x32xi32, #tpu.memory_space<vmem>>, %arg6: memref<32x1024xf32, #tpu.memory_space<vmem>>, %arg7: memref<32x1024xf32, #tpu.memory_space<vmem>>, %arg8: memref<32x1024xf32, #tpu.memory_space<vmem>>, %arg9: memref<!tpu.dma_semaphore, #tpu.memory_space<semaphore_mem>>, %arg10: memref<!tpu.dma_semaphore, #tpu.memory_space<semaphore_mem>>) attributes {dimension_semantics = [#tpu.dimension_semantics<core_parallel>, #tpu.dimension_semantics<subcore_parallel>], iteration_bounds = array<i64: 2, 16>, scalar_prefetch = 0 : i64, scratch_operands = 6 : i64, tpu.core_type = #tpu.core_type<sc_vector_subcore>, window_params = [{transform_indices = #map}, {transform_indices = #map1}, {transform_indices = #map}]} {
    %mul3A = arith.constant 2 : i32
    %mul3A_0 = arith.muli %arg1, %mul3A : i32
    %add3A = arith.addi %mul3A_0, %arg0 : i32
    %mul3A_1 = arith.constant 256 : i32
    %mul3A_2 = arith.muli %add3A, %mul3A_1 : i32
    "tpu.region"() ({
      %run_scoped3A = tpu.sem_alloc : memref<!tpu.dma_semaphore, #tpu.memory_space<semaphore_mem>>
      %dma_start3A_193 = arith.constant 0 : i32
      %dma_start3A_194 = arith.constant 0 : i32
      %dma_start3A_195 = tpu.memref_slice %arg3[%add3A, %dma_start3A_193, %dma_start3A_194] : memref<32x8x32xi32, #tpu.memory_space<hbm>> -> memref<1x8x32xi32, #tpu.memory_space<hbm>>
      %dma_start3A_196 = tpu.memref_squeeze %dma_start3A_195 : memref<1x8x32xi32, #tpu.memory_space<hbm>> -> memref<8x32xi32, #tpu.memory_space<hbm>>
      %dma_start3A_197 = arith.constant 0 : i32
      %dma_start3A_198 = arith.constant 0 : i32
      %dma_start3A_199 = tpu.memref_slice %arg3[%add3A, %dma_start3A_197, %dma_start3A_198] : memref<32x8x32xi32, #tpu.memory_space<hbm>> -> memref<1x8x32xi32, #tpu.memory_space<hbm>>
      %dma_start3A_200 = tpu.memref_squeeze %dma_start3A_199 : memref<1x8x32xi32, #tpu.memory_space<hbm>> -> memref<8x32xi32, #tpu.memory_space<hbm>>
      tpu.enqueue_dma source(%dma_start3A_200 : memref<8x32xi32, #tpu.memory_space<hbm>>) target(%arg5 : memref<8x32xi32, #tpu.memory_space<vmem>>) target_semaphore(%run_scoped3A : memref<!tpu.dma_semaphore, #tpu.memory_space<semaphore_mem>>)
      %dma_wait3A_201 = arith.constant 0 : i32
      %dma_wait3A_202 = arith.constant 0 : i32
      %dma_wait3A_203 = tpu.memref_slice %arg3[%add3A, %dma_wait3A_201, %dma_wait3A_202] : memref<32x8x32xi32, #tpu.memory_space<hbm>> -> memref<1x8x32xi32, #tpu.memory_space<hbm>>
      %dma_wait3A_204 = tpu.memref_squeeze %dma_wait3A_203 : memref<1x8x32xi32, #tpu.memory_space<hbm>> -> memref<8x32xi32, #tpu.memory_space<hbm>>
      %dma_wait3A_205 = arith.constant 0 : i32
      %dma_wait3A_206 = arith.constant 0 : i32
      %dma_wait3A_207 = tpu.memref_slice %arg3[%add3A, %dma_wait3A_205, %dma_wait3A_206] : memref<32x8x32xi32, #tpu.memory_space<hbm>> -> memref<1x8x32xi32, #tpu.memory_space<hbm>>
      %dma_wait3A_208 = tpu.memref_squeeze %dma_wait3A_207 : memref<1x8x32xi32, #tpu.memory_space<hbm>> -> memref<8x32xi32, #tpu.memory_space<hbm>>
      tpu.wait_dma2 semaphore(%run_scoped3A : memref<!tpu.dma_semaphore, #tpu.memory_space<semaphore_mem>>) src(%dma_wait3A_208 : memref<8x32xi32, #tpu.memory_space<hbm>>) dst(%arg5 : memref<8x32xi32, #tpu.memory_space<vmem>>)
      tpu.yield
    }) : () -> ()
    %dma_start3A = arith.constant 0 : i32
    %dma_start3A_3 = arith.constant 0 : i32
    %dma_start3A_4 = tpu.memref_slice %arg5[%dma_start3A, %dma_start3A_3] : memref<8x32xi32, #tpu.memory_space<vmem>> -> memref<1x32xi32, #tpu.memory_space<vmem>>
    %dma_start3A_5 = tpu.memref_squeeze %dma_start3A_4 : memref<1x32xi32, #tpu.memory_space<vmem>> -> memref<32xi32, #tpu.memory_space<vmem>>
    %dma_start3A_6 = arith.constant 0 : i32
    %dma_start3A_7 = arith.constant 0 : i32
    %dma_start3A_8 = tpu.memref_slice %arg2[%dma_start3A_6, %dma_start3A_7] : memref<12288x1024xf32, #tpu.memory_space<hbm>> -> memref<12288x1024xf32, #tpu.memory_space<hbm>>
    tpu.enqueue_indirect_dma source(%dma_start3A_8 : memref<12288x1024xf32, #tpu.memory_space<hbm>>) target(%arg6 : memref<32x1024xf32, #tpu.memory_space<vmem>>) offsets(%dma_start3A_5 : memref<32xi32, #tpu.memory_space<vmem>>) semaphore(%arg9 : memref<!tpu.dma_semaphore, #tpu.memory_space<semaphore_mem>>)
    %dma_start3A_9 = arith.constant 1 : i32
    %dma_start3A_10 = arith.constant 0 : i32
    %dma_start3A_11 = tpu.memref_slice %arg5[%dma_start3A_9, %dma_start3A_10] : memref<8x32xi32, #tpu.memory_space<vmem>> -> memref<1x32xi32, #tpu.memory_space<vmem>>
    %dma_start3A_12 = tpu.memref_squeeze %dma_start3A_11 : memref<1x32xi32, #tpu.memory_space<vmem>> -> memref<32xi32, #tpu.memory_space<vmem>>
    %dma_start3A_13 = arith.constant 0 : i32
    %dma_start3A_14 = arith.constant 0 : i32
    %dma_start3A_15 = tpu.memref_slice %arg2[%dma_start3A_13, %dma_start3A_14] : memref<12288x1024xf32, #tpu.memory_space<hbm>> -> memref<12288x1024xf32, #tpu.memory_space<hbm>>
    tpu.enqueue_indirect_dma source(%dma_start3A_15 : memref<12288x1024xf32, #tpu.memory_space<hbm>>) target(%arg7 : memref<32x1024xf32, #tpu.memory_space<vmem>>) offsets(%dma_start3A_12 : memref<32xi32, #tpu.memory_space<vmem>>) semaphore(%arg9 : memref<!tpu.dma_semaphore, #tpu.memory_space<semaphore_mem>>)
    %dma_start3A_16 = arith.constant 2 : i32
    %dma_start3A_17 = arith.constant 0 : i32
    %dma_start3A_18 = tpu.memref_slice %arg5[%dma_start3A_16, %dma_start3A_17] : memref<8x32xi32, #tpu.memory_space<vmem>> -> memref<1x32xi32, #tpu.memory_space<vmem>>
    %dma_start3A_19 = tpu.memref_squeeze %dma_start3A_18 : memref<1x32xi32, #tpu.memory_space<vmem>> -> memref<32xi32, #tpu.memory_space<vmem>>
    %dma_start3A_20 = arith.constant 0 : i32
    %dma_start3A_21 = arith.constant 0 : i32
    %dma_start3A_22 = tpu.memref_slice %arg2[%dma_start3A_20, %dma_start3A_21] : memref<12288x1024xf32, #tpu.memory_space<hbm>> -> memref<12288x1024xf32, #tpu.memory_space<hbm>>
    tpu.enqueue_indirect_dma source(%dma_start3A_22 : memref<12288x1024xf32, #tpu.memory_space<hbm>>) target(%arg8 : memref<32x1024xf32, #tpu.memory_space<vmem>>) offsets(%dma_start3A_19 : memref<32xi32, #tpu.memory_space<vmem>>) semaphore(%arg9 : memref<!tpu.dma_semaphore, #tpu.memory_space<semaphore_mem>>)
    %dma_wait3A = arith.constant 0 : i32
    %dma_wait3A_23 = arith.constant 0 : i32
    %dma_wait3A_24 = tpu.memref_slice %arg5[%dma_wait3A, %dma_wait3A_23] : memref<8x32xi32, #tpu.memory_space<vmem>> -> memref<1x32xi32, #tpu.memory_space<vmem>>
    %dma_wait3A_25 = tpu.memref_squeeze %dma_wait3A_24 : memref<1x32xi32, #tpu.memory_space<vmem>> -> memref<32xi32, #tpu.memory_space<vmem>>
    %dma_wait3A_26 = arith.constant 0 : i32
    %dma_wait3A_27 = arith.constant 0 : i32
    %dma_wait3A_28 = tpu.memref_slice %arg2[%dma_wait3A_26, %dma_wait3A_27] : memref<12288x1024xf32, #tpu.memory_space<hbm>> -> memref<12288x1024xf32, #tpu.memory_space<hbm>>
    tpu.wait_indirect_dma semaphore(%arg9 : memref<!tpu.dma_semaphore, #tpu.memory_space<semaphore_mem>>) src(%dma_wait3A_28 : memref<12288x1024xf32, #tpu.memory_space<hbm>>) dst(%arg6 : memref<32x1024xf32, #tpu.memory_space<vmem>>)
    %add3A_29 = arith.constant 0 : i32
    %add3A_30 = arith.addi %mul3A_2, %add3A_29 : i32
    %dma_start3A_31 = arith.constant 0 : i32
    %dma_start3A_32 = tpu.memref_slice %arg4[%add3A_30, %dma_start3A_31] : memref<8192x1024xf32, #tpu.memory_space<hbm>> -> memref<32x1024xf32, #tpu.memory_space<hbm>>
    %dma_start3A_33 = arith.constant 0 : i32
    %dma_start3A_34 = tpu.memref_slice %arg4[%add3A_30, %dma_start3A_33] : memref<8192x1024xf32, #tpu.memory_space<hbm>> -> memref<32x1024xf32, #tpu.memory_space<hbm>>
    tpu.enqueue_dma source(%arg6 : memref<32x1024xf32, #tpu.memory_space<vmem>>) target(%dma_start3A_34 : memref<32x1024xf32, #tpu.memory_space<hbm>>) target_semaphore(%arg10 : memref<!tpu.dma_semaphore, #tpu.memory_space<semaphore_mem>>)
    %dma_wait3A_35 = arith.constant 0 : i32
    %dma_wait3A_36 = tpu.memref_slice %arg4[%add3A_30, %dma_wait3A_35] : memref<8192x1024xf32, #tpu.memory_space<hbm>> -> memref<32x1024xf32, #tpu.memory_space<hbm>>
    %dma_wait3A_37 = arith.constant 0 : i32
    %dma_wait3A_38 = tpu.memref_slice %arg4[%add3A_30, %dma_wait3A_37] : memref<8192x1024xf32, #tpu.memory_space<hbm>> -> memref<32x1024xf32, #tpu.memory_space<hbm>>
    tpu.wait_dma2 semaphore(%arg10 : memref<!tpu.dma_semaphore, #tpu.memory_space<semaphore_mem>>) src(%arg6 : memref<32x1024xf32, #tpu.memory_space<vmem>>) dst(%dma_wait3A_38 : memref<32x1024xf32, #tpu.memory_space<hbm>>)
    %dma_start3A_39 = arith.constant 3 : i32
    %dma_start3A_40 = arith.constant 0 : i32
    %dma_start3A_41 = tpu.memref_slice %arg5[%dma_start3A_39, %dma_start3A_40] : memref<8x32xi32, #tpu.memory_space<vmem>> -> memref<1x32xi32, #tpu.memory_space<vmem>>
    %dma_start3A_42 = tpu.memref_squeeze %dma_start3A_41 : memref<1x32xi32, #tpu.memory_space<vmem>> -> memref<32xi32, #tpu.memory_space<vmem>>
    %dma_start3A_43 = arith.constant 0 : i32
    %dma_start3A_44 = arith.constant 0 : i32
    %dma_start3A_45 = tpu.memref_slice %arg2[%dma_start3A_43, %dma_start3A_44] : memref<12288x1024xf32, #tpu.memory_space<hbm>> -> memref<12288x1024xf32, #tpu.memory_space<hbm>>
    tpu.enqueue_indirect_dma source(%dma_start3A_45 : memref<12288x1024xf32, #tpu.memory_space<hbm>>) target(%arg6 : memref<32x1024xf32, #tpu.memory_space<vmem>>) offsets(%dma_start3A_42 : memref<32xi32, #tpu.memory_space<vmem>>) semaphore(%arg9 : memref<!tpu.dma_semaphore, #tpu.memory_space<semaphore_mem>>)
    %dma_wait3A_46 = arith.constant 1 : i32
    %dma_wait3A_47 = arith.constant 0 : i32
    %dma_wait3A_48 = tpu.memref_slice %arg5[%dma_wait3A_46, %dma_wait3A_47] : memref<8x32xi32, #tpu.memory_space<vmem>> -> memref<1x32xi32, #tpu.memory_space<vmem>>
    %dma_wait3A_49 = tpu.memref_squeeze %dma_wait3A_48 : memref<1x32xi32, #tpu.memory_space<vmem>> -> memref<32xi32, #tpu.memory_space<vmem>>
    %dma_wait3A_50 = arith.constant 0 : i32
    %dma_wait3A_51 = arith.constant 0 : i32
    %dma_wait3A_52 = tpu.memref_slice %arg2[%dma_wait3A_50, %dma_wait3A_51] : memref<12288x1024xf32, #tpu.memory_space<hbm>> -> memref<12288x1024xf32, #tpu.memory_space<hbm>>
    tpu.wait_indirect_dma semaphore(%arg9 : memref<!tpu.dma_semaphore, #tpu.memory_space<semaphore_mem>>) src(%dma_wait3A_52 : memref<12288x1024xf32, #tpu.memory_space<hbm>>) dst(%arg7 : memref<32x1024xf32, #tpu.memory_space<vmem>>)
    %add3A_53 = arith.constant 32 : i32
    %add3A_54 = arith.addi %mul3A_2, %add3A_53 : i32
    %dma_start3A_55 = arith.constant 0 : i32
    %dma_start3A_56 = tpu.memref_slice %arg4[%add3A_54, %dma_start3A_55] : memref<8192x1024xf32, #tpu.memory_space<hbm>> -> memref<32x1024xf32, #tpu.memory_space<hbm>>
    %dma_start3A_57 = arith.constant 0 : i32
    %dma_start3A_58 = tpu.memref_slice %arg4[%add3A_54, %dma_start3A_57] : memref<8192x1024xf32, #tpu.memory_space<hbm>> -> memref<32x1024xf32, #tpu.memory_space<hbm>>
    tpu.enqueue_dma source(%arg7 : memref<32x1024xf32, #tpu.memory_space<vmem>>) target(%dma_start3A_58 : memref<32x1024xf32, #tpu.memory_space<hbm>>) target_semaphore(%arg10 : memref<!tpu.dma_semaphore, #tpu.memory_space<semaphore_mem>>)
    %dma_wait3A_59 = arith.constant 0 : i32
    %dma_wait3A_60 = tpu.memref_slice %arg4[%add3A_54, %dma_wait3A_59] : memref<8192x1024xf32, #tpu.memory_space<hbm>> -> memref<32x1024xf32, #tpu.memory_space<hbm>>
    %dma_wait3A_61 = arith.constant 0 : i32
    %dma_wait3A_62 = tpu.memref_slice %arg4[%add3A_54, %dma_wait3A_61] : memref<8192x1024xf32, #tpu.memory_space<hbm>> -> memref<32x1024xf32, #tpu.memory_space<hbm>>
    tpu.wait_dma2 semaphore(%arg10 : memref<!tpu.dma_semaphore, #tpu.memory_space<semaphore_mem>>) src(%arg7 : memref<32x1024xf32, #tpu.memory_space<vmem>>) dst(%dma_wait3A_62 : memref<32x1024xf32, #tpu.memory_space<hbm>>)
    %dma_start3A_63 = arith.constant 4 : i32
    %dma_start3A_64 = arith.constant 0 : i32
    %dma_start3A_65 = tpu.memref_slice %arg5[%dma_start3A_63, %dma_start3A_64] : memref<8x32xi32, #tpu.memory_space<vmem>> -> memref<1x32xi32, #tpu.memory_space<vmem>>
    %dma_start3A_66 = tpu.memref_squeeze %dma_start3A_65 : memref<1x32xi32, #tpu.memory_space<vmem>> -> memref<32xi32, #tpu.memory_space<vmem>>
    %dma_start3A_67 = arith.constant 0 : i32
    %dma_start3A_68 = arith.constant 0 : i32
    %dma_start3A_69 = tpu.memref_slice %arg2[%dma_start3A_67, %dma_start3A_68] : memref<12288x1024xf32, #tpu.memory_space<hbm>> -> memref<12288x1024xf32, #tpu.memory_space<hbm>>
    tpu.enqueue_indirect_dma source(%dma_start3A_69 : memref<12288x1024xf32, #tpu.memory_space<hbm>>) target(%arg7 : memref<32x1024xf32, #tpu.memory_space<vmem>>) offsets(%dma_start3A_66 : memref<32xi32, #tpu.memory_space<vmem>>) semaphore(%arg9 : memref<!tpu.dma_semaphore, #tpu.memory_space<semaphore_mem>>)
    %dma_wait3A_70 = arith.constant 2 : i32
    %dma_wait3A_71 = arith.constant 0 : i32
    %dma_wait3A_72 = tpu.memref_slice %arg5[%dma_wait3A_70, %dma_wait3A_71] : memref<8x32xi32, #tpu.memory_space<vmem>> -> memref<1x32xi32, #tpu.memory_space<vmem>>
    %dma_wait3A_73 = tpu.memref_squeeze %dma_wait3A_72 : memref<1x32xi32, #tpu.memory_space<vmem>> -> memref<32xi32, #tpu.memory_space<vmem>>
    %dma_wait3A_74 = arith.constant 0 : i32
    %dma_wait3A_75 = arith.constant 0 : i32
    %dma_wait3A_76 = tpu.memref_slice %arg2[%dma_wait3A_74, %dma_wait3A_75] : memref<12288x1024xf32, #tpu.memory_space<hbm>> -> memref<12288x1024xf32, #tpu.memory_space<hbm>>
    tpu.wait_indirect_dma semaphore(%arg9 : memref<!tpu.dma_semaphore, #tpu.memory_space<semaphore_mem>>) src(%dma_wait3A_76 : memref<12288x1024xf32, #tpu.memory_space<hbm>>) dst(%arg8 : memref<32x1024xf32, #tpu.memory_space<vmem>>)
    %add3A_77 = arith.constant 64 : i32
    %add3A_78 = arith.addi %mul3A_2, %add3A_77 : i32
    %dma_start3A_79 = arith.constant 0 : i32
    %dma_start3A_80 = tpu.memref_slice %arg4[%add3A_78, %dma_start3A_79] : memref<8192x1024xf32, #tpu.memory_space<hbm>> -> memref<32x1024xf32, #tpu.memory_space<hbm>>
    %dma_start3A_81 = arith.constant 0 : i32
    %dma_start3A_82 = tpu.memref_slice %arg4[%add3A_78, %dma_start3A_81] : memref<8192x1024xf32, #tpu.memory_space<hbm>> -> memref<32x1024xf32, #tpu.memory_space<hbm>>
    tpu.enqueue_dma source(%arg8 : memref<32x1024xf32, #tpu.memory_space<vmem>>) target(%dma_start3A_82 : memref<32x1024xf32, #tpu.memory_space<hbm>>) target_semaphore(%arg10 : memref<!tpu.dma_semaphore, #tpu.memory_space<semaphore_mem>>)
    %dma_wait3A_83 = arith.constant 0 : i32
    %dma_wait3A_84 = tpu.memref_slice %arg4[%add3A_78, %dma_wait3A_83] : memref<8192x1024xf32, #tpu.memory_space<hbm>> -> memref<32x1024xf32, #tpu.memory_space<hbm>>
    %dma_wait3A_85 = arith.constant 0 : i32
    %dma_wait3A_86 = tpu.memref_slice %arg4[%add3A_78, %dma_wait3A_85] : memref<8192x1024xf32, #tpu.memory_space<hbm>> -> memref<32x1024xf32, #tpu.memory_space<hbm>>
    tpu.wait_dma2 semaphore(%arg10 : memref<!tpu.dma_semaphore, #tpu.memory_space<semaphore_mem>>) src(%arg8 : memref<32x1024xf32, #tpu.memory_space<vmem>>) dst(%dma_wait3A_86 : memref<32x1024xf32, #tpu.memory_space<hbm>>)
    %dma_start3A_87 = arith.constant 5 : i32
    %dma_start3A_88 = arith.constant 0 : i32
    %dma_start3A_89 = tpu.memref_slice %arg5[%dma_start3A_87, %dma_start3A_88] : memref<8x32xi32, #tpu.memory_space<vmem>> -> memref<1x32xi32, #tpu.memory_space<vmem>>
    %dma_start3A_90 = tpu.memref_squeeze %dma_start3A_89 : memref<1x32xi32, #tpu.memory_space<vmem>> -> memref<32xi32, #tpu.memory_space<vmem>>
    %dma_start3A_91 = arith.constant 0 : i32
    %dma_start3A_92 = arith.constant 0 : i32
    %dma_start3A_93 = tpu.memref_slice %arg2[%dma_start3A_91, %dma_start3A_92] : memref<12288x1024xf32, #tpu.memory_space<hbm>> -> memref<12288x1024xf32, #tpu.memory_space<hbm>>
    tpu.enqueue_indirect_dma source(%dma_start3A_93 : memref<12288x1024xf32, #tpu.memory_space<hbm>>) target(%arg8 : memref<32x1024xf32, #tpu.memory_space<vmem>>) offsets(%dma_start3A_90 : memref<32xi32, #tpu.memory_space<vmem>>) semaphore(%arg9 : memref<!tpu.dma_semaphore, #tpu.memory_space<semaphore_mem>>)
    %dma_wait3A_94 = arith.constant 3 : i32
    %dma_wait3A_95 = arith.constant 0 : i32
    %dma_wait3A_96 = tpu.memref_slice %arg5[%dma_wait3A_94, %dma_wait3A_95] : memref<8x32xi32, #tpu.memory_space<vmem>> -> memref<1x32xi32, #tpu.memory_space<vmem>>
    %dma_wait3A_97 = tpu.memref_squeeze %dma_wait3A_96 : memref<1x32xi32, #tpu.memory_space<vmem>> -> memref<32xi32, #tpu.memory_space<vmem>>
    %dma_wait3A_98 = arith.constant 0 : i32
    %dma_wait3A_99 = arith.constant 0 : i32
    %dma_wait3A_100 = tpu.memref_slice %arg2[%dma_wait3A_98, %dma_wait3A_99] : memref<12288x1024xf32, #tpu.memory_space<hbm>> -> memref<12288x1024xf32, #tpu.memory_space<hbm>>
    tpu.wait_indirect_dma semaphore(%arg9 : memref<!tpu.dma_semaphore, #tpu.memory_space<semaphore_mem>>) src(%dma_wait3A_100 : memref<12288x1024xf32, #tpu.memory_space<hbm>>) dst(%arg6 : memref<32x1024xf32, #tpu.memory_space<vmem>>)
    %add3A_101 = arith.constant 96 : i32
    %add3A_102 = arith.addi %mul3A_2, %add3A_101 : i32
    %dma_start3A_103 = arith.constant 0 : i32
    %dma_start3A_104 = tpu.memref_slice %arg4[%add3A_102, %dma_start3A_103] : memref<8192x1024xf32, #tpu.memory_space<hbm>> -> memref<32x1024xf32, #tpu.memory_space<hbm>>
    %dma_start3A_105 = arith.constant 0 : i32
    %dma_start3A_106 = tpu.memref_slice %arg4[%add3A_102, %dma_start3A_105] : memref<8192x1024xf32, #tpu.memory_space<hbm>> -> memref<32x1024xf32, #tpu.memory_space<hbm>>
    tpu.enqueue_dma source(%arg6 : memref<32x1024xf32, #tpu.memory_space<vmem>>) target(%dma_start3A_106 : memref<32x1024xf32, #tpu.memory_space<hbm>>) target_semaphore(%arg10 : memref<!tpu.dma_semaphore, #tpu.memory_space<semaphore_mem>>)
    %dma_wait3A_107 = arith.constant 0 : i32
    %dma_wait3A_108 = tpu.memref_slice %arg4[%add3A_102, %dma_wait3A_107] : memref<8192x1024xf32, #tpu.memory_space<hbm>> -> memref<32x1024xf32, #tpu.memory_space<hbm>>
    %dma_wait3A_109 = arith.constant 0 : i32
    %dma_wait3A_110 = tpu.memref_slice %arg4[%add3A_102, %dma_wait3A_109] : memref<8192x1024xf32, #tpu.memory_space<hbm>> -> memref<32x1024xf32, #tpu.memory_space<hbm>>
    tpu.wait_dma2 semaphore(%arg10 : memref<!tpu.dma_semaphore, #tpu.memory_space<semaphore_mem>>) src(%arg6 : memref<32x1024xf32, #tpu.memory_space<vmem>>) dst(%dma_wait3A_110 : memref<32x1024xf32, #tpu.memory_space<hbm>>)
    %dma_start3A_111 = arith.constant 6 : i32
    %dma_start3A_112 = arith.constant 0 : i32
    %dma_start3A_113 = tpu.memref_slice %arg5[%dma_start3A_111, %dma_start3A_112] : memref<8x32xi32, #tpu.memory_space<vmem>> -> memref<1x32xi32, #tpu.memory_space<vmem>>
    %dma_start3A_114 = tpu.memref_squeeze %dma_start3A_113 : memref<1x32xi32, #tpu.memory_space<vmem>> -> memref<32xi32, #tpu.memory_space<vmem>>
    %dma_start3A_115 = arith.constant 0 : i32
    %dma_start3A_116 = arith.constant 0 : i32
    %dma_start3A_117 = tpu.memref_slice %arg2[%dma_start3A_115, %dma_start3A_116] : memref<12288x1024xf32, #tpu.memory_space<hbm>> -> memref<12288x1024xf32, #tpu.memory_space<hbm>>
    tpu.enqueue_indirect_dma source(%dma_start3A_117 : memref<12288x1024xf32, #tpu.memory_space<hbm>>) target(%arg6 : memref<32x1024xf32, #tpu.memory_space<vmem>>) offsets(%dma_start3A_114 : memref<32xi32, #tpu.memory_space<vmem>>) semaphore(%arg9 : memref<!tpu.dma_semaphore, #tpu.memory_space<semaphore_mem>>)
    %dma_wait3A_118 = arith.constant 4 : i32
    %dma_wait3A_119 = arith.constant 0 : i32
    %dma_wait3A_120 = tpu.memref_slice %arg5[%dma_wait3A_118, %dma_wait3A_119] : memref<8x32xi32, #tpu.memory_space<vmem>> -> memref<1x32xi32, #tpu.memory_space<vmem>>
    %dma_wait3A_121 = tpu.memref_squeeze %dma_wait3A_120 : memref<1x32xi32, #tpu.memory_space<vmem>> -> memref<32xi32, #tpu.memory_space<vmem>>
    %dma_wait3A_122 = arith.constant 0 : i32
    %dma_wait3A_123 = arith.constant 0 : i32
    %dma_wait3A_124 = tpu.memref_slice %arg2[%dma_wait3A_122, %dma_wait3A_123] : memref<12288x1024xf32, #tpu.memory_space<hbm>> -> memref<12288x1024xf32, #tpu.memory_space<hbm>>
    tpu.wait_indirect_dma semaphore(%arg9 : memref<!tpu.dma_semaphore, #tpu.memory_space<semaphore_mem>>) src(%dma_wait3A_124 : memref<12288x1024xf32, #tpu.memory_space<hbm>>) dst(%arg7 : memref<32x1024xf32, #tpu.memory_space<vmem>>)
    %add3A_125 = arith.constant 128 : i32
    %add3A_126 = arith.addi %mul3A_2, %add3A_125 : i32
    %dma_start3A_127 = arith.constant 0 : i32
    %dma_start3A_128 = tpu.memref_slice %arg4[%add3A_126, %dma_start3A_127] : memref<8192x1024xf32, #tpu.memory_space<hbm>> -> memref<32x1024xf32, #tpu.memory_space<hbm>>
    %dma_start3A_129 = arith.constant 0 : i32
    %dma_start3A_130 = tpu.memref_slice %arg4[%add3A_126, %dma_start3A_129] : memref<8192x1024xf32, #tpu.memory_space<hbm>> -> memref<32x1024xf32, #tpu.memory_space<hbm>>
    tpu.enqueue_dma source(%arg7 : memref<32x1024xf32, #tpu.memory_space<vmem>>) target(%dma_start3A_130 : memref<32x1024xf32, #tpu.memory_space<hbm>>) target_semaphore(%arg10 : memref<!tpu.dma_semaphore, #tpu.memory_space<semaphore_mem>>)
    %dma_wait3A_131 = arith.constant 0 : i32
    %dma_wait3A_132 = tpu.memref_slice %arg4[%add3A_126, %dma_wait3A_131] : memref<8192x1024xf32, #tpu.memory_space<hbm>> -> memref<32x1024xf32, #tpu.memory_space<hbm>>
    %dma_wait3A_133 = arith.constant 0 : i32
    %dma_wait3A_134 = tpu.memref_slice %arg4[%add3A_126, %dma_wait3A_133] : memref<8192x1024xf32, #tpu.memory_space<hbm>> -> memref<32x1024xf32, #tpu.memory_space<hbm>>
    tpu.wait_dma2 semaphore(%arg10 : memref<!tpu.dma_semaphore, #tpu.memory_space<semaphore_mem>>) src(%arg7 : memref<32x1024xf32, #tpu.memory_space<vmem>>) dst(%dma_wait3A_134 : memref<32x1024xf32, #tpu.memory_space<hbm>>)
    %dma_start3A_135 = arith.constant 7 : i32
    %dma_start3A_136 = arith.constant 0 : i32
    %dma_start3A_137 = tpu.memref_slice %arg5[%dma_start3A_135, %dma_start3A_136] : memref<8x32xi32, #tpu.memory_space<vmem>> -> memref<1x32xi32, #tpu.memory_space<vmem>>
    %dma_start3A_138 = tpu.memref_squeeze %dma_start3A_137 : memref<1x32xi32, #tpu.memory_space<vmem>> -> memref<32xi32, #tpu.memory_space<vmem>>
    %dma_start3A_139 = arith.constant 0 : i32
    %dma_start3A_140 = arith.constant 0 : i32
    %dma_start3A_141 = tpu.memref_slice %arg2[%dma_start3A_139, %dma_start3A_140] : memref<12288x1024xf32, #tpu.memory_space<hbm>> -> memref<12288x1024xf32, #tpu.memory_space<hbm>>
    tpu.enqueue_indirect_dma source(%dma_start3A_141 : memref<12288x1024xf32, #tpu.memory_space<hbm>>) target(%arg7 : memref<32x1024xf32, #tpu.memory_space<vmem>>) offsets(%dma_start3A_138 : memref<32xi32, #tpu.memory_space<vmem>>) semaphore(%arg9 : memref<!tpu.dma_semaphore, #tpu.memory_space<semaphore_mem>>)
    %dma_wait3A_142 = arith.constant 5 : i32
    %dma_wait3A_143 = arith.constant 0 : i32
    %dma_wait3A_144 = tpu.memref_slice %arg5[%dma_wait3A_142, %dma_wait3A_143] : memref<8x32xi32, #tpu.memory_space<vmem>> -> memref<1x32xi32, #tpu.memory_space<vmem>>
    %dma_wait3A_145 = tpu.memref_squeeze %dma_wait3A_144 : memref<1x32xi32, #tpu.memory_space<vmem>> -> memref<32xi32, #tpu.memory_space<vmem>>
    %dma_wait3A_146 = arith.constant 0 : i32
    %dma_wait3A_147 = arith.constant 0 : i32
    %dma_wait3A_148 = tpu.memref_slice %arg2[%dma_wait3A_146, %dma_wait3A_147] : memref<12288x1024xf32, #tpu.memory_space<hbm>> -> memref<12288x1024xf32, #tpu.memory_space<hbm>>
    tpu.wait_indirect_dma semaphore(%arg9 : memref<!tpu.dma_semaphore, #tpu.memory_space<semaphore_mem>>) src(%dma_wait3A_148 : memref<12288x1024xf32, #tpu.memory_space<hbm>>) dst(%arg8 : memref<32x1024xf32, #tpu.memory_space<vmem>>)
    %add3A_149 = arith.constant 160 : i32
    %add3A_150 = arith.addi %mul3A_2, %add3A_149 : i32
    %dma_start3A_151 = arith.constant 0 : i32
    %dma_start3A_152 = tpu.memref_slice %arg4[%add3A_150, %dma_start3A_151] : memref<8192x1024xf32, #tpu.memory_space<hbm>> -> memref<32x1024xf32, #tpu.memory_space<hbm>>
    %dma_start3A_153 = arith.constant 0 : i32
    %dma_start3A_154 = tpu.memref_slice %arg4[%add3A_150, %dma_start3A_153] : memref<8192x1024xf32, #tpu.memory_space<hbm>> -> memref<32x1024xf32, #tpu.memory_space<hbm>>
    tpu.enqueue_dma source(%arg8 : memref<32x1024xf32, #tpu.memory_space<vmem>>) target(%dma_start3A_154 : memref<32x1024xf32, #tpu.memory_space<hbm>>) target_semaphore(%arg10 : memref<!tpu.dma_semaphore, #tpu.memory_space<semaphore_mem>>)
    %dma_wait3A_155 = arith.constant 6 : i32
    %dma_wait3A_156 = arith.constant 0 : i32
    %dma_wait3A_157 = tpu.memref_slice %arg5[%dma_wait3A_155, %dma_wait3A_156] : memref<8x32xi32, #tpu.memory_space<vmem>> -> memref<1x32xi32, #tpu.memory_space<vmem>>
    %dma_wait3A_158 = tpu.memref_squeeze %dma_wait3A_157 : memref<1x32xi32, #tpu.memory_space<vmem>> -> memref<32xi32, #tpu.memory_space<vmem>>
    %dma_wait3A_159 = arith.constant 0 : i32
    %dma_wait3A_160 = arith.constant 0 : i32
    %dma_wait3A_161 = tpu.memref_slice %arg2[%dma_wait3A_159, %dma_wait3A_160] : memref<12288x1024xf32, #tpu.memory_space<hbm>> -> memref<12288x1024xf32, #tpu.memory_space<hbm>>
    tpu.wait_indirect_dma semaphore(%arg9 : memref<!tpu.dma_semaphore, #tpu.memory_space<semaphore_mem>>) src(%dma_wait3A_161 : memref<12288x1024xf32, #tpu.memory_space<hbm>>) dst(%arg6 : memref<32x1024xf32, #tpu.memory_space<vmem>>)
    %add3A_162 = arith.constant 192 : i32
    %add3A_163 = arith.addi %mul3A_2, %add3A_162 : i32
    %dma_start3A_164 = arith.constant 0 : i32
    %dma_start3A_165 = tpu.memref_slice %arg4[%add3A_163, %dma_start3A_164] : memref<8192x1024xf32, #tpu.memory_space<hbm>> -> memref<32x1024xf32, #tpu.memory_space<hbm>>
    %dma_start3A_166 = arith.constant 0 : i32
    %dma_start3A_167 = tpu.memref_slice %arg4[%add3A_163, %dma_start3A_166] : memref<8192x1024xf32, #tpu.memory_space<hbm>> -> memref<32x1024xf32, #tpu.memory_space<hbm>>
    tpu.enqueue_dma source(%arg6 : memref<32x1024xf32, #tpu.memory_space<vmem>>) target(%dma_start3A_167 : memref<32x1024xf32, #tpu.memory_space<hbm>>) target_semaphore(%arg10 : memref<!tpu.dma_semaphore, #tpu.memory_space<semaphore_mem>>)
    %dma_wait3A_168 = arith.constant 7 : i32
    %dma_wait3A_169 = arith.constant 0 : i32
    %dma_wait3A_170 = tpu.memref_slice %arg5[%dma_wait3A_168, %dma_wait3A_169] : memref<8x32xi32, #tpu.memory_space<vmem>> -> memref<1x32xi32, #tpu.memory_space<vmem>>
    %dma_wait3A_171 = tpu.memref_squeeze %dma_wait3A_170 : memref<1x32xi32, #tpu.memory_space<vmem>> -> memref<32xi32, #tpu.memory_space<vmem>>
    %dma_wait3A_172 = arith.constant 0 : i32
    %dma_wait3A_173 = arith.constant 0 : i32
    %dma_wait3A_174 = tpu.memref_slice %arg2[%dma_wait3A_172, %dma_wait3A_173] : memref<12288x1024xf32, #tpu.memory_space<hbm>> -> memref<12288x1024xf32, #tpu.memory_space<hbm>>
    tpu.wait_indirect_dma semaphore(%arg9 : memref<!tpu.dma_semaphore, #tpu.memory_space<semaphore_mem>>) src(%dma_wait3A_174 : memref<12288x1024xf32, #tpu.memory_space<hbm>>) dst(%arg7 : memref<32x1024xf32, #tpu.memory_space<vmem>>)
    %add3A_175 = arith.constant 224 : i32
    %add3A_176 = arith.addi %mul3A_2, %add3A_175 : i32
    %dma_start3A_177 = arith.constant 0 : i32
    %dma_start3A_178 = tpu.memref_slice %arg4[%add3A_176, %dma_start3A_177] : memref<8192x1024xf32, #tpu.memory_space<hbm>> -> memref<32x1024xf32, #tpu.memory_space<hbm>>
    %dma_start3A_179 = arith.constant 0 : i32
    %dma_start3A_180 = tpu.memref_slice %arg4[%add3A_176, %dma_start3A_179] : memref<8192x1024xf32, #tpu.memory_space<hbm>> -> memref<32x1024xf32, #tpu.memory_space<hbm>>
    tpu.enqueue_dma source(%arg7 : memref<32x1024xf32, #tpu.memory_space<vmem>>) target(%dma_start3A_180 : memref<32x1024xf32, #tpu.memory_space<hbm>>) target_semaphore(%arg10 : memref<!tpu.dma_semaphore, #tpu.memory_space<semaphore_mem>>)
    %dma_wait3A_181 = arith.constant 0 : i32
    %dma_wait3A_182 = tpu.memref_slice %arg4[%add3A_150, %dma_wait3A_181] : memref<8192x1024xf32, #tpu.memory_space<hbm>> -> memref<32x1024xf32, #tpu.memory_space<hbm>>
    %dma_wait3A_183 = arith.constant 0 : i32
    %dma_wait3A_184 = tpu.memref_slice %arg4[%add3A_150, %dma_wait3A_183] : memref<8192x1024xf32, #tpu.memory_space<hbm>> -> memref<32x1024xf32, #tpu.memory_space<hbm>>
    tpu.wait_dma2 semaphore(%arg10 : memref<!tpu.dma_semaphore, #tpu.memory_space<semaphore_mem>>) src(%arg8 : memref<32x1024xf32, #tpu.memory_space<vmem>>) dst(%dma_wait3A_184 : memref<32x1024xf32, #tpu.memory_space<hbm>>)
    %dma_wait3A_185 = arith.constant 0 : i32
    %dma_wait3A_186 = tpu.memref_slice %arg4[%add3A_163, %dma_wait3A_185] : memref<8192x1024xf32, #tpu.memory_space<hbm>> -> memref<32x1024xf32, #tpu.memory_space<hbm>>
    %dma_wait3A_187 = arith.constant 0 : i32
    %dma_wait3A_188 = tpu.memref_slice %arg4[%add3A_163, %dma_wait3A_187] : memref<8192x1024xf32, #tpu.memory_space<hbm>> -> memref<32x1024xf32, #tpu.memory_space<hbm>>
    tpu.wait_dma2 semaphore(%arg10 : memref<!tpu.dma_semaphore, #tpu.memory_space<semaphore_mem>>) src(%arg6 : memref<32x1024xf32, #tpu.memory_space<vmem>>) dst(%dma_wait3A_188 : memref<32x1024xf32, #tpu.memory_space<hbm>>)
    %dma_wait3A_189 = arith.constant 0 : i32
    %dma_wait3A_190 = tpu.memref_slice %arg4[%add3A_176, %dma_wait3A_189] : memref<8192x1024xf32, #tpu.memory_space<hbm>> -> memref<32x1024xf32, #tpu.memory_space<hbm>>
    %dma_wait3A_191 = arith.constant 0 : i32
    %dma_wait3A_192 = tpu.memref_slice %arg4[%add3A_176, %dma_wait3A_191] : memref<8192x1024xf32, #tpu.memory_space<hbm>> -> memref<32x1024xf32, #tpu.memory_space<hbm>>
    tpu.wait_dma2 semaphore(%arg10 : memref<!tpu.dma_semaphore, #tpu.memory_space<semaphore_mem>>) src(%arg7 : memref<32x1024xf32, #tpu.memory_space<vmem>>) dst(%dma_wait3A_192 : memref<32x1024xf32, #tpu.memory_space<hbm>>)
    return
  }
}

#map = affine_map<(d0, d1) -> (0, 0)>
#map1 = affine_map<(d0, d1) -> (0, 0, 0)>
module attributes {stable_mosaic.version = 14 : i64} {
  func.func @body(%arg0: i32, %arg1: i32, %arg2: memref<4096x1024xf32, #tpu.memory_space<hbm>>, %arg3: memref<32x4x32xi32, #tpu.memory_space<hbm>>, %arg4: memref<32x4x32xi32, #tpu.memory_space<hbm>>, %arg5: memref<12288x1024xf32, #tpu.memory_space<hbm>>, %arg6: memref<4x32xi32, #tpu.memory_space<vmem>>, %arg7: memref<4x32xi32, #tpu.memory_space<vmem>>, %arg8: memref<32x1024xf32, #tpu.memory_space<vmem>>, %arg9: memref<32x1024xf32, #tpu.memory_space<vmem>>, %arg10: memref<32x1024xf32, #tpu.memory_space<vmem>>, %arg11: memref<!tpu.dma_semaphore, #tpu.memory_space<semaphore_mem>>, %arg12: memref<!tpu.dma_semaphore, #tpu.memory_space<semaphore_mem>>) attributes {dimension_semantics = [#tpu.dimension_semantics<core_parallel>, #tpu.dimension_semantics<subcore_parallel>], iteration_bounds = array<i64: 2, 16>, scalar_prefetch = 0 : i64, scratch_operands = 7 : i64, tpu.core_type = #tpu.core_type<sc_vector_subcore>, window_params = [{transform_indices = #map}, {transform_indices = #map1}, {transform_indices = #map1}, {transform_indices = #map}]} {
    %mul3A = arith.constant 2 : i32
    %mul3A_0 = arith.muli %arg1, %mul3A : i32
    %add3A = arith.addi %mul3A_0, %arg0 : i32
    %mul3A_1 = arith.constant 128 : i32
    %mul3A_2 = arith.muli %add3A, %mul3A_1 : i32
    "tpu.region"() ({
      %run_scoped3A = tpu.sem_alloc : memref<!tpu.dma_semaphore, #tpu.memory_space<semaphore_mem>>
      %dma_start3A_151 = arith.constant 0 : i32
      %dma_start3A_152 = arith.constant 0 : i32
      %dma_start3A_153 = tpu.memref_slice %arg3[%add3A, %dma_start3A_151, %dma_start3A_152] : memref<32x4x32xi32, #tpu.memory_space<hbm>> -> memref<1x4x32xi32, #tpu.memory_space<hbm>>
      %dma_start3A_154 = tpu.memref_squeeze %dma_start3A_153 : memref<1x4x32xi32, #tpu.memory_space<hbm>> -> memref<4x32xi32, #tpu.memory_space<hbm>>
      %dma_start3A_155 = arith.constant 0 : i32
      %dma_start3A_156 = arith.constant 0 : i32
      %dma_start3A_157 = tpu.memref_slice %arg3[%add3A, %dma_start3A_155, %dma_start3A_156] : memref<32x4x32xi32, #tpu.memory_space<hbm>> -> memref<1x4x32xi32, #tpu.memory_space<hbm>>
      %dma_start3A_158 = tpu.memref_squeeze %dma_start3A_157 : memref<1x4x32xi32, #tpu.memory_space<hbm>> -> memref<4x32xi32, #tpu.memory_space<hbm>>
      tpu.enqueue_dma source(%dma_start3A_158 : memref<4x32xi32, #tpu.memory_space<hbm>>) target(%arg6 : memref<4x32xi32, #tpu.memory_space<vmem>>) target_semaphore(%run_scoped3A : memref<!tpu.dma_semaphore, #tpu.memory_space<semaphore_mem>>)
      %dma_wait3A_159 = arith.constant 0 : i32
      %dma_wait3A_160 = arith.constant 0 : i32
      %dma_wait3A_161 = tpu.memref_slice %arg3[%add3A, %dma_wait3A_159, %dma_wait3A_160] : memref<32x4x32xi32, #tpu.memory_space<hbm>> -> memref<1x4x32xi32, #tpu.memory_space<hbm>>
      %dma_wait3A_162 = tpu.memref_squeeze %dma_wait3A_161 : memref<1x4x32xi32, #tpu.memory_space<hbm>> -> memref<4x32xi32, #tpu.memory_space<hbm>>
      %dma_wait3A_163 = arith.constant 0 : i32
      %dma_wait3A_164 = arith.constant 0 : i32
      %dma_wait3A_165 = tpu.memref_slice %arg3[%add3A, %dma_wait3A_163, %dma_wait3A_164] : memref<32x4x32xi32, #tpu.memory_space<hbm>> -> memref<1x4x32xi32, #tpu.memory_space<hbm>>
      %dma_wait3A_166 = tpu.memref_squeeze %dma_wait3A_165 : memref<1x4x32xi32, #tpu.memory_space<hbm>> -> memref<4x32xi32, #tpu.memory_space<hbm>>
      tpu.wait_dma2 semaphore(%run_scoped3A : memref<!tpu.dma_semaphore, #tpu.memory_space<semaphore_mem>>) src(%dma_wait3A_166 : memref<4x32xi32, #tpu.memory_space<hbm>>) dst(%arg6 : memref<4x32xi32, #tpu.memory_space<vmem>>)
      tpu.yield
    }) : () -> ()
    "tpu.region"() ({
      %run_scoped3A = tpu.sem_alloc : memref<!tpu.dma_semaphore, #tpu.memory_space<semaphore_mem>>
      %dma_start3A_151 = arith.constant 0 : i32
      %dma_start3A_152 = arith.constant 0 : i32
      %dma_start3A_153 = tpu.memref_slice %arg4[%add3A, %dma_start3A_151, %dma_start3A_152] : memref<32x4x32xi32, #tpu.memory_space<hbm>> -> memref<1x4x32xi32, #tpu.memory_space<hbm>>
      %dma_start3A_154 = tpu.memref_squeeze %dma_start3A_153 : memref<1x4x32xi32, #tpu.memory_space<hbm>> -> memref<4x32xi32, #tpu.memory_space<hbm>>
      %dma_start3A_155 = arith.constant 0 : i32
      %dma_start3A_156 = arith.constant 0 : i32
      %dma_start3A_157 = tpu.memref_slice %arg4[%add3A, %dma_start3A_155, %dma_start3A_156] : memref<32x4x32xi32, #tpu.memory_space<hbm>> -> memref<1x4x32xi32, #tpu.memory_space<hbm>>
      %dma_start3A_158 = tpu.memref_squeeze %dma_start3A_157 : memref<1x4x32xi32, #tpu.memory_space<hbm>> -> memref<4x32xi32, #tpu.memory_space<hbm>>
      tpu.enqueue_dma source(%dma_start3A_158 : memref<4x32xi32, #tpu.memory_space<hbm>>) target(%arg7 : memref<4x32xi32, #tpu.memory_space<vmem>>) target_semaphore(%run_scoped3A : memref<!tpu.dma_semaphore, #tpu.memory_space<semaphore_mem>>)
      %dma_wait3A_159 = arith.constant 0 : i32
      %dma_wait3A_160 = arith.constant 0 : i32
      %dma_wait3A_161 = tpu.memref_slice %arg4[%add3A, %dma_wait3A_159, %dma_wait3A_160] : memref<32x4x32xi32, #tpu.memory_space<hbm>> -> memref<1x4x32xi32, #tpu.memory_space<hbm>>
      %dma_wait3A_162 = tpu.memref_squeeze %dma_wait3A_161 : memref<1x4x32xi32, #tpu.memory_space<hbm>> -> memref<4x32xi32, #tpu.memory_space<hbm>>
      %dma_wait3A_163 = arith.constant 0 : i32
      %dma_wait3A_164 = arith.constant 0 : i32
      %dma_wait3A_165 = tpu.memref_slice %arg4[%add3A, %dma_wait3A_163, %dma_wait3A_164] : memref<32x4x32xi32, #tpu.memory_space<hbm>> -> memref<1x4x32xi32, #tpu.memory_space<hbm>>
      %dma_wait3A_166 = tpu.memref_squeeze %dma_wait3A_165 : memref<1x4x32xi32, #tpu.memory_space<hbm>> -> memref<4x32xi32, #tpu.memory_space<hbm>>
      tpu.wait_dma2 semaphore(%run_scoped3A : memref<!tpu.dma_semaphore, #tpu.memory_space<semaphore_mem>>) src(%dma_wait3A_166 : memref<4x32xi32, #tpu.memory_space<hbm>>) dst(%arg7 : memref<4x32xi32, #tpu.memory_space<vmem>>)
      tpu.yield
    }) : () -> ()
    %dma_start3A = arith.constant 0 : i32
    %dma_start3A_3 = tpu.memref_slice %arg2[%mul3A_2, %dma_start3A] : memref<4096x1024xf32, #tpu.memory_space<hbm>> -> memref<32x1024xf32, #tpu.memory_space<hbm>>
    %dma_start3A_4 = arith.constant 0 : i32
    %dma_start3A_5 = tpu.memref_slice %arg2[%mul3A_2, %dma_start3A_4] : memref<4096x1024xf32, #tpu.memory_space<hbm>> -> memref<32x1024xf32, #tpu.memory_space<hbm>>
    tpu.enqueue_dma source(%dma_start3A_5 : memref<32x1024xf32, #tpu.memory_space<hbm>>) target(%arg8 : memref<32x1024xf32, #tpu.memory_space<vmem>>) target_semaphore(%arg11 : memref<!tpu.dma_semaphore, #tpu.memory_space<semaphore_mem>>)
    %add3A_6 = arith.constant 32 : i32
    %add3A_7 = arith.addi %mul3A_2, %add3A_6 : i32
    %dma_start3A_8 = arith.constant 0 : i32
    %dma_start3A_9 = tpu.memref_slice %arg2[%add3A_7, %dma_start3A_8] : memref<4096x1024xf32, #tpu.memory_space<hbm>> -> memref<32x1024xf32, #tpu.memory_space<hbm>>
    %dma_start3A_10 = arith.constant 0 : i32
    %dma_start3A_11 = tpu.memref_slice %arg2[%add3A_7, %dma_start3A_10] : memref<4096x1024xf32, #tpu.memory_space<hbm>> -> memref<32x1024xf32, #tpu.memory_space<hbm>>
    tpu.enqueue_dma source(%dma_start3A_11 : memref<32x1024xf32, #tpu.memory_space<hbm>>) target(%arg9 : memref<32x1024xf32, #tpu.memory_space<vmem>>) target_semaphore(%arg11 : memref<!tpu.dma_semaphore, #tpu.memory_space<semaphore_mem>>)
    %add3A_12 = arith.constant 64 : i32
    %add3A_13 = arith.addi %mul3A_2, %add3A_12 : i32
    %dma_start3A_14 = arith.constant 0 : i32
    %dma_start3A_15 = tpu.memref_slice %arg2[%add3A_13, %dma_start3A_14] : memref<4096x1024xf32, #tpu.memory_space<hbm>> -> memref<32x1024xf32, #tpu.memory_space<hbm>>
    %dma_start3A_16 = arith.constant 0 : i32
    %dma_start3A_17 = tpu.memref_slice %arg2[%add3A_13, %dma_start3A_16] : memref<4096x1024xf32, #tpu.memory_space<hbm>> -> memref<32x1024xf32, #tpu.memory_space<hbm>>
    tpu.enqueue_dma source(%dma_start3A_17 : memref<32x1024xf32, #tpu.memory_space<hbm>>) target(%arg10 : memref<32x1024xf32, #tpu.memory_space<vmem>>) target_semaphore(%arg11 : memref<!tpu.dma_semaphore, #tpu.memory_space<semaphore_mem>>)
    %dma_wait3A = arith.constant 0 : i32
    %dma_wait3A_18 = tpu.memref_slice %arg2[%mul3A_2, %dma_wait3A] : memref<4096x1024xf32, #tpu.memory_space<hbm>> -> memref<32x1024xf32, #tpu.memory_space<hbm>>
    %dma_wait3A_19 = arith.constant 0 : i32
    %dma_wait3A_20 = tpu.memref_slice %arg2[%mul3A_2, %dma_wait3A_19] : memref<4096x1024xf32, #tpu.memory_space<hbm>> -> memref<32x1024xf32, #tpu.memory_space<hbm>>
    tpu.wait_dma2 semaphore(%arg11 : memref<!tpu.dma_semaphore, #tpu.memory_space<semaphore_mem>>) src(%dma_wait3A_20 : memref<32x1024xf32, #tpu.memory_space<hbm>>) dst(%arg8 : memref<32x1024xf32, #tpu.memory_space<vmem>>)
    %dma_start3A_21 = arith.constant 0 : i32
    %dma_start3A_22 = arith.constant 0 : i32
    %dma_start3A_23 = tpu.memref_slice %arg6[%dma_start3A_21, %dma_start3A_22] : memref<4x32xi32, #tpu.memory_space<vmem>> -> memref<1x32xi32, #tpu.memory_space<vmem>>
    %dma_start3A_24 = tpu.memref_squeeze %dma_start3A_23 : memref<1x32xi32, #tpu.memory_space<vmem>> -> memref<32xi32, #tpu.memory_space<vmem>>
    %dma_start3A_25 = arith.constant 0 : i32
    %dma_start3A_26 = arith.constant 0 : i32
    %dma_start3A_27 = tpu.memref_slice %arg5[%dma_start3A_25, %dma_start3A_26] : memref<12288x1024xf32, #tpu.memory_space<hbm>> -> memref<12288x1024xf32, #tpu.memory_space<hbm>>
    tpu.enqueue_indirect_dma source(%arg8 : memref<32x1024xf32, #tpu.memory_space<vmem>>) target(%dma_start3A_27 : memref<12288x1024xf32, #tpu.memory_space<hbm>>) offsets(%dma_start3A_24 : memref<32xi32, #tpu.memory_space<vmem>>) semaphore(%arg12 : memref<!tpu.dma_semaphore, #tpu.memory_space<semaphore_mem>>)
    %dma_start3A_28 = arith.constant 0 : i32
    %dma_start3A_29 = arith.constant 0 : i32
    %dma_start3A_30 = tpu.memref_slice %arg7[%dma_start3A_28, %dma_start3A_29] : memref<4x32xi32, #tpu.memory_space<vmem>> -> memref<1x32xi32, #tpu.memory_space<vmem>>
    %dma_start3A_31 = tpu.memref_squeeze %dma_start3A_30 : memref<1x32xi32, #tpu.memory_space<vmem>> -> memref<32xi32, #tpu.memory_space<vmem>>
    %dma_start3A_32 = arith.constant 0 : i32
    %dma_start3A_33 = arith.constant 0 : i32
    %dma_start3A_34 = tpu.memref_slice %arg5[%dma_start3A_32, %dma_start3A_33] : memref<12288x1024xf32, #tpu.memory_space<hbm>> -> memref<12288x1024xf32, #tpu.memory_space<hbm>>
    tpu.enqueue_indirect_dma source(%arg8 : memref<32x1024xf32, #tpu.memory_space<vmem>>) target(%dma_start3A_34 : memref<12288x1024xf32, #tpu.memory_space<hbm>>) offsets(%dma_start3A_31 : memref<32xi32, #tpu.memory_space<vmem>>) semaphore(%arg12 : memref<!tpu.dma_semaphore, #tpu.memory_space<semaphore_mem>>)
    %dma_wait3A_35 = arith.constant 0 : i32
    %dma_wait3A_36 = arith.constant 0 : i32
    %dma_wait3A_37 = tpu.memref_slice %arg6[%dma_wait3A_35, %dma_wait3A_36] : memref<4x32xi32, #tpu.memory_space<vmem>> -> memref<1x32xi32, #tpu.memory_space<vmem>>
    %dma_wait3A_38 = tpu.memref_squeeze %dma_wait3A_37 : memref<1x32xi32, #tpu.memory_space<vmem>> -> memref<32xi32, #tpu.memory_space<vmem>>
    %dma_wait3A_39 = arith.constant 0 : i32
    %dma_wait3A_40 = arith.constant 0 : i32
    %dma_wait3A_41 = tpu.memref_slice %arg5[%dma_wait3A_39, %dma_wait3A_40] : memref<12288x1024xf32, #tpu.memory_space<hbm>> -> memref<12288x1024xf32, #tpu.memory_space<hbm>>
    tpu.wait_indirect_dma semaphore(%arg12 : memref<!tpu.dma_semaphore, #tpu.memory_space<semaphore_mem>>) src(%arg8 : memref<32x1024xf32, #tpu.memory_space<vmem>>) dst(%dma_wait3A_41 : memref<12288x1024xf32, #tpu.memory_space<hbm>>)
    %dma_wait3A_42 = arith.constant 0 : i32
    %dma_wait3A_43 = arith.constant 0 : i32
    %dma_wait3A_44 = tpu.memref_slice %arg7[%dma_wait3A_42, %dma_wait3A_43] : memref<4x32xi32, #tpu.memory_space<vmem>> -> memref<1x32xi32, #tpu.memory_space<vmem>>
    %dma_wait3A_45 = tpu.memref_squeeze %dma_wait3A_44 : memref<1x32xi32, #tpu.memory_space<vmem>> -> memref<32xi32, #tpu.memory_space<vmem>>
    %dma_wait3A_46 = arith.constant 0 : i32
    %dma_wait3A_47 = arith.constant 0 : i32
    %dma_wait3A_48 = tpu.memref_slice %arg5[%dma_wait3A_46, %dma_wait3A_47] : memref<12288x1024xf32, #tpu.memory_space<hbm>> -> memref<12288x1024xf32, #tpu.memory_space<hbm>>
    tpu.wait_indirect_dma semaphore(%arg12 : memref<!tpu.dma_semaphore, #tpu.memory_space<semaphore_mem>>) src(%arg8 : memref<32x1024xf32, #tpu.memory_space<vmem>>) dst(%dma_wait3A_48 : memref<12288x1024xf32, #tpu.memory_space<hbm>>)
    %add3A_49 = arith.constant 96 : i32
    %add3A_50 = arith.addi %mul3A_2, %add3A_49 : i32
    %dma_start3A_51 = arith.constant 0 : i32
    %dma_start3A_52 = tpu.memref_slice %arg2[%add3A_50, %dma_start3A_51] : memref<4096x1024xf32, #tpu.memory_space<hbm>> -> memref<32x1024xf32, #tpu.memory_space<hbm>>
    %dma_start3A_53 = arith.constant 0 : i32
    %dma_start3A_54 = tpu.memref_slice %arg2[%add3A_50, %dma_start3A_53] : memref<4096x1024xf32, #tpu.memory_space<hbm>> -> memref<32x1024xf32, #tpu.memory_space<hbm>>
    tpu.enqueue_dma source(%dma_start3A_54 : memref<32x1024xf32, #tpu.memory_space<hbm>>) target(%arg8 : memref<32x1024xf32, #tpu.memory_space<vmem>>) target_semaphore(%arg11 : memref<!tpu.dma_semaphore, #tpu.memory_space<semaphore_mem>>)
    %dma_wait3A_55 = arith.constant 0 : i32
    %dma_wait3A_56 = tpu.memref_slice %arg2[%add3A_7, %dma_wait3A_55] : memref<4096x1024xf32, #tpu.memory_space<hbm>> -> memref<32x1024xf32, #tpu.memory_space<hbm>>
    %dma_wait3A_57 = arith.constant 0 : i32
    %dma_wait3A_58 = tpu.memref_slice %arg2[%add3A_7, %dma_wait3A_57] : memref<4096x1024xf32, #tpu.memory_space<hbm>> -> memref<32x1024xf32, #tpu.memory_space<hbm>>
    tpu.wait_dma2 semaphore(%arg11 : memref<!tpu.dma_semaphore, #tpu.memory_space<semaphore_mem>>) src(%dma_wait3A_58 : memref<32x1024xf32, #tpu.memory_space<hbm>>) dst(%arg9 : memref<32x1024xf32, #tpu.memory_space<vmem>>)
    %dma_start3A_59 = arith.constant 1 : i32
    %dma_start3A_60 = arith.constant 0 : i32
    %dma_start3A_61 = tpu.memref_slice %arg6[%dma_start3A_59, %dma_start3A_60] : memref<4x32xi32, #tpu.memory_space<vmem>> -> memref<1x32xi32, #tpu.memory_space<vmem>>
    %dma_start3A_62 = tpu.memref_squeeze %dma_start3A_61 : memref<1x32xi32, #tpu.memory_space<vmem>> -> memref<32xi32, #tpu.memory_space<vmem>>
    %dma_start3A_63 = arith.constant 0 : i32
    %dma_start3A_64 = arith.constant 0 : i32
    %dma_start3A_65 = tpu.memref_slice %arg5[%dma_start3A_63, %dma_start3A_64] : memref<12288x1024xf32, #tpu.memory_space<hbm>> -> memref<12288x1024xf32, #tpu.memory_space<hbm>>
    tpu.enqueue_indirect_dma source(%arg9 : memref<32x1024xf32, #tpu.memory_space<vmem>>) target(%dma_start3A_65 : memref<12288x1024xf32, #tpu.memory_space<hbm>>) offsets(%dma_start3A_62 : memref<32xi32, #tpu.memory_space<vmem>>) semaphore(%arg12 : memref<!tpu.dma_semaphore, #tpu.memory_space<semaphore_mem>>)
    %dma_start3A_66 = arith.constant 1 : i32
    %dma_start3A_67 = arith.constant 0 : i32
    %dma_start3A_68 = tpu.memref_slice %arg7[%dma_start3A_66, %dma_start3A_67] : memref<4x32xi32, #tpu.memory_space<vmem>> -> memref<1x32xi32, #tpu.memory_space<vmem>>
    %dma_start3A_69 = tpu.memref_squeeze %dma_start3A_68 : memref<1x32xi32, #tpu.memory_space<vmem>> -> memref<32xi32, #tpu.memory_space<vmem>>
    %dma_start3A_70 = arith.constant 0 : i32
    %dma_start3A_71 = arith.constant 0 : i32
    %dma_start3A_72 = tpu.memref_slice %arg5[%dma_start3A_70, %dma_start3A_71] : memref<12288x1024xf32, #tpu.memory_space<hbm>> -> memref<12288x1024xf32, #tpu.memory_space<hbm>>
    tpu.enqueue_indirect_dma source(%arg9 : memref<32x1024xf32, #tpu.memory_space<vmem>>) target(%dma_start3A_72 : memref<12288x1024xf32, #tpu.memory_space<hbm>>) offsets(%dma_start3A_69 : memref<32xi32, #tpu.memory_space<vmem>>) semaphore(%arg12 : memref<!tpu.dma_semaphore, #tpu.memory_space<semaphore_mem>>)
    %dma_wait3A_73 = arith.constant 0 : i32
    %dma_wait3A_74 = tpu.memref_slice %arg2[%add3A_13, %dma_wait3A_73] : memref<4096x1024xf32, #tpu.memory_space<hbm>> -> memref<32x1024xf32, #tpu.memory_space<hbm>>
    %dma_wait3A_75 = arith.constant 0 : i32
    %dma_wait3A_76 = tpu.memref_slice %arg2[%add3A_13, %dma_wait3A_75] : memref<4096x1024xf32, #tpu.memory_space<hbm>> -> memref<32x1024xf32, #tpu.memory_space<hbm>>
    tpu.wait_dma2 semaphore(%arg11 : memref<!tpu.dma_semaphore, #tpu.memory_space<semaphore_mem>>) src(%dma_wait3A_76 : memref<32x1024xf32, #tpu.memory_space<hbm>>) dst(%arg10 : memref<32x1024xf32, #tpu.memory_space<vmem>>)
    %dma_start3A_77 = arith.constant 2 : i32
    %dma_start3A_78 = arith.constant 0 : i32
    %dma_start3A_79 = tpu.memref_slice %arg6[%dma_start3A_77, %dma_start3A_78] : memref<4x32xi32, #tpu.memory_space<vmem>> -> memref<1x32xi32, #tpu.memory_space<vmem>>
    %dma_start3A_80 = tpu.memref_squeeze %dma_start3A_79 : memref<1x32xi32, #tpu.memory_space<vmem>> -> memref<32xi32, #tpu.memory_space<vmem>>
    %dma_start3A_81 = arith.constant 0 : i32
    %dma_start3A_82 = arith.constant 0 : i32
    %dma_start3A_83 = tpu.memref_slice %arg5[%dma_start3A_81, %dma_start3A_82] : memref<12288x1024xf32, #tpu.memory_space<hbm>> -> memref<12288x1024xf32, #tpu.memory_space<hbm>>
    tpu.enqueue_indirect_dma source(%arg10 : memref<32x1024xf32, #tpu.memory_space<vmem>>) target(%dma_start3A_83 : memref<12288x1024xf32, #tpu.memory_space<hbm>>) offsets(%dma_start3A_80 : memref<32xi32, #tpu.memory_space<vmem>>) semaphore(%arg12 : memref<!tpu.dma_semaphore, #tpu.memory_space<semaphore_mem>>)
    %dma_start3A_84 = arith.constant 2 : i32
    %dma_start3A_85 = arith.constant 0 : i32
    %dma_start3A_86 = tpu.memref_slice %arg7[%dma_start3A_84, %dma_start3A_85] : memref<4x32xi32, #tpu.memory_space<vmem>> -> memref<1x32xi32, #tpu.memory_space<vmem>>
    %dma_start3A_87 = tpu.memref_squeeze %dma_start3A_86 : memref<1x32xi32, #tpu.memory_space<vmem>> -> memref<32xi32, #tpu.memory_space<vmem>>
    %dma_start3A_88 = arith.constant 0 : i32
    %dma_start3A_89 = arith.constant 0 : i32
    %dma_start3A_90 = tpu.memref_slice %arg5[%dma_start3A_88, %dma_start3A_89] : memref<12288x1024xf32, #tpu.memory_space<hbm>> -> memref<12288x1024xf32, #tpu.memory_space<hbm>>
    tpu.enqueue_indirect_dma source(%arg10 : memref<32x1024xf32, #tpu.memory_space<vmem>>) target(%dma_start3A_90 : memref<12288x1024xf32, #tpu.memory_space<hbm>>) offsets(%dma_start3A_87 : memref<32xi32, #tpu.memory_space<vmem>>) semaphore(%arg12 : memref<!tpu.dma_semaphore, #tpu.memory_space<semaphore_mem>>)
    %dma_wait3A_91 = arith.constant 0 : i32
    %dma_wait3A_92 = tpu.memref_slice %arg2[%add3A_50, %dma_wait3A_91] : memref<4096x1024xf32, #tpu.memory_space<hbm>> -> memref<32x1024xf32, #tpu.memory_space<hbm>>
    %dma_wait3A_93 = arith.constant 0 : i32
    %dma_wait3A_94 = tpu.memref_slice %arg2[%add3A_50, %dma_wait3A_93] : memref<4096x1024xf32, #tpu.memory_space<hbm>> -> memref<32x1024xf32, #tpu.memory_space<hbm>>
    tpu.wait_dma2 semaphore(%arg11 : memref<!tpu.dma_semaphore, #tpu.memory_space<semaphore_mem>>) src(%dma_wait3A_94 : memref<32x1024xf32, #tpu.memory_space<hbm>>) dst(%arg8 : memref<32x1024xf32, #tpu.memory_space<vmem>>)
    %dma_start3A_95 = arith.constant 3 : i32
    %dma_start3A_96 = arith.constant 0 : i32
    %dma_start3A_97 = tpu.memref_slice %arg6[%dma_start3A_95, %dma_start3A_96] : memref<4x32xi32, #tpu.memory_space<vmem>> -> memref<1x32xi32, #tpu.memory_space<vmem>>
    %dma_start3A_98 = tpu.memref_squeeze %dma_start3A_97 : memref<1x32xi32, #tpu.memory_space<vmem>> -> memref<32xi32, #tpu.memory_space<vmem>>
    %dma_start3A_99 = arith.constant 0 : i32
    %dma_start3A_100 = arith.constant 0 : i32
    %dma_start3A_101 = tpu.memref_slice %arg5[%dma_start3A_99, %dma_start3A_100] : memref<12288x1024xf32, #tpu.memory_space<hbm>> -> memref<12288x1024xf32, #tpu.memory_space<hbm>>
    tpu.enqueue_indirect_dma source(%arg8 : memref<32x1024xf32, #tpu.memory_space<vmem>>) target(%dma_start3A_101 : memref<12288x1024xf32, #tpu.memory_space<hbm>>) offsets(%dma_start3A_98 : memref<32xi32, #tpu.memory_space<vmem>>) semaphore(%arg12 : memref<!tpu.dma_semaphore, #tpu.memory_space<semaphore_mem>>)
    %dma_start3A_102 = arith.constant 3 : i32
    %dma_start3A_103 = arith.constant 0 : i32
    %dma_start3A_104 = tpu.memref_slice %arg7[%dma_start3A_102, %dma_start3A_103] : memref<4x32xi32, #tpu.memory_space<vmem>> -> memref<1x32xi32, #tpu.memory_space<vmem>>
    %dma_start3A_105 = tpu.memref_squeeze %dma_start3A_104 : memref<1x32xi32, #tpu.memory_space<vmem>> -> memref<32xi32, #tpu.memory_space<vmem>>
    %dma_start3A_106 = arith.constant 0 : i32
    %dma_start3A_107 = arith.constant 0 : i32
    %dma_start3A_108 = tpu.memref_slice %arg5[%dma_start3A_106, %dma_start3A_107] : memref<12288x1024xf32, #tpu.memory_space<hbm>> -> memref<12288x1024xf32, #tpu.memory_space<hbm>>
    tpu.enqueue_indirect_dma source(%arg8 : memref<32x1024xf32, #tpu.memory_space<vmem>>) target(%dma_start3A_108 : memref<12288x1024xf32, #tpu.memory_space<hbm>>) offsets(%dma_start3A_105 : memref<32xi32, #tpu.memory_space<vmem>>) semaphore(%arg12 : memref<!tpu.dma_semaphore, #tpu.memory_space<semaphore_mem>>)
    %dma_wait3A_109 = arith.constant 1 : i32
    %dma_wait3A_110 = arith.constant 0 : i32
    %dma_wait3A_111 = tpu.memref_slice %arg6[%dma_wait3A_109, %dma_wait3A_110] : memref<4x32xi32, #tpu.memory_space<vmem>> -> memref<1x32xi32, #tpu.memory_space<vmem>>
    %dma_wait3A_112 = tpu.memref_squeeze %dma_wait3A_111 : memref<1x32xi32, #tpu.memory_space<vmem>> -> memref<32xi32, #tpu.memory_space<vmem>>
    %dma_wait3A_113 = arith.constant 0 : i32
    %dma_wait3A_114 = arith.constant 0 : i32
    %dma_wait3A_115 = tpu.memref_slice %arg5[%dma_wait3A_113, %dma_wait3A_114] : memref<12288x1024xf32, #tpu.memory_space<hbm>> -> memref<12288x1024xf32, #tpu.memory_space<hbm>>
    tpu.wait_indirect_dma semaphore(%arg12 : memref<!tpu.dma_semaphore, #tpu.memory_space<semaphore_mem>>) src(%arg9 : memref<32x1024xf32, #tpu.memory_space<vmem>>) dst(%dma_wait3A_115 : memref<12288x1024xf32, #tpu.memory_space<hbm>>)
    %dma_wait3A_116 = arith.constant 1 : i32
    %dma_wait3A_117 = arith.constant 0 : i32
    %dma_wait3A_118 = tpu.memref_slice %arg7[%dma_wait3A_116, %dma_wait3A_117] : memref<4x32xi32, #tpu.memory_space<vmem>> -> memref<1x32xi32, #tpu.memory_space<vmem>>
    %dma_wait3A_119 = tpu.memref_squeeze %dma_wait3A_118 : memref<1x32xi32, #tpu.memory_space<vmem>> -> memref<32xi32, #tpu.memory_space<vmem>>
    %dma_wait3A_120 = arith.constant 0 : i32
    %dma_wait3A_121 = arith.constant 0 : i32
    %dma_wait3A_122 = tpu.memref_slice %arg5[%dma_wait3A_120, %dma_wait3A_121] : memref<12288x1024xf32, #tpu.memory_space<hbm>> -> memref<12288x1024xf32, #tpu.memory_space<hbm>>
    tpu.wait_indirect_dma semaphore(%arg12 : memref<!tpu.dma_semaphore, #tpu.memory_space<semaphore_mem>>) src(%arg9 : memref<32x1024xf32, #tpu.memory_space<vmem>>) dst(%dma_wait3A_122 : memref<12288x1024xf32, #tpu.memory_space<hbm>>)
    %dma_wait3A_123 = arith.constant 2 : i32
    %dma_wait3A_124 = arith.constant 0 : i32
    %dma_wait3A_125 = tpu.memref_slice %arg6[%dma_wait3A_123, %dma_wait3A_124] : memref<4x32xi32, #tpu.memory_space<vmem>> -> memref<1x32xi32, #tpu.memory_space<vmem>>
    %dma_wait3A_126 = tpu.memref_squeeze %dma_wait3A_125 : memref<1x32xi32, #tpu.memory_space<vmem>> -> memref<32xi32, #tpu.memory_space<vmem>>
    %dma_wait3A_127 = arith.constant 0 : i32
    %dma_wait3A_128 = arith.constant 0 : i32
    %dma_wait3A_129 = tpu.memref_slice %arg5[%dma_wait3A_127, %dma_wait3A_128] : memref<12288x1024xf32, #tpu.memory_space<hbm>> -> memref<12288x1024xf32, #tpu.memory_space<hbm>>
    tpu.wait_indirect_dma semaphore(%arg12 : memref<!tpu.dma_semaphore, #tpu.memory_space<semaphore_mem>>) src(%arg10 : memref<32x1024xf32, #tpu.memory_space<vmem>>) dst(%dma_wait3A_129 : memref<12288x1024xf32, #tpu.memory_space<hbm>>)
    %dma_wait3A_130 = arith.constant 2 : i32
    %dma_wait3A_131 = arith.constant 0 : i32
    %dma_wait3A_132 = tpu.memref_slice %arg7[%dma_wait3A_130, %dma_wait3A_131] : memref<4x32xi32, #tpu.memory_space<vmem>> -> memref<1x32xi32, #tpu.memory_space<vmem>>
    %dma_wait3A_133 = tpu.memref_squeeze %dma_wait3A_132 : memref<1x32xi32, #tpu.memory_space<vmem>> -> memref<32xi32, #tpu.memory_space<vmem>>
    %dma_wait3A_134 = arith.constant 0 : i32
    %dma_wait3A_135 = arith.constant 0 : i32
    %dma_wait3A_136 = tpu.memref_slice %arg5[%dma_wait3A_134, %dma_wait3A_135] : memref<12288x1024xf32, #tpu.memory_space<hbm>> -> memref<12288x1024xf32, #tpu.memory_space<hbm>>
    tpu.wait_indirect_dma semaphore(%arg12 : memref<!tpu.dma_semaphore, #tpu.memory_space<semaphore_mem>>) src(%arg10 : memref<32x1024xf32, #tpu.memory_space<vmem>>) dst(%dma_wait3A_136 : memref<12288x1024xf32, #tpu.memory_space<hbm>>)
    %dma_wait3A_137 = arith.constant 3 : i32
    %dma_wait3A_138 = arith.constant 0 : i32
    %dma_wait3A_139 = tpu.memref_slice %arg6[%dma_wait3A_137, %dma_wait3A_138] : memref<4x32xi32, #tpu.memory_space<vmem>> -> memref<1x32xi32, #tpu.memory_space<vmem>>
    %dma_wait3A_140 = tpu.memref_squeeze %dma_wait3A_139 : memref<1x32xi32, #tpu.memory_space<vmem>> -> memref<32xi32, #tpu.memory_space<vmem>>
    %dma_wait3A_141 = arith.constant 0 : i32
    %dma_wait3A_142 = arith.constant 0 : i32
    %dma_wait3A_143 = tpu.memref_slice %arg5[%dma_wait3A_141, %dma_wait3A_142] : memref<12288x1024xf32, #tpu.memory_space<hbm>> -> memref<12288x1024xf32, #tpu.memory_space<hbm>>
    tpu.wait_indirect_dma semaphore(%arg12 : memref<!tpu.dma_semaphore, #tpu.memory_space<semaphore_mem>>) src(%arg8 : memref<32x1024xf32, #tpu.memory_space<vmem>>) dst(%dma_wait3A_143 : memref<12288x1024xf32, #tpu.memory_space<hbm>>)
    %dma_wait3A_144 = arith.constant 3 : i32
    %dma_wait3A_145 = arith.constant 0 : i32
    %dma_wait3A_146 = tpu.memref_slice %arg7[%dma_wait3A_144, %dma_wait3A_145] : memref<4x32xi32, #tpu.memory_space<vmem>> -> memref<1x32xi32, #tpu.memory_space<vmem>>
    %dma_wait3A_147 = tpu.memref_squeeze %dma_wait3A_146 : memref<1x32xi32, #tpu.memory_space<vmem>> -> memref<32xi32, #tpu.memory_space<vmem>>
    %dma_wait3A_148 = arith.constant 0 : i32
    %dma_wait3A_149 = arith.constant 0 : i32
    %dma_wait3A_150 = tpu.memref_slice %arg5[%dma_wait3A_148, %dma_wait3A_149] : memref<12288x1024xf32, #tpu.memory_space<hbm>> -> memref<12288x1024xf32, #tpu.memory_space<hbm>>
    tpu.wait_indirect_dma semaphore(%arg12 : memref<!tpu.dma_semaphore, #tpu.memory_space<semaphore_mem>>) src(%arg8 : memref<32x1024xf32, #tpu.memory_space<vmem>>) dst(%dma_wait3A_150 : memref<12288x1024xf32, #tpu.memory_space<hbm>>)
    return
  }
}

module attributes {stable_mosaic.version = 14 : i64} {
  func.func @_router_body(%arg0: i32, %arg1: memref<512x1024xf32, #tpu.memory_space<vmem>>, %arg2: memref<16x1024xf32, #tpu.memory_space<vmem>>, %arg3: memref<512x2xi32, #tpu.memory_space<vmem>>, %arg4: memref<512x2xf32, #tpu.memory_space<vmem>>) attributes {dimension_semantics = [#tpu.dimension_semantics<arbitrary>], iteration_bounds = array<i64: 8>, scalar_prefetch = 0 : i64, scratch_operands = 0 : i64, tpu.core_type = #tpu.core_type<tc>, window_params = [{transform_indices = @transform_0, window_bounds = array<i64: 512, 1024>}, {pipeline_mode = #tpu.pipeline_mode<synchronous>, transform_indices = @transform_1, window_bounds = array<i64: 16, 1024>}, {transform_indices = @transform_2, window_bounds = array<i64: 512, 2>}, {transform_indices = @transform_3, window_bounds = array<i64: 512, 2>}]} {
    %get3A = arith.constant 0 : index
    %get3A_0 = arith.constant 0 : index
    %get3A_1 = vector.load %arg1[%get3A, %get3A_0] : memref<512x1024xf32, #tpu.memory_space<vmem>>, vector<512x1024xf32>
    %get3A_2 = arith.constant 0 : index
    %get3A_3 = arith.constant 0 : index
    %get3A_4 = vector.load %arg2[%get3A_2, %get3A_3] : memref<16x1024xf32, #tpu.memory_space<vmem>>, vector<16x1024xf32>
    %dot_general3A = arith.constant dense<0.000000e+00> : vector<512x16xf32>
    %dot_general3A_5 = tpu.matmul %get3A_1, %get3A_4, %dot_general3A {dimension_numbers = #tpu.dot_dimension_numbers<[1], [1], [0], [0], [0, 0, 1, 0], [], []>, transpose_lhs_hint = false} : vector<512x1024xf32>, vector<16x1024xf32>, vector<512x16xf32> -> vector<512x16xf32>
    %neg3A = arith.constant 0.000000e+00 : f32
    %neg3A_6 = vector.broadcast %neg3A : f32 to vector<512x16xf32>
    %neg3A_7 = arith.subf %neg3A_6, %dot_general3A_5 : vector<512x16xf32>
    %exp3A = math.exp %neg3A_7 : vector<512x16xf32>
    %add3A = arith.constant 1.000000e+00 : f32
    %add3A_8 = vector.broadcast %add3A : f32 to vector<512x16xf32>
    %add3A_9 = arith.addf %add3A_8, %exp3A : vector<512x16xf32>
    %div3A = arith.constant 1.000000e+00 : f32
    %div3A_10 = vector.broadcast %div3A : f32 to vector<512x16xf32>
    %div3A_11 = arith.divf %div3A_10, %add3A_9 : vector<512x16xf32>
    %iota3A = tpu.iota {dimensions = array<i32: 1>} : vector<512x16xi32>
    %reduce_max3A = arith.constant dense<0xFF800000> : vector<512xf32>
    %reduce_max3A_12 = vector.multi_reduction <maximumf>, %div3A_11, %reduce_max3A [1] : vector<512x16xf32> to vector<512xf32>
    %broadcast_in_dim3A = vector.shape_cast %reduce_max3A_12 : vector<512xf32> to vector<512x1xf32>
    %eq3A = vector.broadcast %broadcast_in_dim3A : vector<512x1xf32> to vector<512x16xf32>
    %eq3A_13 = arith.cmpf oeq, %div3A_11, %eq3A : vector<512x16xf32>
    %jit3A = arith.constant 16 : i32
    %broadcast_in_dim3A_14 = vector.broadcast %jit3A : i32 to vector<512x16xi32>
    %select_n3A = arith.select %eq3A_13, %iota3A, %broadcast_in_dim3A_14 : vector<512x16xi1>, vector<512x16xi32>
    %reduce_min3A = arith.constant dense<2147483647> : vector<512xi32>
    %reduce_min3A_15 = vector.multi_reduction <minsi>, %select_n3A, %reduce_min3A [1] : vector<512x16xi32> to vector<512xi32>
    %broadcast_in_dim3A_16 = vector.shape_cast %reduce_min3A_15 : vector<512xi32> to vector<512x1xi32>
    %eq3A_17 = vector.broadcast %broadcast_in_dim3A_16 : vector<512x1xi32> to vector<512x16xi32>
    %eq3A_18 = arith.cmpi eq, %iota3A, %eq3A_17 : vector<512x16xi32>
    %jit3A_19 = arith.constant -1.000000e+00 : f32
    %broadcast_in_dim3A_20 = vector.broadcast %jit3A_19 : f32 to vector<512x16xf32>
    %select_n3A_21 = arith.select %eq3A_18, %broadcast_in_dim3A_20, %div3A_11 : vector<512x16xi1>, vector<512x16xf32>
    %reduce_max3A_22 = arith.constant dense<0xFF800000> : vector<512xf32>
    %reduce_max3A_23 = vector.multi_reduction <maximumf>, %select_n3A_21, %reduce_max3A_22 [1] : vector<512x16xf32> to vector<512xf32>
    %broadcast_in_dim3A_24 = vector.shape_cast %reduce_max3A_23 : vector<512xf32> to vector<512x1xf32>
    %eq3A_25 = vector.broadcast %broadcast_in_dim3A_24 : vector<512x1xf32> to vector<512x16xf32>
    %eq3A_26 = arith.cmpf oeq, %select_n3A_21, %eq3A_25 : vector<512x16xf32>
    %jit3A_27 = arith.constant 16 : i32
    %broadcast_in_dim3A_28 = vector.broadcast %jit3A_27 : i32 to vector<512x16xi32>
    %select_n3A_29 = arith.select %eq3A_26, %iota3A, %broadcast_in_dim3A_28 : vector<512x16xi1>, vector<512x16xi32>
    %reduce_min3A_30 = arith.constant dense<2147483647> : vector<512xi32>
    %reduce_min3A_31 = vector.multi_reduction <minsi>, %select_n3A_29, %reduce_min3A_30 [1] : vector<512x16xi32> to vector<512xi32>
    %broadcast_in_dim3A_32 = vector.shape_cast %reduce_min3A_31 : vector<512xi32> to vector<512x1xi32>
    %add3A_33 = arith.addf %broadcast_in_dim3A, %broadcast_in_dim3A_24 : vector<512x1xf32>
    %add3A_34 = arith.constant 9.99999968E-21 : f32
    %add3A_35 = vector.broadcast %add3A_34 : f32 to vector<512x1xf32>
    %add3A_36 = arith.addf %add3A_33, %add3A_35 : vector<512x1xf32>
    %concatenate3A = tpu.concatenate %broadcast_in_dim3A_16, %broadcast_in_dim3A_32 in 1 : vector<512x1xi32>, vector<512x1xi32> -> vector<512x2xi32>
    %swap3A = arith.constant 0 : index
    %swap3A_37 = arith.constant 0 : index
    %swap3A_38 = vector.load %arg3[%swap3A, %swap3A_37] : memref<512x2xi32, #tpu.memory_space<vmem>>, vector<512x2xi32>
    tpu.vector_store %arg3[%swap3A, %swap3A_37], %concatenate3A {strides = array<i32>} : memref<512x2xi32, #tpu.memory_space<vmem>>, vector<512x2xi32>,
    %div3A_39 = arith.divf %broadcast_in_dim3A, %add3A_36 : vector<512x1xf32>
    %div3A_40 = arith.divf %broadcast_in_dim3A_24, %add3A_36 : vector<512x1xf32>
    %concatenate3A_41 = tpu.concatenate %div3A_39, %div3A_40 in 1 : vector<512x1xf32>, vector<512x1xf32> -> vector<512x2xf32>
    %mul3A = arith.constant 2.500000e+00 : f32
    %mul3A_42 = vector.broadcast %mul3A : f32 to vector<512x2xf32>
    %mul3A_43 = arith.mulf %concatenate3A_41, %mul3A_42 : vector<512x2xf32>
    %swap3A_44 = arith.constant 0 : index
    %swap3A_45 = arith.constant 0 : index
    %swap3A_46 = vector.load %arg4[%swap3A_44, %swap3A_45] : memref<512x2xf32, #tpu.memory_space<vmem>>, vector<512x2xf32>
    tpu.vector_store %arg4[%swap3A_44, %swap3A_45], %mul3A_43 {strides = array<i32>} : memref<512x2xf32, #tpu.memory_space<vmem>>, vector<512x2xf32>,
    return
  }
  func.func @transform_0(%arg0: i32) -> (i32, i32) {
    %c0_i32 = arith.constant 0 : i32
    %c0_i32_0 = arith.constant 0 : i32
    return %arg0, %c0_i32 : i32, i32
  }
  func.func @transform_1(%arg0: i32) -> (i32, i32) {
    %c0_i32 = arith.constant 0 : i32
    %c0_i32_0 = arith.constant 0 : i32
    %c0_i32_1 = arith.constant 0 : i32
    return %c0_i32, %c0_i32_0 : i32, i32
  }
  func.func @transform_2(%arg0: i32) -> (i32, i32) {
    %c0_i32 = arith.constant 0 : i32
    %c0_i32_0 = arith.constant 0 : i32
    return %arg0, %c0_i32 : i32, i32
  }
  func.func @transform_3(%arg0: i32) -> (i32, i32) {
    %c0_i32 = arith.constant 0 : i32
    %c0_i32_0 = arith.constant 0 : i32
    return %arg0, %c0_i32 : i32, i32
  }
}

module attributes {stable_mosaic.version = 14 : i64} {
  func.func @_metadata_body(%arg0: memref<64x128xi32, #tpu.memory_space<vmem>>, %arg1: memref<64x128xi32, #tpu.memory_space<vmem>>, %arg2: memref<2x48xi32, #tpu.memory_space<vmem>>) attributes {dimension_semantics = [], scalar_prefetch = 0 : i64, scratch_operands = 0 : i64, tpu.core_type = #tpu.core_type<tc>} {
    %get3A = arith.constant 0 : index
    %get3A_0 = arith.constant 0 : index
    %get3A_1 = vector.load %arg0[%get3A, %get3A_0] : memref<64x128xi32, #tpu.memory_space<vmem>>, vector<64x128xi32>
    %iota3A = tpu.iota {dimensions = array<i32: 0>} : vector<128x128xi32>
    %iota3A_2 = tpu.iota {dimensions = array<i32: 1>} : vector<128x128xi32>
    %le3A = arith.cmpi sle, %iota3A, %iota3A_2 : vector<128x128xi32>
    %convert_element_type3A = arith.extui %le3A : vector<128x128xi1> to vector<128x128xi32>
    %convert_element_type3A_3 = arith.sitofp %convert_element_type3A : vector<128x128xi32> to vector<128x128xf32>
    %iota3A_4 = tpu.iota {dimensions = array<i32: 0>} : vector<64x64xi32>
    %iota3A_5 = tpu.iota {dimensions = array<i32: 1>} : vector<64x64xi32>
    %lt3A = arith.cmpi slt, %iota3A_5, %iota3A_4 : vector<64x64xi32>
    %convert_element_type3A_6 = arith.extui %lt3A : vector<64x64xi1> to vector<64x64xi32>
    %convert_element_type3A_7 = arith.sitofp %convert_element_type3A_6 : vector<64x64xi32> to vector<64x64xf32>
    %eq3A = arith.constant 0 : i32
    %eq3A_8 = vector.broadcast %eq3A : i32 to vector<64x128xi32>
    %eq3A_9 = arith.cmpi eq, %get3A_1, %eq3A_8 : vector<64x128xi32>
    %convert_element_type3A_10 = arith.extui %eq3A_9 : vector<64x128xi1> to vector<64x128xi32>
    %convert_element_type3A_11 = arith.sitofp %convert_element_type3A_10 : vector<64x128xi32> to vector<64x128xf32>
    %reduce_sum3A = vector.shape_cast %convert_element_type3A_11 : vector<64x128xf32> to vector<1x64x128xf32>
    %reduce_sum3A_12 = arith.constant dense<0.000000e+00> : vector<1xf32>
    %reduce_sum3A_13 = vector.multi_reduction <add>, %reduce_sum3A, %reduce_sum3A_12 [1, 2] : vector<1x64x128xf32> to vector<1xf32>
    %reduce_sum3A_14 = vector.shape_cast %reduce_sum3A_13 : vector<1xf32> to vector<1x1x1xf32>
    %reduce_sum3A_15 = vector.extract %reduce_sum3A_14[0, 0, 0] : f32 from vector<1x1x1xf32>
    %eq3A_16 = arith.constant 1 : i32
    %eq3A_17 = vector.broadcast %eq3A_16 : i32 to vector<64x128xi32>
    %eq3A_18 = arith.cmpi eq, %get3A_1, %eq3A_17 : vector<64x128xi32>
    %convert_element_type3A_19 = arith.extui %eq3A_18 : vector<64x128xi1> to vector<64x128xi32>
    %convert_element_type3A_20 = arith.sitofp %convert_element_type3A_19 : vector<64x128xi32> to vector<64x128xf32>
    %reduce_sum3A_21 = vector.shape_cast %convert_element_type3A_20 : vector<64x128xf32> to vector<1x64x128xf32>
    %reduce_sum3A_22 = arith.constant dense<0.000000e+00> : vector<1xf32>
    %reduce_sum3A_23 = vector.multi_reduction <add>, %reduce_sum3A_21, %reduce_sum3A_22 [1, 2] : vector<1x64x128xf32> to vector<1xf32>
    %reduce_sum3A_24 = vector.shape_cast %reduce_sum3A_23 : vector<1xf32> to vector<1x1x1xf32>
    %reduce_sum3A_25 = vector.extract %reduce_sum3A_24[0, 0, 0] : f32 from vector<1x1x1xf32>
    %eq3A_26 = arith.constant 2 : i32
    %eq3A_27 = vector.broadcast %eq3A_26 : i32 to vector<64x128xi32>
    %eq3A_28 = arith.cmpi eq, %get3A_1, %eq3A_27 : vector<64x128xi32>
    %convert_element_type3A_29 = arith.extui %eq3A_28 : vector<64x128xi1> to vector<64x128xi32>
    %convert_element_type3A_30 = arith.sitofp %convert_element_type3A_29 : vector<64x128xi32> to vector<64x128xf32>
    %reduce_sum3A_31 = vector.shape_cast %convert_element_type3A_30 : vector<64x128xf32> to vector<1x64x128xf32>
    %reduce_sum3A_32 = arith.constant dense<0.000000e+00> : vector<1xf32>
    %reduce_sum3A_33 = vector.multi_reduction <add>, %reduce_sum3A_31, %reduce_sum3A_32 [1, 2] : vector<1x64x128xf32> to vector<1xf32>
    %reduce_sum3A_34 = vector.shape_cast %reduce_sum3A_33 : vector<1xf32> to vector<1x1x1xf32>
    %reduce_sum3A_35 = vector.extract %reduce_sum3A_34[0, 0, 0] : f32 from vector<1x1x1xf32>
    %eq3A_36 = arith.constant 3 : i32
    %eq3A_37 = vector.broadcast %eq3A_36 : i32 to vector<64x128xi32>
    %eq3A_38 = arith.cmpi eq, %get3A_1, %eq3A_37 : vector<64x128xi32>
    %convert_element_type3A_39 = arith.extui %eq3A_38 : vector<64x128xi1> to vector<64x128xi32>
    %convert_element_type3A_40 = arith.sitofp %convert_element_type3A_39 : vector<64x128xi32> to vector<64x128xf32>
    %reduce_sum3A_41 = vector.shape_cast %convert_element_type3A_40 : vector<64x128xf32> to vector<1x64x128xf32>
    %reduce_sum3A_42 = arith.constant dense<0.000000e+00> : vector<1xf32>
    %reduce_sum3A_43 = vector.multi_reduction <add>, %reduce_sum3A_41, %reduce_sum3A_42 [1, 2] : vector<1x64x128xf32> to vector<1xf32>
    %reduce_sum3A_44 = vector.shape_cast %reduce_sum3A_43 : vector<1xf32> to vector<1x1x1xf32>
    %reduce_sum3A_45 = vector.extract %reduce_sum3A_44[0, 0, 0] : f32 from vector<1x1x1xf32>
    %eq3A_46 = arith.constant 4 : i32
    %eq3A_47 = vector.broadcast %eq3A_46 : i32 to vector<64x128xi32>
    %eq3A_48 = arith.cmpi eq, %get3A_1, %eq3A_47 : vector<64x128xi32>
    %convert_element_type3A_49 = arith.extui %eq3A_48 : vector<64x128xi1> to vector<64x128xi32>
    %convert_element_type3A_50 = arith.sitofp %convert_element_type3A_49 : vector<64x128xi32> to vector<64x128xf32>
    %reduce_sum3A_51 = vector.shape_cast %convert_element_type3A_50 : vector<64x128xf32> to vector<1x64x128xf32>
    %reduce_sum3A_52 = arith.constant dense<0.000000e+00> : vector<1xf32>
    %reduce_sum3A_53 = vector.multi_reduction <add>, %reduce_sum3A_51, %reduce_sum3A_52 [1, 2] : vector<1x64x128xf32> to vector<1xf32>
    %reduce_sum3A_54 = vector.shape_cast %reduce_sum3A_53 : vector<1xf32> to vector<1x1x1xf32>
    %reduce_sum3A_55 = vector.extract %reduce_sum3A_54[0, 0, 0] : f32 from vector<1x1x1xf32>
    %eq3A_56 = arith.constant 5 : i32
    %eq3A_57 = vector.broadcast %eq3A_56 : i32 to vector<64x128xi32>
    %eq3A_58 = arith.cmpi eq, %get3A_1, %eq3A_57 : vector<64x128xi32>
    %convert_element_type3A_59 = arith.extui %eq3A_58 : vector<64x128xi1> to vector<64x128xi32>
    %convert_element_type3A_60 = arith.sitofp %convert_element_type3A_59 : vector<64x128xi32> to vector<64x128xf32>
    %reduce_sum3A_61 = vector.shape_cast %convert_element_type3A_60 : vector<64x128xf32> to vector<1x64x128xf32>
    %reduce_sum3A_62 = arith.constant dense<0.000000e+00> : vector<1xf32>
    %reduce_sum3A_63 = vector.multi_reduction <add>, %reduce_sum3A_61, %reduce_sum3A_62 [1, 2] : vector<1x64x128xf32> to vector<1xf32>
    %reduce_sum3A_64 = vector.shape_cast %reduce_sum3A_63 : vector<1xf32> to vector<1x1x1xf32>
    %reduce_sum3A_65 = vector.extract %reduce_sum3A_64[0, 0, 0] : f32 from vector<1x1x1xf32>
    %eq3A_66 = arith.constant 6 : i32
    %eq3A_67 = vector.broadcast %eq3A_66 : i32 to vector<64x128xi32>
    %eq3A_68 = arith.cmpi eq, %get3A_1, %eq3A_67 : vector<64x128xi32>
    %convert_element_type3A_69 = arith.extui %eq3A_68 : vector<64x128xi1> to vector<64x128xi32>
    %convert_element_type3A_70 = arith.sitofp %convert_element_type3A_69 : vector<64x128xi32> to vector<64x128xf32>
    %reduce_sum3A_71 = vector.shape_cast %convert_element_type3A_70 : vector<64x128xf32> to vector<1x64x128xf32>
    %reduce_sum3A_72 = arith.constant dense<0.000000e+00> : vector<1xf32>
    %reduce_sum3A_73 = vector.multi_reduction <add>, %reduce_sum3A_71, %reduce_sum3A_72 [1, 2] : vector<1x64x128xf32> to vector<1xf32>
    %reduce_sum3A_74 = vector.shape_cast %reduce_sum3A_73 : vector<1xf32> to vector<1x1x1xf32>
    %reduce_sum3A_75 = vector.extract %reduce_sum3A_74[0, 0, 0] : f32 from vector<1x1x1xf32>
    %eq3A_76 = arith.constant 7 : i32
    %eq3A_77 = vector.broadcast %eq3A_76 : i32 to vector<64x128xi32>
    %eq3A_78 = arith.cmpi eq, %get3A_1, %eq3A_77 : vector<64x128xi32>
    %convert_element_type3A_79 = arith.extui %eq3A_78 : vector<64x128xi1> to vector<64x128xi32>
    %convert_element_type3A_80 = arith.sitofp %convert_element_type3A_79 : vector<64x128xi32> to vector<64x128xf32>
    %reduce_sum3A_81 = vector.shape_cast %convert_element_type3A_80 : vector<64x128xf32> to vector<1x64x128xf32>
    %reduce_sum3A_82 = arith.constant dense<0.000000e+00> : vector<1xf32>
    %reduce_sum3A_83 = vector.multi_reduction <add>, %reduce_sum3A_81, %reduce_sum3A_82 [1, 2] : vector<1x64x128xf32> to vector<1xf32>
    %reduce_sum3A_84 = vector.shape_cast %reduce_sum3A_83 : vector<1xf32> to vector<1x1x1xf32>
    %reduce_sum3A_85 = vector.extract %reduce_sum3A_84[0, 0, 0] : f32 from vector<1x1x1xf32>
    %eq3A_86 = arith.constant 8 : i32
    %eq3A_87 = vector.broadcast %eq3A_86 : i32 to vector<64x128xi32>
    %eq3A_88 = arith.cmpi eq, %get3A_1, %eq3A_87 : vector<64x128xi32>
    %convert_element_type3A_89 = arith.extui %eq3A_88 : vector<64x128xi1> to vector<64x128xi32>
    %convert_element_type3A_90 = arith.sitofp %convert_element_type3A_89 : vector<64x128xi32> to vector<64x128xf32>
    %reduce_sum3A_91 = vector.shape_cast %convert_element_type3A_90 : vector<64x128xf32> to vector<1x64x128xf32>
    %reduce_sum3A_92 = arith.constant dense<0.000000e+00> : vector<1xf32>
    %reduce_sum3A_93 = vector.multi_reduction <add>, %reduce_sum3A_91, %reduce_sum3A_92 [1, 2] : vector<1x64x128xf32> to vector<1xf32>
    %reduce_sum3A_94 = vector.shape_cast %reduce_sum3A_93 : vector<1xf32> to vector<1x1x1xf32>
    %reduce_sum3A_95 = vector.extract %reduce_sum3A_94[0, 0, 0] : f32 from vector<1x1x1xf32>
    %eq3A_96 = arith.constant 9 : i32
    %eq3A_97 = vector.broadcast %eq3A_96 : i32 to vector<64x128xi32>
    %eq3A_98 = arith.cmpi eq, %get3A_1, %eq3A_97 : vector<64x128xi32>
    %convert_element_type3A_99 = arith.extui %eq3A_98 : vector<64x128xi1> to vector<64x128xi32>
    %convert_element_type3A_100 = arith.sitofp %convert_element_type3A_99 : vector<64x128xi32> to vector<64x128xf32>
    %reduce_sum3A_101 = vector.shape_cast %convert_element_type3A_100 : vector<64x128xf32> to vector<1x64x128xf32>
    %reduce_sum3A_102 = arith.constant dense<0.000000e+00> : vector<1xf32>
    %reduce_sum3A_103 = vector.multi_reduction <add>, %reduce_sum3A_101, %reduce_sum3A_102 [1, 2] : vector<1x64x128xf32> to vector<1xf32>
    %reduce_sum3A_104 = vector.shape_cast %reduce_sum3A_103 : vector<1xf32> to vector<1x1x1xf32>
    %reduce_sum3A_105 = vector.extract %reduce_sum3A_104[0, 0, 0] : f32 from vector<1x1x1xf32>
    %eq3A_106 = arith.constant 10 : i32
    %eq3A_107 = vector.broadcast %eq3A_106 : i32 to vector<64x128xi32>
    %eq3A_108 = arith.cmpi eq, %get3A_1, %eq3A_107 : vector<64x128xi32>
    %convert_element_type3A_109 = arith.extui %eq3A_108 : vector<64x128xi1> to vector<64x128xi32>
    %convert_element_type3A_110 = arith.sitofp %convert_element_type3A_109 : vector<64x128xi32> to vector<64x128xf32>
    %reduce_sum3A_111 = vector.shape_cast %convert_element_type3A_110 : vector<64x128xf32> to vector<1x64x128xf32>
    %reduce_sum3A_112 = arith.constant dense<0.000000e+00> : vector<1xf32>
    %reduce_sum3A_113 = vector.multi_reduction <add>, %reduce_sum3A_111, %reduce_sum3A_112 [1, 2] : vector<1x64x128xf32> to vector<1xf32>
    %reduce_sum3A_114 = vector.shape_cast %reduce_sum3A_113 : vector<1xf32> to vector<1x1x1xf32>
    %reduce_sum3A_115 = vector.extract %reduce_sum3A_114[0, 0, 0] : f32 from vector<1x1x1xf32>
    %eq3A_116 = arith.constant 11 : i32
    %eq3A_117 = vector.broadcast %eq3A_116 : i32 to vector<64x128xi32>
    %eq3A_118 = arith.cmpi eq, %get3A_1, %eq3A_117 : vector<64x128xi32>
    %convert_element_type3A_119 = arith.extui %eq3A_118 : vector<64x128xi1> to vector<64x128xi32>
    %convert_element_type3A_120 = arith.sitofp %convert_element_type3A_119 : vector<64x128xi32> to vector<64x128xf32>
    %reduce_sum3A_121 = vector.shape_cast %convert_element_type3A_120 : vector<64x128xf32> to vector<1x64x128xf32>
    %reduce_sum3A_122 = arith.constant dense<0.000000e+00> : vector<1xf32>
    %reduce_sum3A_123 = vector.multi_reduction <add>, %reduce_sum3A_121, %reduce_sum3A_122 [1, 2] : vector<1x64x128xf32> to vector<1xf32>
    %reduce_sum3A_124 = vector.shape_cast %reduce_sum3A_123 : vector<1xf32> to vector<1x1x1xf32>
    %reduce_sum3A_125 = vector.extract %reduce_sum3A_124[0, 0, 0] : f32 from vector<1x1x1xf32>
    %eq3A_126 = arith.constant 12 : i32
    %eq3A_127 = vector.broadcast %eq3A_126 : i32 to vector<64x128xi32>
    %eq3A_128 = arith.cmpi eq, %get3A_1, %eq3A_127 : vector<64x128xi32>
    %convert_element_type3A_129 = arith.extui %eq3A_128 : vector<64x128xi1> to vector<64x128xi32>
    %convert_element_type3A_130 = arith.sitofp %convert_element_type3A_129 : vector<64x128xi32> to vector<64x128xf32>
    %reduce_sum3A_131 = vector.shape_cast %convert_element_type3A_130 : vector<64x128xf32> to vector<1x64x128xf32>
    %reduce_sum3A_132 = arith.constant dense<0.000000e+00> : vector<1xf32>
    %reduce_sum3A_133 = vector.multi_reduction <add>, %reduce_sum3A_131, %reduce_sum3A_132 [1, 2] : vector<1x64x128xf32> to vector<1xf32>
    %reduce_sum3A_134 = vector.shape_cast %reduce_sum3A_133 : vector<1xf32> to vector<1x1x1xf32>
    %reduce_sum3A_135 = vector.extract %reduce_sum3A_134[0, 0, 0] : f32 from vector<1x1x1xf32>
    %eq3A_136 = arith.constant 13 : i32
    %eq3A_137 = vector.broadcast %eq3A_136 : i32 to vector<64x128xi32>
    %eq3A_138 = arith.cmpi eq, %get3A_1, %eq3A_137 : vector<64x128xi32>
    %convert_element_type3A_139 = arith.extui %eq3A_138 : vector<64x128xi1> to vector<64x128xi32>
    %convert_element_type3A_140 = arith.sitofp %convert_element_type3A_139 : vector<64x128xi32> to vector<64x128xf32>
    %reduce_sum3A_141 = vector.shape_cast %convert_element_type3A_140 : vector<64x128xf32> to vector<1x64x128xf32>
    %reduce_sum3A_142 = arith.constant dense<0.000000e+00> : vector<1xf32>
    %reduce_sum3A_143 = vector.multi_reduction <add>, %reduce_sum3A_141, %reduce_sum3A_142 [1, 2] : vector<1x64x128xf32> to vector<1xf32>
    %reduce_sum3A_144 = vector.shape_cast %reduce_sum3A_143 : vector<1xf32> to vector<1x1x1xf32>
    %reduce_sum3A_145 = vector.extract %reduce_sum3A_144[0, 0, 0] : f32 from vector<1x1x1xf32>
    %eq3A_146 = arith.constant 14 : i32
    %eq3A_147 = vector.broadcast %eq3A_146 : i32 to vector<64x128xi32>
    %eq3A_148 = arith.cmpi eq, %get3A_1, %eq3A_147 : vector<64x128xi32>
    %convert_element_type3A_149 = arith.extui %eq3A_148 : vector<64x128xi1> to vector<64x128xi32>
    %convert_element_type3A_150 = arith.sitofp %convert_element_type3A_149 : vector<64x128xi32> to vector<64x128xf32>
    %reduce_sum3A_151 = vector.shape_cast %convert_element_type3A_150 : vector<64x128xf32> to vector<1x64x128xf32>
    %reduce_sum3A_152 = arith.constant dense<0.000000e+00> : vector<1xf32>
    %reduce_sum3A_153 = vector.multi_reduction <add>, %reduce_sum3A_151, %reduce_sum3A_152 [1, 2] : vector<1x64x128xf32> to vector<1xf32>
    %reduce_sum3A_154 = vector.shape_cast %reduce_sum3A_153 : vector<1xf32> to vector<1x1x1xf32>
    %reduce_sum3A_155 = vector.extract %reduce_sum3A_154[0, 0, 0] : f32 from vector<1x1x1xf32>
    %eq3A_156 = arith.constant 15 : i32
    %eq3A_157 = vector.broadcast %eq3A_156 : i32 to vector<64x128xi32>
    %eq3A_158 = arith.cmpi eq, %get3A_1, %eq3A_157 : vector<64x128xi32>
    %convert_element_type3A_159 = arith.extui %eq3A_158 : vector<64x128xi1> to vector<64x128xi32>
    %convert_element_type3A_160 = arith.sitofp %convert_element_type3A_159 : vector<64x128xi32> to vector<64x128xf32>
    %reduce_sum3A_161 = vector.shape_cast %convert_element_type3A_160 : vector<64x128xf32> to vector<1x64x128xf32>
    %reduce_sum3A_162 = arith.constant dense<0.000000e+00> : vector<1xf32>
    %reduce_sum3A_163 = vector.multi_reduction <add>, %reduce_sum3A_161, %reduce_sum3A_162 [1, 2] : vector<1x64x128xf32> to vector<1xf32>
    %reduce_sum3A_164 = vector.shape_cast %reduce_sum3A_163 : vector<1xf32> to vector<1x1x1xf32>
    %reduce_sum3A_165 = vector.extract %reduce_sum3A_164[0, 0, 0] : f32 from vector<1x1x1xf32>
    %mul3A = arith.constant 0 : i32
    %mul3A_166 = arith.constant 256 : i32
    %mul3A_167 = arith.muli %mul3A, %mul3A_166 : i32
    %convert_element_type3A_168 = arith.fptosi %reduce_sum3A_15 : f32 to i32
    %add3A = arith.constant 255 : i32
    %add3A_169 = arith.addi %convert_element_type3A_168, %add3A : i32
    %jit3A = arith.constant 256 : i32
    %div3A = arith.divsi %add3A_169, %jit3A : i32
    %sign3A = arith.constant 0 : i32
    %sign3A_170 = arith.cmpi sgt, %add3A_169, %sign3A : i32
    %sign3A_171 = arith.extui %sign3A_170 : i1 to i32
    %sign3A_172 = arith.constant 0 : i32
    %sign3A_173 = arith.cmpi slt, %add3A_169, %sign3A_172 : i32
    %sign3A_174 = arith.extui %sign3A_173 : i1 to i32
    %sign3A_175 = arith.subi %sign3A_171, %sign3A_174 : i32
    %sign3A_176 = arith.constant 0 : i32
    %sign3A_177 = arith.cmpi sgt, %jit3A, %sign3A_176 : i32
    %sign3A_178 = arith.extui %sign3A_177 : i1 to i32
    %sign3A_179 = arith.constant 0 : i32
    %sign3A_180 = arith.cmpi slt, %jit3A, %sign3A_179 : i32
    %sign3A_181 = arith.extui %sign3A_180 : i1 to i32
    %sign3A_182 = arith.subi %sign3A_178, %sign3A_181 : i32
    %ne3A = arith.cmpi ne, %sign3A_175, %sign3A_182 : i32
    %rem3A = arith.remsi %add3A_169, %jit3A : i32
    %ne3A_183 = arith.constant 0 : i32
    %ne3A_184 = arith.cmpi ne, %rem3A, %ne3A_183 : i32
    %and3A = arith.andi %ne3A, %ne3A_184 : i1
    %sub3A = arith.constant 1 : i32
    %sub3A_185 = arith.subi %div3A, %sub3A : i32
    %select_n3A = arith.select %and3A, %sub3A_185, %div3A : i32
    %add3A_186 = arith.constant 0 : i32
    %add3A_187 = arith.addi %add3A_186, %select_n3A : i32
    %mul3A_188 = arith.constant 256 : i32
    %mul3A_189 = arith.muli %add3A_187, %mul3A_188 : i32
    %convert_element_type3A_190 = arith.fptosi %reduce_sum3A_25 : f32 to i32
    %add3A_191 = arith.constant 255 : i32
    %add3A_192 = arith.addi %convert_element_type3A_190, %add3A_191 : i32
    %jit3A_193 = arith.constant 256 : i32
    %div3A_194 = arith.divsi %add3A_192, %jit3A_193 : i32
    %sign3A_195 = arith.constant 0 : i32
    %sign3A_196 = arith.cmpi sgt, %add3A_192, %sign3A_195 : i32
    %sign3A_197 = arith.extui %sign3A_196 : i1 to i32
    %sign3A_198 = arith.constant 0 : i32
    %sign3A_199 = arith.cmpi slt, %add3A_192, %sign3A_198 : i32
    %sign3A_200 = arith.extui %sign3A_199 : i1 to i32
    %sign3A_201 = arith.subi %sign3A_197, %sign3A_200 : i32
    %sign3A_202 = arith.constant 0 : i32
    %sign3A_203 = arith.cmpi sgt, %jit3A_193, %sign3A_202 : i32
    %sign3A_204 = arith.extui %sign3A_203 : i1 to i32
    %sign3A_205 = arith.constant 0 : i32
    %sign3A_206 = arith.cmpi slt, %jit3A_193, %sign3A_205 : i32
    %sign3A_207 = arith.extui %sign3A_206 : i1 to i32
    %sign3A_208 = arith.subi %sign3A_204, %sign3A_207 : i32
    %ne3A_209 = arith.cmpi ne, %sign3A_201, %sign3A_208 : i32
    %rem3A_210 = arith.remsi %add3A_192, %jit3A_193 : i32
    %ne3A_211 = arith.constant 0 : i32
    %ne3A_212 = arith.cmpi ne, %rem3A_210, %ne3A_211 : i32
    %and3A_213 = arith.andi %ne3A_209, %ne3A_212 : i1
    %sub3A_214 = arith.constant 1 : i32
    %sub3A_215 = arith.subi %div3A_194, %sub3A_214 : i32
    %select_n3A_216 = arith.select %and3A_213, %sub3A_215, %div3A_194 : i32
    %add3A_217 = arith.addi %add3A_187, %select_n3A_216 : i32
    %mul3A_218 = arith.constant 256 : i32
    %mul3A_219 = arith.muli %add3A_217, %mul3A_218 : i32
    %convert_element_type3A_220 = arith.fptosi %reduce_sum3A_35 : f32 to i32
    %add3A_221 = arith.constant 255 : i32
    %add3A_222 = arith.addi %convert_element_type3A_220, %add3A_221 : i32
    %jit3A_223 = arith.constant 256 : i32
    %div3A_224 = arith.divsi %add3A_222, %jit3A_223 : i32
    %sign3A_225 = arith.constant 0 : i32
    %sign3A_226 = arith.cmpi sgt, %add3A_222, %sign3A_225 : i32
    %sign3A_227 = arith.extui %sign3A_226 : i1 to i32
    %sign3A_228 = arith.constant 0 : i32
    %sign3A_229 = arith.cmpi slt, %add3A_222, %sign3A_228 : i32
    %sign3A_230 = arith.extui %sign3A_229 : i1 to i32
    %sign3A_231 = arith.subi %sign3A_227, %sign3A_230 : i32
    %sign3A_232 = arith.constant 0 : i32
    %sign3A_233 = arith.cmpi sgt, %jit3A_223, %sign3A_232 : i32
    %sign3A_234 = arith.extui %sign3A_233 : i1 to i32
    %sign3A_235 = arith.constant 0 : i32
    %sign3A_236 = arith.cmpi slt, %jit3A_223, %sign3A_235 : i32
    %sign3A_237 = arith.extui %sign3A_236 : i1 to i32
    %sign3A_238 = arith.subi %sign3A_234, %sign3A_237 : i32
    %ne3A_239 = arith.cmpi ne, %sign3A_231, %sign3A_238 : i32
    %rem3A_240 = arith.remsi %add3A_222, %jit3A_223 : i32
    %ne3A_241 = arith.constant 0 : i32
    %ne3A_242 = arith.cmpi ne, %rem3A_240, %ne3A_241 : i32
    %and3A_243 = arith.andi %ne3A_239, %ne3A_242 : i1
    %sub3A_244 = arith.constant 1 : i32
    %sub3A_245 = arith.subi %div3A_224, %sub3A_244 : i32
    %select_n3A_246 = arith.select %and3A_243, %sub3A_245, %div3A_224 : i32
    %add3A_247 = arith.addi %add3A_217, %select_n3A_246 : i32
    %mul3A_248 = arith.constant 256 : i32
    %mul3A_249 = arith.muli %add3A_247, %mul3A_248 : i32
    %convert_element_type3A_250 = arith.fptosi %reduce_sum3A_45 : f32 to i32
    %add3A_251 = arith.constant 255 : i32
    %add3A_252 = arith.addi %convert_element_type3A_250, %add3A_251 : i32
    %jit3A_253 = arith.constant 256 : i32
    %div3A_254 = arith.divsi %add3A_252, %jit3A_253 : i32
    %sign3A_255 = arith.constant 0 : i32
    %sign3A_256 = arith.cmpi sgt, %add3A_252, %sign3A_255 : i32
    %sign3A_257 = arith.extui %sign3A_256 : i1 to i32
    %sign3A_258 = arith.constant 0 : i32
    %sign3A_259 = arith.cmpi slt, %add3A_252, %sign3A_258 : i32
    %sign3A_260 = arith.extui %sign3A_259 : i1 to i32
    %sign3A_261 = arith.subi %sign3A_257, %sign3A_260 : i32
    %sign3A_262 = arith.constant 0 : i32
    %sign3A_263 = arith.cmpi sgt, %jit3A_253, %sign3A_262 : i32
    %sign3A_264 = arith.extui %sign3A_263 : i1 to i32
    %sign3A_265 = arith.constant 0 : i32
    %sign3A_266 = arith.cmpi slt, %jit3A_253, %sign3A_265 : i32
    %sign3A_267 = arith.extui %sign3A_266 : i1 to i32
    %sign3A_268 = arith.subi %sign3A_264, %sign3A_267 : i32
    %ne3A_269 = arith.cmpi ne, %sign3A_261, %sign3A_268 : i32
    %rem3A_270 = arith.remsi %add3A_252, %jit3A_253 : i32
    %ne3A_271 = arith.constant 0 : i32
    %ne3A_272 = arith.cmpi ne, %rem3A_270, %ne3A_271 : i32
    %and3A_273 = arith.andi %ne3A_269, %ne3A_272 : i1
    %sub3A_274 = arith.constant 1 : i32
    %sub3A_275 = arith.subi %div3A_254, %sub3A_274 : i32
    %select_n3A_276 = arith.select %and3A_273, %sub3A_275, %div3A_254 : i32
    %add3A_277 = arith.addi %add3A_247, %select_n3A_276 : i32
    %mul3A_278 = arith.constant 256 : i32
    %mul3A_279 = arith.muli %add3A_277, %mul3A_278 : i32
    %convert_element_type3A_280 = arith.fptosi %reduce_sum3A_55 : f32 to i32
    %add3A_281 = arith.constant 255 : i32
    %add3A_282 = arith.addi %convert_element_type3A_280, %add3A_281 : i32
    %jit3A_283 = arith.constant 256 : i32
    %div3A_284 = arith.divsi %add3A_282, %jit3A_283 : i32
    %sign3A_285 = arith.constant 0 : i32
    %sign3A_286 = arith.cmpi sgt, %add3A_282, %sign3A_285 : i32
    %sign3A_287 = arith.extui %sign3A_286 : i1 to i32
    %sign3A_288 = arith.constant 0 : i32
    %sign3A_289 = arith.cmpi slt, %add3A_282, %sign3A_288 : i32
    %sign3A_290 = arith.extui %sign3A_289 : i1 to i32
    %sign3A_291 = arith.subi %sign3A_287, %sign3A_290 : i32
    %sign3A_292 = arith.constant 0 : i32
    %sign3A_293 = arith.cmpi sgt, %jit3A_283, %sign3A_292 : i32
    %sign3A_294 = arith.extui %sign3A_293 : i1 to i32
    %sign3A_295 = arith.constant 0 : i32
    %sign3A_296 = arith.cmpi slt, %jit3A_283, %sign3A_295 : i32
    %sign3A_297 = arith.extui %sign3A_296 : i1 to i32
    %sign3A_298 = arith.subi %sign3A_294, %sign3A_297 : i32
    %ne3A_299 = arith.cmpi ne, %sign3A_291, %sign3A_298 : i32
    %rem3A_300 = arith.remsi %add3A_282, %jit3A_283 : i32
    %ne3A_301 = arith.constant 0 : i32
    %ne3A_302 = arith.cmpi ne, %rem3A_300, %ne3A_301 : i32
    %and3A_303 = arith.andi %ne3A_299, %ne3A_302 : i1
    %sub3A_304 = arith.constant 1 : i32
    %sub3A_305 = arith.subi %div3A_284, %sub3A_304 : i32
    %select_n3A_306 = arith.select %and3A_303, %sub3A_305, %div3A_284 : i32
    %add3A_307 = arith.addi %add3A_277, %select_n3A_306 : i32
    %mul3A_308 = arith.constant 256 : i32
    %mul3A_309 = arith.muli %add3A_307, %mul3A_308 : i32
    %convert_element_type3A_310 = arith.fptosi %reduce_sum3A_65 : f32 to i32
    %add3A_311 = arith.constant 255 : i32
    %add3A_312 = arith.addi %convert_element_type3A_310, %add3A_311 : i32
    %jit3A_313 = arith.constant 256 : i32
    %div3A_314 = arith.divsi %add3A_312, %jit3A_313 : i32
    %sign3A_315 = arith.constant 0 : i32
    %sign3A_316 = arith.cmpi sgt, %add3A_312, %sign3A_315 : i32
    %sign3A_317 = arith.extui %sign3A_316 : i1 to i32
    %sign3A_318 = arith.constant 0 : i32
    %sign3A_319 = arith.cmpi slt, %add3A_312, %sign3A_318 : i32
    %sign3A_320 = arith.extui %sign3A_319 : i1 to i32
    %sign3A_321 = arith.subi %sign3A_317, %sign3A_320 : i32
    %sign3A_322 = arith.constant 0 : i32
    %sign3A_323 = arith.cmpi sgt, %jit3A_313, %sign3A_322 : i32
    %sign3A_324 = arith.extui %sign3A_323 : i1 to i32
    %sign3A_325 = arith.constant 0 : i32
    %sign3A_326 = arith.cmpi slt, %jit3A_313, %sign3A_325 : i32
    %sign3A_327 = arith.extui %sign3A_326 : i1 to i32
    %sign3A_328 = arith.subi %sign3A_324, %sign3A_327 : i32
    %ne3A_329 = arith.cmpi ne, %sign3A_321, %sign3A_328 : i32
    %rem3A_330 = arith.remsi %add3A_312, %jit3A_313 : i32
    %ne3A_331 = arith.constant 0 : i32
    %ne3A_332 = arith.cmpi ne, %rem3A_330, %ne3A_331 : i32
    %and3A_333 = arith.andi %ne3A_329, %ne3A_332 : i1
    %sub3A_334 = arith.constant 1 : i32
    %sub3A_335 = arith.subi %div3A_314, %sub3A_334 : i32
    %select_n3A_336 = arith.select %and3A_333, %sub3A_335, %div3A_314 : i32
    %add3A_337 = arith.addi %add3A_307, %select_n3A_336 : i32
    %mul3A_338 = arith.constant 256 : i32
    %mul3A_339 = arith.muli %add3A_337, %mul3A_338 : i32
    %convert_element_type3A_340 = arith.fptosi %reduce_sum3A_75 : f32 to i32
    %add3A_341 = arith.constant 255 : i32
    %add3A_342 = arith.addi %convert_element_type3A_340, %add3A_341 : i32
    %jit3A_343 = arith.constant 256 : i32
    %div3A_344 = arith.divsi %add3A_342, %jit3A_343 : i32
    %sign3A_345 = arith.constant 0 : i32
    %sign3A_346 = arith.cmpi sgt, %add3A_342, %sign3A_345 : i32
    %sign3A_347 = arith.extui %sign3A_346 : i1 to i32
    %sign3A_348 = arith.constant 0 : i32
    %sign3A_349 = arith.cmpi slt, %add3A_342, %sign3A_348 : i32
    %sign3A_350 = arith.extui %sign3A_349 : i1 to i32
    %sign3A_351 = arith.subi %sign3A_347, %sign3A_350 : i32
    %sign3A_352 = arith.constant 0 : i32
    %sign3A_353 = arith.cmpi sgt, %jit3A_343, %sign3A_352 : i32
    %sign3A_354 = arith.extui %sign3A_353 : i1 to i32
    %sign3A_355 = arith.constant 0 : i32
    %sign3A_356 = arith.cmpi slt, %jit3A_343, %sign3A_355 : i32
    %sign3A_357 = arith.extui %sign3A_356 : i1 to i32
    %sign3A_358 = arith.subi %sign3A_354, %sign3A_357 : i32
    %ne3A_359 = arith.cmpi ne, %sign3A_351, %sign3A_358 : i32
    %rem3A_360 = arith.remsi %add3A_342, %jit3A_343 : i32
    %ne3A_361 = arith.constant 0 : i32
    %ne3A_362 = arith.cmpi ne, %rem3A_360, %ne3A_361 : i32
    %and3A_363 = arith.andi %ne3A_359, %ne3A_362 : i1
    %sub3A_364 = arith.constant 1 : i32
    %sub3A_365 = arith.subi %div3A_344, %sub3A_364 : i32
    %select_n3A_366 = arith.select %and3A_363, %sub3A_365, %div3A_344 : i32
    %add3A_367 = arith.addi %add3A_337, %select_n3A_366 : i32
    %mul3A_368 = arith.constant 256 : i32
    %mul3A_369 = arith.muli %add3A_367, %mul3A_368 : i32
    %convert_element_type3A_370 = arith.fptosi %reduce_sum3A_85 : f32 to i32
    %add3A_371 = arith.constant 255 : i32
    %add3A_372 = arith.addi %convert_element_type3A_370, %add3A_371 : i32
    %jit3A_373 = arith.constant 256 : i32
    %div3A_374 = arith.divsi %add3A_372, %jit3A_373 : i32
    %sign3A_375 = arith.constant 0 : i32
    %sign3A_376 = arith.cmpi sgt, %add3A_372, %sign3A_375 : i32
    %sign3A_377 = arith.extui %sign3A_376 : i1 to i32
    %sign3A_378 = arith.constant 0 : i32
    %sign3A_379 = arith.cmpi slt, %add3A_372, %sign3A_378 : i32
    %sign3A_380 = arith.extui %sign3A_379 : i1 to i32
    %sign3A_381 = arith.subi %sign3A_377, %sign3A_380 : i32
    %sign3A_382 = arith.constant 0 : i32
    %sign3A_383 = arith.cmpi sgt, %jit3A_373, %sign3A_382 : i32
    %sign3A_384 = arith.extui %sign3A_383 : i1 to i32
    %sign3A_385 = arith.constant 0 : i32
    %sign3A_386 = arith.cmpi slt, %jit3A_373, %sign3A_385 : i32
    %sign3A_387 = arith.extui %sign3A_386 : i1 to i32
    %sign3A_388 = arith.subi %sign3A_384, %sign3A_387 : i32
    %ne3A_389 = arith.cmpi ne, %sign3A_381, %sign3A_388 : i32
    %rem3A_390 = arith.remsi %add3A_372, %jit3A_373 : i32
    %ne3A_391 = arith.constant 0 : i32
    %ne3A_392 = arith.cmpi ne, %rem3A_390, %ne3A_391 : i32
    %and3A_393 = arith.andi %ne3A_389, %ne3A_392 : i1
    %sub3A_394 = arith.constant 1 : i32
    %sub3A_395 = arith.subi %div3A_374, %sub3A_394 : i32
    %select_n3A_396 = arith.select %and3A_393, %sub3A_395, %div3A_374 : i32
    %add3A_397 = arith.addi %add3A_367, %select_n3A_396 : i32
    %mul3A_398 = arith.constant 256 : i32
    %mul3A_399 = arith.muli %add3A_397, %mul3A_398 : i32
    %convert_element_type3A_400 = arith.fptosi %reduce_sum3A_95 : f32 to i32
    %add3A_401 = arith.constant 255 : i32
    %add3A_402 = arith.addi %convert_element_type3A_400, %add3A_401 : i32
    %jit3A_403 = arith.constant 256 : i32
    %div3A_404 = arith.divsi %add3A_402, %jit3A_403 : i32
    %sign3A_405 = arith.constant 0 : i32
    %sign3A_406 = arith.cmpi sgt, %add3A_402, %sign3A_405 : i32
    %sign3A_407 = arith.extui %sign3A_406 : i1 to i32
    %sign3A_408 = arith.constant 0 : i32
    %sign3A_409 = arith.cmpi slt, %add3A_402, %sign3A_408 : i32
    %sign3A_410 = arith.extui %sign3A_409 : i1 to i32
    %sign3A_411 = arith.subi %sign3A_407, %sign3A_410 : i32
    %sign3A_412 = arith.constant 0 : i32
    %sign3A_413 = arith.cmpi sgt, %jit3A_403, %sign3A_412 : i32
    %sign3A_414 = arith.extui %sign3A_413 : i1 to i32
    %sign3A_415 = arith.constant 0 : i32
    %sign3A_416 = arith.cmpi slt, %jit3A_403, %sign3A_415 : i32
    %sign3A_417 = arith.extui %sign3A_416 : i1 to i32
    %sign3A_418 = arith.subi %sign3A_414, %sign3A_417 : i32
    %ne3A_419 = arith.cmpi ne, %sign3A_411, %sign3A_418 : i32
    %rem3A_420 = arith.remsi %add3A_402, %jit3A_403 : i32
    %ne3A_421 = arith.constant 0 : i32
    %ne3A_422 = arith.cmpi ne, %rem3A_420, %ne3A_421 : i32
    %and3A_423 = arith.andi %ne3A_419, %ne3A_422 : i1
    %sub3A_424 = arith.constant 1 : i32
    %sub3A_425 = arith.subi %div3A_404, %sub3A_424 : i32
    %select_n3A_426 = arith.select %and3A_423, %sub3A_425, %div3A_404 : i32
    %add3A_427 = arith.addi %add3A_397, %select_n3A_426 : i32
    %mul3A_428 = arith.constant 256 : i32
    %mul3A_429 = arith.muli %add3A_427, %mul3A_428 : i32
    %convert_element_type3A_430 = arith.fptosi %reduce_sum3A_105 : f32 to i32
    %add3A_431 = arith.constant 255 : i32
    %add3A_432 = arith.addi %convert_element_type3A_430, %add3A_431 : i32
    %jit3A_433 = arith.constant 256 : i32
    %div3A_434 = arith.divsi %add3A_432, %jit3A_433 : i32
    %sign3A_435 = arith.constant 0 : i32
    %sign3A_436 = arith.cmpi sgt, %add3A_432, %sign3A_435 : i32
    %sign3A_437 = arith.extui %sign3A_436 : i1 to i32
    %sign3A_438 = arith.constant 0 : i32
    %sign3A_439 = arith.cmpi slt, %add3A_432, %sign3A_438 : i32
    %sign3A_440 = arith.extui %sign3A_439 : i1 to i32
    %sign3A_441 = arith.subi %sign3A_437, %sign3A_440 : i32
    %sign3A_442 = arith.constant 0 : i32
    %sign3A_443 = arith.cmpi sgt, %jit3A_433, %sign3A_442 : i32
    %sign3A_444 = arith.extui %sign3A_443 : i1 to i32
    %sign3A_445 = arith.constant 0 : i32
    %sign3A_446 = arith.cmpi slt, %jit3A_433, %sign3A_445 : i32
    %sign3A_447 = arith.extui %sign3A_446 : i1 to i32
    %sign3A_448 = arith.subi %sign3A_444, %sign3A_447 : i32
    %ne3A_449 = arith.cmpi ne, %sign3A_441, %sign3A_448 : i32
    %rem3A_450 = arith.remsi %add3A_432, %jit3A_433 : i32
    %ne3A_451 = arith.constant 0 : i32
    %ne3A_452 = arith.cmpi ne, %rem3A_450, %ne3A_451 : i32
    %and3A_453 = arith.andi %ne3A_449, %ne3A_452 : i1
    %sub3A_454 = arith.constant 1 : i32
    %sub3A_455 = arith.subi %div3A_434, %sub3A_454 : i32
    %select_n3A_456 = arith.select %and3A_453, %sub3A_455, %div3A_434 : i32
    %add3A_457 = arith.addi %add3A_427, %select_n3A_456 : i32
    %mul3A_458 = arith.constant 256 : i32
    %mul3A_459 = arith.muli %add3A_457, %mul3A_458 : i32
    %convert_element_type3A_460 = arith.fptosi %reduce_sum3A_115 : f32 to i32
    %add3A_461 = arith.constant 255 : i32
    %add3A_462 = arith.addi %convert_element_type3A_460, %add3A_461 : i32
    %jit3A_463 = arith.constant 256 : i32
    %div3A_464 = arith.divsi %add3A_462, %jit3A_463 : i32
    %sign3A_465 = arith.constant 0 : i32
    %sign3A_466 = arith.cmpi sgt, %add3A_462, %sign3A_465 : i32
    %sign3A_467 = arith.extui %sign3A_466 : i1 to i32
    %sign3A_468 = arith.constant 0 : i32
    %sign3A_469 = arith.cmpi slt, %add3A_462, %sign3A_468 : i32
    %sign3A_470 = arith.extui %sign3A_469 : i1 to i32
    %sign3A_471 = arith.subi %sign3A_467, %sign3A_470 : i32
    %sign3A_472 = arith.constant 0 : i32
    %sign3A_473 = arith.cmpi sgt, %jit3A_463, %sign3A_472 : i32
    %sign3A_474 = arith.extui %sign3A_473 : i1 to i32
    %sign3A_475 = arith.constant 0 : i32
    %sign3A_476 = arith.cmpi slt, %jit3A_463, %sign3A_475 : i32
    %sign3A_477 = arith.extui %sign3A_476 : i1 to i32
    %sign3A_478 = arith.subi %sign3A_474, %sign3A_477 : i32
    %ne3A_479 = arith.cmpi ne, %sign3A_471, %sign3A_478 : i32
    %rem3A_480 = arith.remsi %add3A_462, %jit3A_463 : i32
    %ne3A_481 = arith.constant 0 : i32
    %ne3A_482 = arith.cmpi ne, %rem3A_480, %ne3A_481 : i32
    %and3A_483 = arith.andi %ne3A_479, %ne3A_482 : i1
    %sub3A_484 = arith.constant 1 : i32
    %sub3A_485 = arith.subi %div3A_464, %sub3A_484 : i32
    %select_n3A_486 = arith.select %and3A_483, %sub3A_485, %div3A_464 : i32
    %add3A_487 = arith.addi %add3A_457, %select_n3A_486 : i32
    %mul3A_488 = arith.constant 256 : i32
    %mul3A_489 = arith.muli %add3A_487, %mul3A_488 : i32
    %convert_element_type3A_490 = arith.fptosi %reduce_sum3A_125 : f32 to i32
    %add3A_491 = arith.constant 255 : i32
    %add3A_492 = arith.addi %convert_element_type3A_490, %add3A_491 : i32
    %jit3A_493 = arith.constant 256 : i32
    %div3A_494 = arith.divsi %add3A_492, %jit3A_493 : i32
    %sign3A_495 = arith.constant 0 : i32
    %sign3A_496 = arith.cmpi sgt, %add3A_492, %sign3A_495 : i32
    %sign3A_497 = arith.extui %sign3A_496 : i1 to i32
    %sign3A_498 = arith.constant 0 : i32
    %sign3A_499 = arith.cmpi slt, %add3A_492, %sign3A_498 : i32
    %sign3A_500 = arith.extui %sign3A_499 : i1 to i32
    %sign3A_501 = arith.subi %sign3A_497, %sign3A_500 : i32
    %sign3A_502 = arith.constant 0 : i32
    %sign3A_503 = arith.cmpi sgt, %jit3A_493, %sign3A_502 : i32
    %sign3A_504 = arith.extui %sign3A_503 : i1 to i32
    %sign3A_505 = arith.constant 0 : i32
    %sign3A_506 = arith.cmpi slt, %jit3A_493, %sign3A_505 : i32
    %sign3A_507 = arith.extui %sign3A_506 : i1 to i32
    %sign3A_508 = arith.subi %sign3A_504, %sign3A_507 : i32
    %ne3A_509 = arith.cmpi ne, %sign3A_501, %sign3A_508 : i32
    %rem3A_510 = arith.remsi %add3A_492, %jit3A_493 : i32
    %ne3A_511 = arith.constant 0 : i32
    %ne3A_512 = arith.cmpi ne, %rem3A_510, %ne3A_511 : i32
    %and3A_513 = arith.andi %ne3A_509, %ne3A_512 : i1
    %sub3A_514 = arith.constant 1 : i32
    %sub3A_515 = arith.subi %div3A_494, %sub3A_514 : i32
    %select_n3A_516 = arith.select %and3A_513, %sub3A_515, %div3A_494 : i32
    %add3A_517 = arith.addi %add3A_487, %select_n3A_516 : i32
    %mul3A_518 = arith.constant 256 : i32
    %mul3A_519 = arith.muli %add3A_517, %mul3A_518 : i32
    %convert_element_type3A_520 = arith.fptosi %reduce_sum3A_135 : f32 to i32
    %add3A_521 = arith.constant 255 : i32
    %add3A_522 = arith.addi %convert_element_type3A_520, %add3A_521 : i32
    %jit3A_523 = arith.constant 256 : i32
    %div3A_524 = arith.divsi %add3A_522, %jit3A_523 : i32
    %sign3A_525 = arith.constant 0 : i32
    %sign3A_526 = arith.cmpi sgt, %add3A_522, %sign3A_525 : i32
    %sign3A_527 = arith.extui %sign3A_526 : i1 to i32
    %sign3A_528 = arith.constant 0 : i32
    %sign3A_529 = arith.cmpi slt, %add3A_522, %sign3A_528 : i32
    %sign3A_530 = arith.extui %sign3A_529 : i1 to i32
    %sign3A_531 = arith.subi %sign3A_527, %sign3A_530 : i32
    %sign3A_532 = arith.constant 0 : i32
    %sign3A_533 = arith.cmpi sgt, %jit3A_523, %sign3A_532 : i32
    %sign3A_534 = arith.extui %sign3A_533 : i1 to i32
    %sign3A_535 = arith.constant 0 : i32
    %sign3A_536 = arith.cmpi slt, %jit3A_523, %sign3A_535 : i32
    %sign3A_537 = arith.extui %sign3A_536 : i1 to i32
    %sign3A_538 = arith.subi %sign3A_534, %sign3A_537 : i32
    %ne3A_539 = arith.cmpi ne, %sign3A_531, %sign3A_538 : i32
    %rem3A_540 = arith.remsi %add3A_522, %jit3A_523 : i32
    %ne3A_541 = arith.constant 0 : i32
    %ne3A_542 = arith.cmpi ne, %rem3A_540, %ne3A_541 : i32
    %and3A_543 = arith.andi %ne3A_539, %ne3A_542 : i1
    %sub3A_544 = arith.constant 1 : i32
    %sub3A_545 = arith.subi %div3A_524, %sub3A_544 : i32
    %select_n3A_546 = arith.select %and3A_543, %sub3A_545, %div3A_524 : i32
    %add3A_547 = arith.addi %add3A_517, %select_n3A_546 : i32
    %mul3A_548 = arith.constant 256 : i32
    %mul3A_549 = arith.muli %add3A_547, %mul3A_548 : i32
    %convert_element_type3A_550 = arith.fptosi %reduce_sum3A_145 : f32 to i32
    %add3A_551 = arith.constant 255 : i32
    %add3A_552 = arith.addi %convert_element_type3A_550, %add3A_551 : i32
    %jit3A_553 = arith.constant 256 : i32
    %div3A_554 = arith.divsi %add3A_552, %jit3A_553 : i32
    %sign3A_555 = arith.constant 0 : i32
    %sign3A_556 = arith.cmpi sgt, %add3A_552, %sign3A_555 : i32
    %sign3A_557 = arith.extui %sign3A_556 : i1 to i32
    %sign3A_558 = arith.constant 0 : i32
    %sign3A_559 = arith.cmpi slt, %add3A_552, %sign3A_558 : i32
    %sign3A_560 = arith.extui %sign3A_559 : i1 to i32
    %sign3A_561 = arith.subi %sign3A_557, %sign3A_560 : i32
    %sign3A_562 = arith.constant 0 : i32
    %sign3A_563 = arith.cmpi sgt, %jit3A_553, %sign3A_562 : i32
    %sign3A_564 = arith.extui %sign3A_563 : i1 to i32
    %sign3A_565 = arith.constant 0 : i32
    %sign3A_566 = arith.cmpi slt, %jit3A_553, %sign3A_565 : i32
    %sign3A_567 = arith.extui %sign3A_566 : i1 to i32
    %sign3A_568 = arith.subi %sign3A_564, %sign3A_567 : i32
    %ne3A_569 = arith.cmpi ne, %sign3A_561, %sign3A_568 : i32
    %rem3A_570 = arith.remsi %add3A_552, %jit3A_553 : i32
    %ne3A_571 = arith.constant 0 : i32
    %ne3A_572 = arith.cmpi ne, %rem3A_570, %ne3A_571 : i32
    %and3A_573 = arith.andi %ne3A_569, %ne3A_572 : i1
    %sub3A_574 = arith.constant 1 : i32
    %sub3A_575 = arith.subi %div3A_554, %sub3A_574 : i32
    %select_n3A_576 = arith.select %and3A_573, %sub3A_575, %div3A_554 : i32
    %add3A_577 = arith.addi %add3A_547, %select_n3A_576 : i32
    %mul3A_578 = arith.constant 256 : i32
    %mul3A_579 = arith.muli %add3A_577, %mul3A_578 : i32
    %convert_element_type3A_580 = arith.fptosi %reduce_sum3A_155 : f32 to i32
    %add3A_581 = arith.constant 255 : i32
    %add3A_582 = arith.addi %convert_element_type3A_580, %add3A_581 : i32
    %jit3A_583 = arith.constant 256 : i32
    %div3A_584 = arith.divsi %add3A_582, %jit3A_583 : i32
    %sign3A_585 = arith.constant 0 : i32
    %sign3A_586 = arith.cmpi sgt, %add3A_582, %sign3A_585 : i32
    %sign3A_587 = arith.extui %sign3A_586 : i1 to i32
    %sign3A_588 = arith.constant 0 : i32
    %sign3A_589 = arith.cmpi slt, %add3A_582, %sign3A_588 : i32
    %sign3A_590 = arith.extui %sign3A_589 : i1 to i32
    %sign3A_591 = arith.subi %sign3A_587, %sign3A_590 : i32
    %sign3A_592 = arith.constant 0 : i32
    %sign3A_593 = arith.cmpi sgt, %jit3A_583, %sign3A_592 : i32
    %sign3A_594 = arith.extui %sign3A_593 : i1 to i32
    %sign3A_595 = arith.constant 0 : i32
    %sign3A_596 = arith.cmpi slt, %jit3A_583, %sign3A_595 : i32
    %sign3A_597 = arith.extui %sign3A_596 : i1 to i32
    %sign3A_598 = arith.subi %sign3A_594, %sign3A_597 : i32
    %ne3A_599 = arith.cmpi ne, %sign3A_591, %sign3A_598 : i32
    %rem3A_600 = arith.remsi %add3A_582, %jit3A_583 : i32
    %ne3A_601 = arith.constant 0 : i32
    %ne3A_602 = arith.cmpi ne, %rem3A_600, %ne3A_601 : i32
    %and3A_603 = arith.andi %ne3A_599, %ne3A_602 : i1
    %sub3A_604 = arith.constant 1 : i32
    %sub3A_605 = arith.subi %div3A_584, %sub3A_604 : i32
    %select_n3A_606 = arith.select %and3A_603, %sub3A_605, %div3A_584 : i32
    %add3A_607 = arith.addi %add3A_577, %select_n3A_606 : i32
    %mul3A_608 = arith.constant 256 : i32
    %mul3A_609 = arith.muli %add3A_607, %mul3A_608 : i32
    %convert_element_type3A_610 = arith.fptosi %reduce_sum3A_165 : f32 to i32
    %add3A_611 = arith.constant 255 : i32
    %add3A_612 = arith.addi %convert_element_type3A_610, %add3A_611 : i32
    %jit3A_613 = arith.constant 256 : i32
    %div3A_614 = arith.divsi %add3A_612, %jit3A_613 : i32
    %sign3A_615 = arith.constant 0 : i32
    %sign3A_616 = arith.cmpi sgt, %add3A_612, %sign3A_615 : i32
    %sign3A_617 = arith.extui %sign3A_616 : i1 to i32
    %sign3A_618 = arith.constant 0 : i32
    %sign3A_619 = arith.cmpi slt, %add3A_612, %sign3A_618 : i32
    %sign3A_620 = arith.extui %sign3A_619 : i1 to i32
    %sign3A_621 = arith.subi %sign3A_617, %sign3A_620 : i32
    %sign3A_622 = arith.constant 0 : i32
    %sign3A_623 = arith.cmpi sgt, %jit3A_613, %sign3A_622 : i32
    %sign3A_624 = arith.extui %sign3A_623 : i1 to i32
    %sign3A_625 = arith.constant 0 : i32
    %sign3A_626 = arith.cmpi slt, %jit3A_613, %sign3A_625 : i32
    %sign3A_627 = arith.extui %sign3A_626 : i1 to i32
    %sign3A_628 = arith.subi %sign3A_624, %sign3A_627 : i32
    %ne3A_629 = arith.cmpi ne, %sign3A_621, %sign3A_628 : i32
    %rem3A_630 = arith.remsi %add3A_612, %jit3A_613 : i32
    %ne3A_631 = arith.constant 0 : i32
    %ne3A_632 = arith.cmpi ne, %rem3A_630, %ne3A_631 : i32
    %and3A_633 = arith.andi %ne3A_629, %ne3A_632 : i1
    %sub3A_634 = arith.constant 1 : i32
    %sub3A_635 = arith.subi %div3A_614, %sub3A_634 : i32
    %select_n3A_636 = arith.select %and3A_633, %sub3A_635, %div3A_614 : i32
    %add3A_637 = arith.addi %add3A_607, %select_n3A_636 : i32
    %broadcast_in_dim3A = arith.constant 0.000000e+00 : f32
    %broadcast_in_dim3A_638 = vector.broadcast %broadcast_in_dim3A : f32 to vector<64x128xf32>
    %eq3A_639 = arith.constant 0 : i32
    %eq3A_640 = vector.broadcast %eq3A_639 : i32 to vector<64x128xi32>
    %eq3A_641 = arith.cmpi eq, %get3A_1, %eq3A_640 : vector<64x128xi32>
    %convert_element_type3A_642 = arith.extui %eq3A_641 : vector<64x128xi1> to vector<64x128xi32>
    %convert_element_type3A_643 = arith.sitofp %convert_element_type3A_642 : vector<64x128xi32> to vector<64x128xf32>
    %dot_general3A = arith.constant dense<0.000000e+00> : vector<64x128xf32>
    %dot_general3A_644 = tpu.matmul %convert_element_type3A_643, %convert_element_type3A_3, %dot_general3A {dimension_numbers = #tpu.dot_dimension_numbers<[1], [0], [0], [1], [0, 0, 1, 1], [], []>, transpose_lhs_hint = false} : vector<64x128xf32>, vector<128x128xf32>, vector<64x128xf32> -> vector<64x128xf32>
    %reduce_sum3A_645 = arith.constant dense<0.000000e+00> : vector<64xf32>
    %reduce_sum3A_646 = vector.multi_reduction <add>, %convert_element_type3A_643, %reduce_sum3A_645 [1] : vector<64x128xf32> to vector<64xf32>
    %broadcast_in_dim3A_647 = vector.shape_cast %reduce_sum3A_646 : vector<64xf32> to vector<64x1xf32>
    %dot_general3A_648 = arith.constant dense<0.000000e+00> : vector<64x1xf32>
    %dot_general3A_649 = tpu.matmul %convert_element_type3A_7, %broadcast_in_dim3A_647, %dot_general3A_648 {dimension_numbers = #tpu.dot_dimension_numbers<[1], [0], [0], [1], [0, 0, 1, 1], [], []>, transpose_lhs_hint = false} : vector<64x64xf32>, vector<64x1xf32>, vector<64x1xf32> -> vector<64x1xf32>
    %add3A_650 = vector.broadcast %dot_general3A_649 : vector<64x1xf32> to vector<64x128xf32>
    %add3A_651 = arith.addf %add3A_650, %dot_general3A_644 : vector<64x128xf32>
    %sub3A_652 = arith.constant 1.000000e+00 : f32
    %sub3A_653 = vector.broadcast %sub3A_652 : f32 to vector<64x128xf32>
    %sub3A_654 = arith.subf %add3A_651, %sub3A_653 : vector<64x128xf32>
    %convert_element_type3A_655 = arith.sitofp %mul3A_167 : i32 to f32
    %add3A_656 = vector.broadcast %convert_element_type3A_655 : f32 to vector<64x128xf32>
    %add3A_657 = arith.addf %add3A_656, %sub3A_654 : vector<64x128xf32>
    %mul3A_658 = arith.mulf %convert_element_type3A_643, %add3A_657 : vector<64x128xf32>
    %add3A_659 = arith.addf %broadcast_in_dim3A_638, %mul3A_658 : vector<64x128xf32>
    %eq3A_660 = arith.constant 1 : i32
    %eq3A_661 = vector.broadcast %eq3A_660 : i32 to vector<64x128xi32>
    %eq3A_662 = arith.cmpi eq, %get3A_1, %eq3A_661 : vector<64x128xi32>
    %convert_element_type3A_663 = arith.extui %eq3A_662 : vector<64x128xi1> to vector<64x128xi32>
    %convert_element_type3A_664 = arith.sitofp %convert_element_type3A_663 : vector<64x128xi32> to vector<64x128xf32>
    %dot_general3A_665 = arith.constant dense<0.000000e+00> : vector<64x128xf32>
    %dot_general3A_666 = tpu.matmul %convert_element_type3A_664, %convert_element_type3A_3, %dot_general3A_665 {dimension_numbers = #tpu.dot_dimension_numbers<[1], [0], [0], [1], [0, 0, 1, 1], [], []>, transpose_lhs_hint = false} : vector<64x128xf32>, vector<128x128xf32>, vector<64x128xf32> -> vector<64x128xf32>
    %reduce_sum3A_667 = arith.constant dense<0.000000e+00> : vector<64xf32>
    %reduce_sum3A_668 = vector.multi_reduction <add>, %convert_element_type3A_664, %reduce_sum3A_667 [1] : vector<64x128xf32> to vector<64xf32>
    %broadcast_in_dim3A_669 = vector.shape_cast %reduce_sum3A_668 : vector<64xf32> to vector<64x1xf32>
    %dot_general3A_670 = arith.constant dense<0.000000e+00> : vector<64x1xf32>
    %dot_general3A_671 = tpu.matmul %convert_element_type3A_7, %broadcast_in_dim3A_669, %dot_general3A_670 {dimension_numbers = #tpu.dot_dimension_numbers<[1], [0], [0], [1], [0, 0, 1, 1], [], []>, transpose_lhs_hint = false} : vector<64x64xf32>, vector<64x1xf32>, vector<64x1xf32> -> vector<64x1xf32>
    %add3A_672 = vector.broadcast %dot_general3A_671 : vector<64x1xf32> to vector<64x128xf32>
    %add3A_673 = arith.addf %add3A_672, %dot_general3A_666 : vector<64x128xf32>
    %sub3A_674 = arith.constant 1.000000e+00 : f32
    %sub3A_675 = vector.broadcast %sub3A_674 : f32 to vector<64x128xf32>
    %sub3A_676 = arith.subf %add3A_673, %sub3A_675 : vector<64x128xf32>
    %convert_element_type3A_677 = arith.sitofp %mul3A_189 : i32 to f32
    %add3A_678 = vector.broadcast %convert_element_type3A_677 : f32 to vector<64x128xf32>
    %add3A_679 = arith.addf %add3A_678, %sub3A_676 : vector<64x128xf32>
    %mul3A_680 = arith.mulf %convert_element_type3A_664, %add3A_679 : vector<64x128xf32>
    %add3A_681 = arith.addf %add3A_659, %mul3A_680 : vector<64x128xf32>
    %eq3A_682 = arith.constant 2 : i32
    %eq3A_683 = vector.broadcast %eq3A_682 : i32 to vector<64x128xi32>
    %eq3A_684 = arith.cmpi eq, %get3A_1, %eq3A_683 : vector<64x128xi32>
    %convert_element_type3A_685 = arith.extui %eq3A_684 : vector<64x128xi1> to vector<64x128xi32>
    %convert_element_type3A_686 = arith.sitofp %convert_element_type3A_685 : vector<64x128xi32> to vector<64x128xf32>
    %dot_general3A_687 = arith.constant dense<0.000000e+00> : vector<64x128xf32>
    %dot_general3A_688 = tpu.matmul %convert_element_type3A_686, %convert_element_type3A_3, %dot_general3A_687 {dimension_numbers = #tpu.dot_dimension_numbers<[1], [0], [0], [1], [0, 0, 1, 1], [], []>, transpose_lhs_hint = false} : vector<64x128xf32>, vector<128x128xf32>, vector<64x128xf32> -> vector<64x128xf32>
    %reduce_sum3A_689 = arith.constant dense<0.000000e+00> : vector<64xf32>
    %reduce_sum3A_690 = vector.multi_reduction <add>, %convert_element_type3A_686, %reduce_sum3A_689 [1] : vector<64x128xf32> to vector<64xf32>
    %broadcast_in_dim3A_691 = vector.shape_cast %reduce_sum3A_690 : vector<64xf32> to vector<64x1xf32>
    %dot_general3A_692 = arith.constant dense<0.000000e+00> : vector<64x1xf32>
    %dot_general3A_693 = tpu.matmul %convert_element_type3A_7, %broadcast_in_dim3A_691, %dot_general3A_692 {dimension_numbers = #tpu.dot_dimension_numbers<[1], [0], [0], [1], [0, 0, 1, 1], [], []>, transpose_lhs_hint = false} : vector<64x64xf32>, vector<64x1xf32>, vector<64x1xf32> -> vector<64x1xf32>
    %add3A_694 = vector.broadcast %dot_general3A_693 : vector<64x1xf32> to vector<64x128xf32>
    %add3A_695 = arith.addf %add3A_694, %dot_general3A_688 : vector<64x128xf32>
    %sub3A_696 = arith.constant 1.000000e+00 : f32
    %sub3A_697 = vector.broadcast %sub3A_696 : f32 to vector<64x128xf32>
    %sub3A_698 = arith.subf %add3A_695, %sub3A_697 : vector<64x128xf32>
    %convert_element_type3A_699 = arith.sitofp %mul3A_219 : i32 to f32
    %add3A_700 = vector.broadcast %convert_element_type3A_699 : f32 to vector<64x128xf32>
    %add3A_701 = arith.addf %add3A_700, %sub3A_698 : vector<64x128xf32>
    %mul3A_702 = arith.mulf %convert_element_type3A_686, %add3A_701 : vector<64x128xf32>
    %add3A_703 = arith.addf %add3A_681, %mul3A_702 : vector<64x128xf32>
    %eq3A_704 = arith.constant 3 : i32
    %eq3A_705 = vector.broadcast %eq3A_704 : i32 to vector<64x128xi32>
    %eq3A_706 = arith.cmpi eq, %get3A_1, %eq3A_705 : vector<64x128xi32>
    %convert_element_type3A_707 = arith.extui %eq3A_706 : vector<64x128xi1> to vector<64x128xi32>
    %convert_element_type3A_708 = arith.sitofp %convert_element_type3A_707 : vector<64x128xi32> to vector<64x128xf32>
    %dot_general3A_709 = arith.constant dense<0.000000e+00> : vector<64x128xf32>
    %dot_general3A_710 = tpu.matmul %convert_element_type3A_708, %convert_element_type3A_3, %dot_general3A_709 {dimension_numbers = #tpu.dot_dimension_numbers<[1], [0], [0], [1], [0, 0, 1, 1], [], []>, transpose_lhs_hint = false} : vector<64x128xf32>, vector<128x128xf32>, vector<64x128xf32> -> vector<64x128xf32>
    %reduce_sum3A_711 = arith.constant dense<0.000000e+00> : vector<64xf32>
    %reduce_sum3A_712 = vector.multi_reduction <add>, %convert_element_type3A_708, %reduce_sum3A_711 [1] : vector<64x128xf32> to vector<64xf32>
    %broadcast_in_dim3A_713 = vector.shape_cast %reduce_sum3A_712 : vector<64xf32> to vector<64x1xf32>
    %dot_general3A_714 = arith.constant dense<0.000000e+00> : vector<64x1xf32>
    %dot_general3A_715 = tpu.matmul %convert_element_type3A_7, %broadcast_in_dim3A_713, %dot_general3A_714 {dimension_numbers = #tpu.dot_dimension_numbers<[1], [0], [0], [1], [0, 0, 1, 1], [], []>, transpose_lhs_hint = false} : vector<64x64xf32>, vector<64x1xf32>, vector<64x1xf32> -> vector<64x1xf32>
    %add3A_716 = vector.broadcast %dot_general3A_715 : vector<64x1xf32> to vector<64x128xf32>
    %add3A_717 = arith.addf %add3A_716, %dot_general3A_710 : vector<64x128xf32>
    %sub3A_718 = arith.constant 1.000000e+00 : f32
    %sub3A_719 = vector.broadcast %sub3A_718 : f32 to vector<64x128xf32>
    %sub3A_720 = arith.subf %add3A_717, %sub3A_719 : vector<64x128xf32>
    %convert_element_type3A_721 = arith.sitofp %mul3A_249 : i32 to f32
    %add3A_722 = vector.broadcast %convert_element_type3A_721 : f32 to vector<64x128xf32>
    %add3A_723 = arith.addf %add3A_722, %sub3A_720 : vector<64x128xf32>
    %mul3A_724 = arith.mulf %convert_element_type3A_708, %add3A_723 : vector<64x128xf32>
    %add3A_725 = arith.addf %add3A_703, %mul3A_724 : vector<64x128xf32>
    %eq3A_726 = arith.constant 4 : i32
    %eq3A_727 = vector.broadcast %eq3A_726 : i32 to vector<64x128xi32>
    %eq3A_728 = arith.cmpi eq, %get3A_1, %eq3A_727 : vector<64x128xi32>
    %convert_element_type3A_729 = arith.extui %eq3A_728 : vector<64x128xi1> to vector<64x128xi32>
    %convert_element_type3A_730 = arith.sitofp %convert_element_type3A_729 : vector<64x128xi32> to vector<64x128xf32>
    %dot_general3A_731 = arith.constant dense<0.000000e+00> : vector<64x128xf32>
    %dot_general3A_732 = tpu.matmul %convert_element_type3A_730, %convert_element_type3A_3, %dot_general3A_731 {dimension_numbers = #tpu.dot_dimension_numbers<[1], [0], [0], [1], [0, 0, 1, 1], [], []>, transpose_lhs_hint = false} : vector<64x128xf32>, vector<128x128xf32>, vector<64x128xf32> -> vector<64x128xf32>
    %reduce_sum3A_733 = arith.constant dense<0.000000e+00> : vector<64xf32>
    %reduce_sum3A_734 = vector.multi_reduction <add>, %convert_element_type3A_730, %reduce_sum3A_733 [1] : vector<64x128xf32> to vector<64xf32>
    %broadcast_in_dim3A_735 = vector.shape_cast %reduce_sum3A_734 : vector<64xf32> to vector<64x1xf32>
    %dot_general3A_736 = arith.constant dense<0.000000e+00> : vector<64x1xf32>
    %dot_general3A_737 = tpu.matmul %convert_element_type3A_7, %broadcast_in_dim3A_735, %dot_general3A_736 {dimension_numbers = #tpu.dot_dimension_numbers<[1], [0], [0], [1], [0, 0, 1, 1], [], []>, transpose_lhs_hint = false} : vector<64x64xf32>, vector<64x1xf32>, vector<64x1xf32> -> vector<64x1xf32>
    %add3A_738 = vector.broadcast %dot_general3A_737 : vector<64x1xf32> to vector<64x128xf32>
    %add3A_739 = arith.addf %add3A_738, %dot_general3A_732 : vector<64x128xf32>
    %sub3A_740 = arith.constant 1.000000e+00 : f32
    %sub3A_741 = vector.broadcast %sub3A_740 : f32 to vector<64x128xf32>
    %sub3A_742 = arith.subf %add3A_739, %sub3A_741 : vector<64x128xf32>
    %convert_element_type3A_743 = arith.sitofp %mul3A_279 : i32 to f32
    %add3A_744 = vector.broadcast %convert_element_type3A_743 : f32 to vector<64x128xf32>
    %add3A_745 = arith.addf %add3A_744, %sub3A_742 : vector<64x128xf32>
    %mul3A_746 = arith.mulf %convert_element_type3A_730, %add3A_745 : vector<64x128xf32>
    %add3A_747 = arith.addf %add3A_725, %mul3A_746 : vector<64x128xf32>
    %eq3A_748 = arith.constant 5 : i32
    %eq3A_749 = vector.broadcast %eq3A_748 : i32 to vector<64x128xi32>
    %eq3A_750 = arith.cmpi eq, %get3A_1, %eq3A_749 : vector<64x128xi32>
    %convert_element_type3A_751 = arith.extui %eq3A_750 : vector<64x128xi1> to vector<64x128xi32>
    %convert_element_type3A_752 = arith.sitofp %convert_element_type3A_751 : vector<64x128xi32> to vector<64x128xf32>
    %dot_general3A_753 = arith.constant dense<0.000000e+00> : vector<64x128xf32>
    %dot_general3A_754 = tpu.matmul %convert_element_type3A_752, %convert_element_type3A_3, %dot_general3A_753 {dimension_numbers = #tpu.dot_dimension_numbers<[1], [0], [0], [1], [0, 0, 1, 1], [], []>, transpose_lhs_hint = false} : vector<64x128xf32>, vector<128x128xf32>, vector<64x128xf32> -> vector<64x128xf32>
    %reduce_sum3A_755 = arith.constant dense<0.000000e+00> : vector<64xf32>
    %reduce_sum3A_756 = vector.multi_reduction <add>, %convert_element_type3A_752, %reduce_sum3A_755 [1] : vector<64x128xf32> to vector<64xf32>
    %broadcast_in_dim3A_757 = vector.shape_cast %reduce_sum3A_756 : vector<64xf32> to vector<64x1xf32>
    %dot_general3A_758 = arith.constant dense<0.000000e+00> : vector<64x1xf32>
    %dot_general3A_759 = tpu.matmul %convert_element_type3A_7, %broadcast_in_dim3A_757, %dot_general3A_758 {dimension_numbers = #tpu.dot_dimension_numbers<[1], [0], [0], [1], [0, 0, 1, 1], [], []>, transpose_lhs_hint = false} : vector<64x64xf32>, vector<64x1xf32>, vector<64x1xf32> -> vector<64x1xf32>
    %add3A_760 = vector.broadcast %dot_general3A_759 : vector<64x1xf32> to vector<64x128xf32>
    %add3A_761 = arith.addf %add3A_760, %dot_general3A_754 : vector<64x128xf32>
    %sub3A_762 = arith.constant 1.000000e+00 : f32
    %sub3A_763 = vector.broadcast %sub3A_762 : f32 to vector<64x128xf32>
    %sub3A_764 = arith.subf %add3A_761, %sub3A_763 : vector<64x128xf32>
    %convert_element_type3A_765 = arith.sitofp %mul3A_309 : i32 to f32
    %add3A_766 = vector.broadcast %convert_element_type3A_765 : f32 to vector<64x128xf32>
    %add3A_767 = arith.addf %add3A_766, %sub3A_764 : vector<64x128xf32>
    %mul3A_768 = arith.mulf %convert_element_type3A_752, %add3A_767 : vector<64x128xf32>
    %add3A_769 = arith.addf %add3A_747, %mul3A_768 : vector<64x128xf32>
    %eq3A_770 = arith.constant 6 : i32
    %eq3A_771 = vector.broadcast %eq3A_770 : i32 to vector<64x128xi32>
    %eq3A_772 = arith.cmpi eq, %get3A_1, %eq3A_771 : vector<64x128xi32>
    %convert_element_type3A_773 = arith.extui %eq3A_772 : vector<64x128xi1> to vector<64x128xi32>
    %convert_element_type3A_774 = arith.sitofp %convert_element_type3A_773 : vector<64x128xi32> to vector<64x128xf32>
    %dot_general3A_775 = arith.constant dense<0.000000e+00> : vector<64x128xf32>
    %dot_general3A_776 = tpu.matmul %convert_element_type3A_774, %convert_element_type3A_3, %dot_general3A_775 {dimension_numbers = #tpu.dot_dimension_numbers<[1], [0], [0], [1], [0, 0, 1, 1], [], []>, transpose_lhs_hint = false} : vector<64x128xf32>, vector<128x128xf32>, vector<64x128xf32> -> vector<64x128xf32>
    %reduce_sum3A_777 = arith.constant dense<0.000000e+00> : vector<64xf32>
    %reduce_sum3A_778 = vector.multi_reduction <add>, %convert_element_type3A_774, %reduce_sum3A_777 [1] : vector<64x128xf32> to vector<64xf32>
    %broadcast_in_dim3A_779 = vector.shape_cast %reduce_sum3A_778 : vector<64xf32> to vector<64x1xf32>
    %dot_general3A_780 = arith.constant dense<0.000000e+00> : vector<64x1xf32>
    %dot_general3A_781 = tpu.matmul %convert_element_type3A_7, %broadcast_in_dim3A_779, %dot_general3A_780 {dimension_numbers = #tpu.dot_dimension_numbers<[1], [0], [0], [1], [0, 0, 1, 1], [], []>, transpose_lhs_hint = false} : vector<64x64xf32>, vector<64x1xf32>, vector<64x1xf32> -> vector<64x1xf32>
    %add3A_782 = vector.broadcast %dot_general3A_781 : vector<64x1xf32> to vector<64x128xf32>
    %add3A_783 = arith.addf %add3A_782, %dot_general3A_776 : vector<64x128xf32>
    %sub3A_784 = arith.constant 1.000000e+00 : f32
    %sub3A_785 = vector.broadcast %sub3A_784 : f32 to vector<64x128xf32>
    %sub3A_786 = arith.subf %add3A_783, %sub3A_785 : vector<64x128xf32>
    %convert_element_type3A_787 = arith.sitofp %mul3A_339 : i32 to f32
    %add3A_788 = vector.broadcast %convert_element_type3A_787 : f32 to vector<64x128xf32>
    %add3A_789 = arith.addf %add3A_788, %sub3A_786 : vector<64x128xf32>
    %mul3A_790 = arith.mulf %convert_element_type3A_774, %add3A_789 : vector<64x128xf32>
    %add3A_791 = arith.addf %add3A_769, %mul3A_790 : vector<64x128xf32>
    %eq3A_792 = arith.constant 7 : i32
    %eq3A_793 = vector.broadcast %eq3A_792 : i32 to vector<64x128xi32>
    %eq3A_794 = arith.cmpi eq, %get3A_1, %eq3A_793 : vector<64x128xi32>
    %convert_element_type3A_795 = arith.extui %eq3A_794 : vector<64x128xi1> to vector<64x128xi32>
    %convert_element_type3A_796 = arith.sitofp %convert_element_type3A_795 : vector<64x128xi32> to vector<64x128xf32>
    %dot_general3A_797 = arith.constant dense<0.000000e+00> : vector<64x128xf32>
    %dot_general3A_798 = tpu.matmul %convert_element_type3A_796, %convert_element_type3A_3, %dot_general3A_797 {dimension_numbers = #tpu.dot_dimension_numbers<[1], [0], [0], [1], [0, 0, 1, 1], [], []>, transpose_lhs_hint = false} : vector<64x128xf32>, vector<128x128xf32>, vector<64x128xf32> -> vector<64x128xf32>
    %reduce_sum3A_799 = arith.constant dense<0.000000e+00> : vector<64xf32>
    %reduce_sum3A_800 = vector.multi_reduction <add>, %convert_element_type3A_796, %reduce_sum3A_799 [1] : vector<64x128xf32> to vector<64xf32>
    %broadcast_in_dim3A_801 = vector.shape_cast %reduce_sum3A_800 : vector<64xf32> to vector<64x1xf32>
    %dot_general3A_802 = arith.constant dense<0.000000e+00> : vector<64x1xf32>
    %dot_general3A_803 = tpu.matmul %convert_element_type3A_7, %broadcast_in_dim3A_801, %dot_general3A_802 {dimension_numbers = #tpu.dot_dimension_numbers<[1], [0], [0], [1], [0, 0, 1, 1], [], []>, transpose_lhs_hint = false} : vector<64x64xf32>, vector<64x1xf32>, vector<64x1xf32> -> vector<64x1xf32>
    %add3A_804 = vector.broadcast %dot_general3A_803 : vector<64x1xf32> to vector<64x128xf32>
    %add3A_805 = arith.addf %add3A_804, %dot_general3A_798 : vector<64x128xf32>
    %sub3A_806 = arith.constant 1.000000e+00 : f32
    %sub3A_807 = vector.broadcast %sub3A_806 : f32 to vector<64x128xf32>
    %sub3A_808 = arith.subf %add3A_805, %sub3A_807 : vector<64x128xf32>
    %convert_element_type3A_809 = arith.sitofp %mul3A_369 : i32 to f32
    %add3A_810 = vector.broadcast %convert_element_type3A_809 : f32 to vector<64x128xf32>
    %add3A_811 = arith.addf %add3A_810, %sub3A_808 : vector<64x128xf32>
    %mul3A_812 = arith.mulf %convert_element_type3A_796, %add3A_811 : vector<64x128xf32>
    %add3A_813 = arith.addf %add3A_791, %mul3A_812 : vector<64x128xf32>
    %eq3A_814 = arith.constant 8 : i32
    %eq3A_815 = vector.broadcast %eq3A_814 : i32 to vector<64x128xi32>
    %eq3A_816 = arith.cmpi eq, %get3A_1, %eq3A_815 : vector<64x128xi32>
    %convert_element_type3A_817 = arith.extui %eq3A_816 : vector<64x128xi1> to vector<64x128xi32>
    %convert_element_type3A_818 = arith.sitofp %convert_element_type3A_817 : vector<64x128xi32> to vector<64x128xf32>
    %dot_general3A_819 = arith.constant dense<0.000000e+00> : vector<64x128xf32>
    %dot_general3A_820 = tpu.matmul %convert_element_type3A_818, %convert_element_type3A_3, %dot_general3A_819 {dimension_numbers = #tpu.dot_dimension_numbers<[1], [0], [0], [1], [0, 0, 1, 1], [], []>, transpose_lhs_hint = false} : vector<64x128xf32>, vector<128x128xf32>, vector<64x128xf32> -> vector<64x128xf32>
    %reduce_sum3A_821 = arith.constant dense<0.000000e+00> : vector<64xf32>
    %reduce_sum3A_822 = vector.multi_reduction <add>, %convert_element_type3A_818, %reduce_sum3A_821 [1] : vector<64x128xf32> to vector<64xf32>
    %broadcast_in_dim3A_823 = vector.shape_cast %reduce_sum3A_822 : vector<64xf32> to vector<64x1xf32>
    %dot_general3A_824 = arith.constant dense<0.000000e+00> : vector<64x1xf32>
    %dot_general3A_825 = tpu.matmul %convert_element_type3A_7, %broadcast_in_dim3A_823, %dot_general3A_824 {dimension_numbers = #tpu.dot_dimension_numbers<[1], [0], [0], [1], [0, 0, 1, 1], [], []>, transpose_lhs_hint = false} : vector<64x64xf32>, vector<64x1xf32>, vector<64x1xf32> -> vector<64x1xf32>
    %add3A_826 = vector.broadcast %dot_general3A_825 : vector<64x1xf32> to vector<64x128xf32>
    %add3A_827 = arith.addf %add3A_826, %dot_general3A_820 : vector<64x128xf32>
    %sub3A_828 = arith.constant 1.000000e+00 : f32
    %sub3A_829 = vector.broadcast %sub3A_828 : f32 to vector<64x128xf32>
    %sub3A_830 = arith.subf %add3A_827, %sub3A_829 : vector<64x128xf32>
    %convert_element_type3A_831 = arith.sitofp %mul3A_399 : i32 to f32
    %add3A_832 = vector.broadcast %convert_element_type3A_831 : f32 to vector<64x128xf32>
    %add3A_833 = arith.addf %add3A_832, %sub3A_830 : vector<64x128xf32>
    %mul3A_834 = arith.mulf %convert_element_type3A_818, %add3A_833 : vector<64x128xf32>
    %add3A_835 = arith.addf %add3A_813, %mul3A_834 : vector<64x128xf32>
    %eq3A_836 = arith.constant 9 : i32
    %eq3A_837 = vector.broadcast %eq3A_836 : i32 to vector<64x128xi32>
    %eq3A_838 = arith.cmpi eq, %get3A_1, %eq3A_837 : vector<64x128xi32>
    %convert_element_type3A_839 = arith.extui %eq3A_838 : vector<64x128xi1> to vector<64x128xi32>
    %convert_element_type3A_840 = arith.sitofp %convert_element_type3A_839 : vector<64x128xi32> to vector<64x128xf32>
    %dot_general3A_841 = arith.constant dense<0.000000e+00> : vector<64x128xf32>
    %dot_general3A_842 = tpu.matmul %convert_element_type3A_840, %convert_element_type3A_3, %dot_general3A_841 {dimension_numbers = #tpu.dot_dimension_numbers<[1], [0], [0], [1], [0, 0, 1, 1], [], []>, transpose_lhs_hint = false} : vector<64x128xf32>, vector<128x128xf32>, vector<64x128xf32> -> vector<64x128xf32>
    %reduce_sum3A_843 = arith.constant dense<0.000000e+00> : vector<64xf32>
    %reduce_sum3A_844 = vector.multi_reduction <add>, %convert_element_type3A_840, %reduce_sum3A_843 [1] : vector<64x128xf32> to vector<64xf32>
    %broadcast_in_dim3A_845 = vector.shape_cast %reduce_sum3A_844 : vector<64xf32> to vector<64x1xf32>
    %dot_general3A_846 = arith.constant dense<0.000000e+00> : vector<64x1xf32>
    %dot_general3A_847 = tpu.matmul %convert_element_type3A_7, %broadcast_in_dim3A_845, %dot_general3A_846 {dimension_numbers = #tpu.dot_dimension_numbers<[1], [0], [0], [1], [0, 0, 1, 1], [], []>, transpose_lhs_hint = false} : vector<64x64xf32>, vector<64x1xf32>, vector<64x1xf32> -> vector<64x1xf32>
    %add3A_848 = vector.broadcast %dot_general3A_847 : vector<64x1xf32> to vector<64x128xf32>
    %add3A_849 = arith.addf %add3A_848, %dot_general3A_842 : vector<64x128xf32>
    %sub3A_850 = arith.constant 1.000000e+00 : f32
    %sub3A_851 = vector.broadcast %sub3A_850 : f32 to vector<64x128xf32>
    %sub3A_852 = arith.subf %add3A_849, %sub3A_851 : vector<64x128xf32>
    %convert_element_type3A_853 = arith.sitofp %mul3A_429 : i32 to f32
    %add3A_854 = vector.broadcast %convert_element_type3A_853 : f32 to vector<64x128xf32>
    %add3A_855 = arith.addf %add3A_854, %sub3A_852 : vector<64x128xf32>
    %mul3A_856 = arith.mulf %convert_element_type3A_840, %add3A_855 : vector<64x128xf32>
    %add3A_857 = arith.addf %add3A_835, %mul3A_856 : vector<64x128xf32>
    %eq3A_858 = arith.constant 10 : i32
    %eq3A_859 = vector.broadcast %eq3A_858 : i32 to vector<64x128xi32>
    %eq3A_860 = arith.cmpi eq, %get3A_1, %eq3A_859 : vector<64x128xi32>
    %convert_element_type3A_861 = arith.extui %eq3A_860 : vector<64x128xi1> to vector<64x128xi32>
    %convert_element_type3A_862 = arith.sitofp %convert_element_type3A_861 : vector<64x128xi32> to vector<64x128xf32>
    %dot_general3A_863 = arith.constant dense<0.000000e+00> : vector<64x128xf32>
    %dot_general3A_864 = tpu.matmul %convert_element_type3A_862, %convert_element_type3A_3, %dot_general3A_863 {dimension_numbers = #tpu.dot_dimension_numbers<[1], [0], [0], [1], [0, 0, 1, 1], [], []>, transpose_lhs_hint = false} : vector<64x128xf32>, vector<128x128xf32>, vector<64x128xf32> -> vector<64x128xf32>
    %reduce_sum3A_865 = arith.constant dense<0.000000e+00> : vector<64xf32>
    %reduce_sum3A_866 = vector.multi_reduction <add>, %convert_element_type3A_862, %reduce_sum3A_865 [1] : vector<64x128xf32> to vector<64xf32>
    %broadcast_in_dim3A_867 = vector.shape_cast %reduce_sum3A_866 : vector<64xf32> to vector<64x1xf32>
    %dot_general3A_868 = arith.constant dense<0.000000e+00> : vector<64x1xf32>
    %dot_general3A_869 = tpu.matmul %convert_element_type3A_7, %broadcast_in_dim3A_867, %dot_general3A_868 {dimension_numbers = #tpu.dot_dimension_numbers<[1], [0], [0], [1], [0, 0, 1, 1], [], []>, transpose_lhs_hint = false} : vector<64x64xf32>, vector<64x1xf32>, vector<64x1xf32> -> vector<64x1xf32>
    %add3A_870 = vector.broadcast %dot_general3A_869 : vector<64x1xf32> to vector<64x128xf32>
    %add3A_871 = arith.addf %add3A_870, %dot_general3A_864 : vector<64x128xf32>
    %sub3A_872 = arith.constant 1.000000e+00 : f32
    %sub3A_873 = vector.broadcast %sub3A_872 : f32 to vector<64x128xf32>
    %sub3A_874 = arith.subf %add3A_871, %sub3A_873 : vector<64x128xf32>
    %convert_element_type3A_875 = arith.sitofp %mul3A_459 : i32 to f32
    %add3A_876 = vector.broadcast %convert_element_type3A_875 : f32 to vector<64x128xf32>
    %add3A_877 = arith.addf %add3A_876, %sub3A_874 : vector<64x128xf32>
    %mul3A_878 = arith.mulf %convert_element_type3A_862, %add3A_877 : vector<64x128xf32>
    %add3A_879 = arith.addf %add3A_857, %mul3A_878 : vector<64x128xf32>
    %eq3A_880 = arith.constant 11 : i32
    %eq3A_881 = vector.broadcast %eq3A_880 : i32 to vector<64x128xi32>
    %eq3A_882 = arith.cmpi eq, %get3A_1, %eq3A_881 : vector<64x128xi32>
    %convert_element_type3A_883 = arith.extui %eq3A_882 : vector<64x128xi1> to vector<64x128xi32>
    %convert_element_type3A_884 = arith.sitofp %convert_element_type3A_883 : vector<64x128xi32> to vector<64x128xf32>
    %dot_general3A_885 = arith.constant dense<0.000000e+00> : vector<64x128xf32>
    %dot_general3A_886 = tpu.matmul %convert_element_type3A_884, %convert_element_type3A_3, %dot_general3A_885 {dimension_numbers = #tpu.dot_dimension_numbers<[1], [0], [0], [1], [0, 0, 1, 1], [], []>, transpose_lhs_hint = false} : vector<64x128xf32>, vector<128x128xf32>, vector<64x128xf32> -> vector<64x128xf32>
    %reduce_sum3A_887 = arith.constant dense<0.000000e+00> : vector<64xf32>
    %reduce_sum3A_888 = vector.multi_reduction <add>, %convert_element_type3A_884, %reduce_sum3A_887 [1] : vector<64x128xf32> to vector<64xf32>
    %broadcast_in_dim3A_889 = vector.shape_cast %reduce_sum3A_888 : vector<64xf32> to vector<64x1xf32>
    %dot_general3A_890 = arith.constant dense<0.000000e+00> : vector<64x1xf32>
    %dot_general3A_891 = tpu.matmul %convert_element_type3A_7, %broadcast_in_dim3A_889, %dot_general3A_890 {dimension_numbers = #tpu.dot_dimension_numbers<[1], [0], [0], [1], [0, 0, 1, 1], [], []>, transpose_lhs_hint = false} : vector<64x64xf32>, vector<64x1xf32>, vector<64x1xf32> -> vector<64x1xf32>
    %add3A_892 = vector.broadcast %dot_general3A_891 : vector<64x1xf32> to vector<64x128xf32>
    %add3A_893 = arith.addf %add3A_892, %dot_general3A_886 : vector<64x128xf32>
    %sub3A_894 = arith.constant 1.000000e+00 : f32
    %sub3A_895 = vector.broadcast %sub3A_894 : f32 to vector<64x128xf32>
    %sub3A_896 = arith.subf %add3A_893, %sub3A_895 : vector<64x128xf32>
    %convert_element_type3A_897 = arith.sitofp %mul3A_489 : i32 to f32
    %add3A_898 = vector.broadcast %convert_element_type3A_897 : f32 to vector<64x128xf32>
    %add3A_899 = arith.addf %add3A_898, %sub3A_896 : vector<64x128xf32>
    %mul3A_900 = arith.mulf %convert_element_type3A_884, %add3A_899 : vector<64x128xf32>
    %add3A_901 = arith.addf %add3A_879, %mul3A_900 : vector<64x128xf32>
    %eq3A_902 = arith.constant 12 : i32
    %eq3A_903 = vector.broadcast %eq3A_902 : i32 to vector<64x128xi32>
    %eq3A_904 = arith.cmpi eq, %get3A_1, %eq3A_903 : vector<64x128xi32>
    %convert_element_type3A_905 = arith.extui %eq3A_904 : vector<64x128xi1> to vector<64x128xi32>
    %convert_element_type3A_906 = arith.sitofp %convert_element_type3A_905 : vector<64x128xi32> to vector<64x128xf32>
    %dot_general3A_907 = arith.constant dense<0.000000e+00> : vector<64x128xf32>
    %dot_general3A_908 = tpu.matmul %convert_element_type3A_906, %convert_element_type3A_3, %dot_general3A_907 {dimension_numbers = #tpu.dot_dimension_numbers<[1], [0], [0], [1], [0, 0, 1, 1], [], []>, transpose_lhs_hint = false} : vector<64x128xf32>, vector<128x128xf32>, vector<64x128xf32> -> vector<64x128xf32>
    %reduce_sum3A_909 = arith.constant dense<0.000000e+00> : vector<64xf32>
    %reduce_sum3A_910 = vector.multi_reduction <add>, %convert_element_type3A_906, %reduce_sum3A_909 [1] : vector<64x128xf32> to vector<64xf32>
    %broadcast_in_dim3A_911 = vector.shape_cast %reduce_sum3A_910 : vector<64xf32> to vector<64x1xf32>
    %dot_general3A_912 = arith.constant dense<0.000000e+00> : vector<64x1xf32>
    %dot_general3A_913 = tpu.matmul %convert_element_type3A_7, %broadcast_in_dim3A_911, %dot_general3A_912 {dimension_numbers = #tpu.dot_dimension_numbers<[1], [0], [0], [1], [0, 0, 1, 1], [], []>, transpose_lhs_hint = false} : vector<64x64xf32>, vector<64x1xf32>, vector<64x1xf32> -> vector<64x1xf32>
    %add3A_914 = vector.broadcast %dot_general3A_913 : vector<64x1xf32> to vector<64x128xf32>
    %add3A_915 = arith.addf %add3A_914, %dot_general3A_908 : vector<64x128xf32>
    %sub3A_916 = arith.constant 1.000000e+00 : f32
    %sub3A_917 = vector.broadcast %sub3A_916 : f32 to vector<64x128xf32>
    %sub3A_918 = arith.subf %add3A_915, %sub3A_917 : vector<64x128xf32>
    %convert_element_type3A_919 = arith.sitofp %mul3A_519 : i32 to f32
    %add3A_920 = vector.broadcast %convert_element_type3A_919 : f32 to vector<64x128xf32>
    %add3A_921 = arith.addf %add3A_920, %sub3A_918 : vector<64x128xf32>
    %mul3A_922 = arith.mulf %convert_element_type3A_906, %add3A_921 : vector<64x128xf32>
    %add3A_923 = arith.addf %add3A_901, %mul3A_922 : vector<64x128xf32>
    %eq3A_924 = arith.constant 13 : i32
    %eq3A_925 = vector.broadcast %eq3A_924 : i32 to vector<64x128xi32>
    %eq3A_926 = arith.cmpi eq, %get3A_1, %eq3A_925 : vector<64x128xi32>
    %convert_element_type3A_927 = arith.extui %eq3A_926 : vector<64x128xi1> to vector<64x128xi32>
    %convert_element_type3A_928 = arith.sitofp %convert_element_type3A_927 : vector<64x128xi32> to vector<64x128xf32>
    %dot_general3A_929 = arith.constant dense<0.000000e+00> : vector<64x128xf32>
    %dot_general3A_930 = tpu.matmul %convert_element_type3A_928, %convert_element_type3A_3, %dot_general3A_929 {dimension_numbers = #tpu.dot_dimension_numbers<[1], [0], [0], [1], [0, 0, 1, 1], [], []>, transpose_lhs_hint = false} : vector<64x128xf32>, vector<128x128xf32>, vector<64x128xf32> -> vector<64x128xf32>
    %reduce_sum3A_931 = arith.constant dense<0.000000e+00> : vector<64xf32>
    %reduce_sum3A_932 = vector.multi_reduction <add>, %convert_element_type3A_928, %reduce_sum3A_931 [1] : vector<64x128xf32> to vector<64xf32>
    %broadcast_in_dim3A_933 = vector.shape_cast %reduce_sum3A_932 : vector<64xf32> to vector<64x1xf32>
    %dot_general3A_934 = arith.constant dense<0.000000e+00> : vector<64x1xf32>
    %dot_general3A_935 = tpu.matmul %convert_element_type3A_7, %broadcast_in_dim3A_933, %dot_general3A_934 {dimension_numbers = #tpu.dot_dimension_numbers<[1], [0], [0], [1], [0, 0, 1, 1], [], []>, transpose_lhs_hint = false} : vector<64x64xf32>, vector<64x1xf32>, vector<64x1xf32> -> vector<64x1xf32>
    %add3A_936 = vector.broadcast %dot_general3A_935 : vector<64x1xf32> to vector<64x128xf32>
    %add3A_937 = arith.addf %add3A_936, %dot_general3A_930 : vector<64x128xf32>
    %sub3A_938 = arith.constant 1.000000e+00 : f32
    %sub3A_939 = vector.broadcast %sub3A_938 : f32 to vector<64x128xf32>
    %sub3A_940 = arith.subf %add3A_937, %sub3A_939 : vector<64x128xf32>
    %convert_element_type3A_941 = arith.sitofp %mul3A_549 : i32 to f32
    %add3A_942 = vector.broadcast %convert_element_type3A_941 : f32 to vector<64x128xf32>
    %add3A_943 = arith.addf %add3A_942, %sub3A_940 : vector<64x128xf32>
    %mul3A_944 = arith.mulf %convert_element_type3A_928, %add3A_943 : vector<64x128xf32>
    %add3A_945 = arith.addf %add3A_923, %mul3A_944 : vector<64x128xf32>
    %eq3A_946 = arith.constant 14 : i32
    %eq3A_947 = vector.broadcast %eq3A_946 : i32 to vector<64x128xi32>
    %eq3A_948 = arith.cmpi eq, %get3A_1, %eq3A_947 : vector<64x128xi32>
    %convert_element_type3A_949 = arith.extui %eq3A_948 : vector<64x128xi1> to vector<64x128xi32>
    %convert_element_type3A_950 = arith.sitofp %convert_element_type3A_949 : vector<64x128xi32> to vector<64x128xf32>
    %dot_general3A_951 = arith.constant dense<0.000000e+00> : vector<64x128xf32>
    %dot_general3A_952 = tpu.matmul %convert_element_type3A_950, %convert_element_type3A_3, %dot_general3A_951 {dimension_numbers = #tpu.dot_dimension_numbers<[1], [0], [0], [1], [0, 0, 1, 1], [], []>, transpose_lhs_hint = false} : vector<64x128xf32>, vector<128x128xf32>, vector<64x128xf32> -> vector<64x128xf32>
    %reduce_sum3A_953 = arith.constant dense<0.000000e+00> : vector<64xf32>
    %reduce_sum3A_954 = vector.multi_reduction <add>, %convert_element_type3A_950, %reduce_sum3A_953 [1] : vector<64x128xf32> to vector<64xf32>
    %broadcast_in_dim3A_955 = vector.shape_cast %reduce_sum3A_954 : vector<64xf32> to vector<64x1xf32>
    %dot_general3A_956 = arith.constant dense<0.000000e+00> : vector<64x1xf32>
    %dot_general3A_957 = tpu.matmul %convert_element_type3A_7, %broadcast_in_dim3A_955, %dot_general3A_956 {dimension_numbers = #tpu.dot_dimension_numbers<[1], [0], [0], [1], [0, 0, 1, 1], [], []>, transpose_lhs_hint = false} : vector<64x64xf32>, vector<64x1xf32>, vector<64x1xf32> -> vector<64x1xf32>
    %add3A_958 = vector.broadcast %dot_general3A_957 : vector<64x1xf32> to vector<64x128xf32>
    %add3A_959 = arith.addf %add3A_958, %dot_general3A_952 : vector<64x128xf32>
    %sub3A_960 = arith.constant 1.000000e+00 : f32
    %sub3A_961 = vector.broadcast %sub3A_960 : f32 to vector<64x128xf32>
    %sub3A_962 = arith.subf %add3A_959, %sub3A_961 : vector<64x128xf32>
    %convert_element_type3A_963 = arith.sitofp %mul3A_579 : i32 to f32
    %add3A_964 = vector.broadcast %convert_element_type3A_963 : f32 to vector<64x128xf32>
    %add3A_965 = arith.addf %add3A_964, %sub3A_962 : vector<64x128xf32>
    %mul3A_966 = arith.mulf %convert_element_type3A_950, %add3A_965 : vector<64x128xf32>
    %add3A_967 = arith.addf %add3A_945, %mul3A_966 : vector<64x128xf32>
    %eq3A_968 = arith.constant 15 : i32
    %eq3A_969 = vector.broadcast %eq3A_968 : i32 to vector<64x128xi32>
    %eq3A_970 = arith.cmpi eq, %get3A_1, %eq3A_969 : vector<64x128xi32>
    %convert_element_type3A_971 = arith.extui %eq3A_970 : vector<64x128xi1> to vector<64x128xi32>
    %convert_element_type3A_972 = arith.sitofp %convert_element_type3A_971 : vector<64x128xi32> to vector<64x128xf32>
    %dot_general3A_973 = arith.constant dense<0.000000e+00> : vector<64x128xf32>
    %dot_general3A_974 = tpu.matmul %convert_element_type3A_972, %convert_element_type3A_3, %dot_general3A_973 {dimension_numbers = #tpu.dot_dimension_numbers<[1], [0], [0], [1], [0, 0, 1, 1], [], []>, transpose_lhs_hint = false} : vector<64x128xf32>, vector<128x128xf32>, vector<64x128xf32> -> vector<64x128xf32>
    %reduce_sum3A_975 = arith.constant dense<0.000000e+00> : vector<64xf32>
    %reduce_sum3A_976 = vector.multi_reduction <add>, %convert_element_type3A_972, %reduce_sum3A_975 [1] : vector<64x128xf32> to vector<64xf32>
    %broadcast_in_dim3A_977 = vector.shape_cast %reduce_sum3A_976 : vector<64xf32> to vector<64x1xf32>
    %dot_general3A_978 = arith.constant dense<0.000000e+00> : vector<64x1xf32>
    %dot_general3A_979 = tpu.matmul %convert_element_type3A_7, %broadcast_in_dim3A_977, %dot_general3A_978 {dimension_numbers = #tpu.dot_dimension_numbers<[1], [0], [0], [1], [0, 0, 1, 1], [], []>, transpose_lhs_hint = false} : vector<64x64xf32>, vector<64x1xf32>, vector<64x1xf32> -> vector<64x1xf32>
    %add3A_980 = vector.broadcast %dot_general3A_979 : vector<64x1xf32> to vector<64x128xf32>
    %add3A_981 = arith.addf %add3A_980, %dot_general3A_974 : vector<64x128xf32>
    %sub3A_982 = arith.constant 1.000000e+00 : f32
    %sub3A_983 = vector.broadcast %sub3A_982 : f32 to vector<64x128xf32>
    %sub3A_984 = arith.subf %add3A_981, %sub3A_983 : vector<64x128xf32>
    %convert_element_type3A_985 = arith.sitofp %mul3A_609 : i32 to f32
    %add3A_986 = vector.broadcast %convert_element_type3A_985 : f32 to vector<64x128xf32>
    %add3A_987 = arith.addf %add3A_986, %sub3A_984 : vector<64x128xf32>
    %mul3A_988 = arith.mulf %convert_element_type3A_972, %add3A_987 : vector<64x128xf32>
    %add3A_989 = arith.addf %add3A_967, %mul3A_988 : vector<64x128xf32>
    %convert_element_type3A_990 = arith.fptosi %add3A_989 : vector<64x128xf32> to vector<64x128xi32>
    %swap3A = arith.constant 0 : index
    %swap3A_991 = arith.constant 0 : index
    %swap3A_992 = vector.load %arg1[%swap3A, %swap3A_991] : memref<64x128xi32, #tpu.memory_space<vmem>>, vector<64x128xi32>
    tpu.vector_store %arg1[%swap3A, %swap3A_991], %convert_element_type3A_990 {strides = array<i32>} : memref<64x128xi32, #tpu.memory_space<vmem>>, vector<64x128xi32>,
    %iota3A_993 = tpu.iota {dimensions = array<i32: 1>} : vector<1x48xi32>
    %broadcast_in_dim3A_994 = arith.constant 0 : i32
    %broadcast_in_dim3A_995 = vector.broadcast %broadcast_in_dim3A_994 : i32 to vector<1x48xi32>
    %ge3A = arith.constant 0 : i32
    %ge3A_996 = vector.broadcast %ge3A : i32 to vector<1x48xi32>
    %ge3A_997 = arith.cmpi sge, %iota3A_993, %ge3A_996 : vector<1x48xi32>
    %convert_element_type3A_998 = arith.extui %ge3A_997 : vector<1x48xi1> to vector<1x48xi32>
    %add3A_999 = arith.addi %broadcast_in_dim3A_995, %convert_element_type3A_998 : vector<1x48xi32>
    %lt3A_1000 = arith.constant 0 : i32
    %lt3A_1001 = arith.cmpi slt, %lt3A_1000, %add3A_637 : i32
    %convert_element_type3A_1002 = arith.extui %lt3A_1001 : i1 to i32
    %add3A_1003 = arith.constant -1 : i32
    %add3A_1004 = arith.addi %add3A_1003, %convert_element_type3A_1002 : i32
    %ge3A_1005 = vector.broadcast %add3A_187 : i32 to vector<1x48xi32>
    %ge3A_1006 = arith.cmpi sge, %iota3A_993, %ge3A_1005 : vector<1x48xi32>
    %convert_element_type3A_1007 = arith.extui %ge3A_1006 : vector<1x48xi1> to vector<1x48xi32>
    %add3A_1008 = arith.addi %add3A_999, %convert_element_type3A_1007 : vector<1x48xi32>
    %lt3A_1009 = arith.cmpi slt, %add3A_187, %add3A_637 : i32
    %convert_element_type3A_1010 = arith.extui %lt3A_1009 : i1 to i32
    %add3A_1011 = arith.addi %add3A_1004, %convert_element_type3A_1010 : i32
    %ge3A_1012 = vector.broadcast %add3A_217 : i32 to vector<1x48xi32>
    %ge3A_1013 = arith.cmpi sge, %iota3A_993, %ge3A_1012 : vector<1x48xi32>
    %convert_element_type3A_1014 = arith.extui %ge3A_1013 : vector<1x48xi1> to vector<1x48xi32>
    %add3A_1015 = arith.addi %add3A_1008, %convert_element_type3A_1014 : vector<1x48xi32>
    %lt3A_1016 = arith.cmpi slt, %add3A_217, %add3A_637 : i32
    %convert_element_type3A_1017 = arith.extui %lt3A_1016 : i1 to i32
    %add3A_1018 = arith.addi %add3A_1011, %convert_element_type3A_1017 : i32
    %ge3A_1019 = vector.broadcast %add3A_247 : i32 to vector<1x48xi32>
    %ge3A_1020 = arith.cmpi sge, %iota3A_993, %ge3A_1019 : vector<1x48xi32>
    %convert_element_type3A_1021 = arith.extui %ge3A_1020 : vector<1x48xi1> to vector<1x48xi32>
    %add3A_1022 = arith.addi %add3A_1015, %convert_element_type3A_1021 : vector<1x48xi32>
    %lt3A_1023 = arith.cmpi slt, %add3A_247, %add3A_637 : i32
    %convert_element_type3A_1024 = arith.extui %lt3A_1023 : i1 to i32
    %add3A_1025 = arith.addi %add3A_1018, %convert_element_type3A_1024 : i32
    %ge3A_1026 = vector.broadcast %add3A_277 : i32 to vector<1x48xi32>
    %ge3A_1027 = arith.cmpi sge, %iota3A_993, %ge3A_1026 : vector<1x48xi32>
    %convert_element_type3A_1028 = arith.extui %ge3A_1027 : vector<1x48xi1> to vector<1x48xi32>
    %add3A_1029 = arith.addi %add3A_1022, %convert_element_type3A_1028 : vector<1x48xi32>
    %lt3A_1030 = arith.cmpi slt, %add3A_277, %add3A_637 : i32
    %convert_element_type3A_1031 = arith.extui %lt3A_1030 : i1 to i32
    %add3A_1032 = arith.addi %add3A_1025, %convert_element_type3A_1031 : i32
    %ge3A_1033 = vector.broadcast %add3A_307 : i32 to vector<1x48xi32>
    %ge3A_1034 = arith.cmpi sge, %iota3A_993, %ge3A_1033 : vector<1x48xi32>
    %convert_element_type3A_1035 = arith.extui %ge3A_1034 : vector<1x48xi1> to vector<1x48xi32>
    %add3A_1036 = arith.addi %add3A_1029, %convert_element_type3A_1035 : vector<1x48xi32>
    %lt3A_1037 = arith.cmpi slt, %add3A_307, %add3A_637 : i32
    %convert_element_type3A_1038 = arith.extui %lt3A_1037 : i1 to i32
    %add3A_1039 = arith.addi %add3A_1032, %convert_element_type3A_1038 : i32
    %ge3A_1040 = vector.broadcast %add3A_337 : i32 to vector<1x48xi32>
    %ge3A_1041 = arith.cmpi sge, %iota3A_993, %ge3A_1040 : vector<1x48xi32>
    %convert_element_type3A_1042 = arith.extui %ge3A_1041 : vector<1x48xi1> to vector<1x48xi32>
    %add3A_1043 = arith.addi %add3A_1036, %convert_element_type3A_1042 : vector<1x48xi32>
    %lt3A_1044 = arith.cmpi slt, %add3A_337, %add3A_637 : i32
    %convert_element_type3A_1045 = arith.extui %lt3A_1044 : i1 to i32
    %add3A_1046 = arith.addi %add3A_1039, %convert_element_type3A_1045 : i32
    %ge3A_1047 = vector.broadcast %add3A_367 : i32 to vector<1x48xi32>
    %ge3A_1048 = arith.cmpi sge, %iota3A_993, %ge3A_1047 : vector<1x48xi32>
    %convert_element_type3A_1049 = arith.extui %ge3A_1048 : vector<1x48xi1> to vector<1x48xi32>
    %add3A_1050 = arith.addi %add3A_1043, %convert_element_type3A_1049 : vector<1x48xi32>
    %lt3A_1051 = arith.cmpi slt, %add3A_367, %add3A_637 : i32
    %convert_element_type3A_1052 = arith.extui %lt3A_1051 : i1 to i32
    %add3A_1053 = arith.addi %add3A_1046, %convert_element_type3A_1052 : i32
    %ge3A_1054 = vector.broadcast %add3A_397 : i32 to vector<1x48xi32>
    %ge3A_1055 = arith.cmpi sge, %iota3A_993, %ge3A_1054 : vector<1x48xi32>
    %convert_element_type3A_1056 = arith.extui %ge3A_1055 : vector<1x48xi1> to vector<1x48xi32>
    %add3A_1057 = arith.addi %add3A_1050, %convert_element_type3A_1056 : vector<1x48xi32>
    %lt3A_1058 = arith.cmpi slt, %add3A_397, %add3A_637 : i32
    %convert_element_type3A_1059 = arith.extui %lt3A_1058 : i1 to i32
    %add3A_1060 = arith.addi %add3A_1053, %convert_element_type3A_1059 : i32
    %ge3A_1061 = vector.broadcast %add3A_427 : i32 to vector<1x48xi32>
    %ge3A_1062 = arith.cmpi sge, %iota3A_993, %ge3A_1061 : vector<1x48xi32>
    %convert_element_type3A_1063 = arith.extui %ge3A_1062 : vector<1x48xi1> to vector<1x48xi32>
    %add3A_1064 = arith.addi %add3A_1057, %convert_element_type3A_1063 : vector<1x48xi32>
    %lt3A_1065 = arith.cmpi slt, %add3A_427, %add3A_637 : i32
    %convert_element_type3A_1066 = arith.extui %lt3A_1065 : i1 to i32
    %add3A_1067 = arith.addi %add3A_1060, %convert_element_type3A_1066 : i32
    %ge3A_1068 = vector.broadcast %add3A_457 : i32 to vector<1x48xi32>
    %ge3A_1069 = arith.cmpi sge, %iota3A_993, %ge3A_1068 : vector<1x48xi32>
    %convert_element_type3A_1070 = arith.extui %ge3A_1069 : vector<1x48xi1> to vector<1x48xi32>
    %add3A_1071 = arith.addi %add3A_1064, %convert_element_type3A_1070 : vector<1x48xi32>
    %lt3A_1072 = arith.cmpi slt, %add3A_457, %add3A_637 : i32
    %convert_element_type3A_1073 = arith.extui %lt3A_1072 : i1 to i32
    %add3A_1074 = arith.addi %add3A_1067, %convert_element_type3A_1073 : i32
    %ge3A_1075 = vector.broadcast %add3A_487 : i32 to vector<1x48xi32>
    %ge3A_1076 = arith.cmpi sge, %iota3A_993, %ge3A_1075 : vector<1x48xi32>
    %convert_element_type3A_1077 = arith.extui %ge3A_1076 : vector<1x48xi1> to vector<1x48xi32>
    %add3A_1078 = arith.addi %add3A_1071, %convert_element_type3A_1077 : vector<1x48xi32>
    %lt3A_1079 = arith.cmpi slt, %add3A_487, %add3A_637 : i32
    %convert_element_type3A_1080 = arith.extui %lt3A_1079 : i1 to i32
    %add3A_1081 = arith.addi %add3A_1074, %convert_element_type3A_1080 : i32
    %ge3A_1082 = vector.broadcast %add3A_517 : i32 to vector<1x48xi32>
    %ge3A_1083 = arith.cmpi sge, %iota3A_993, %ge3A_1082 : vector<1x48xi32>
    %convert_element_type3A_1084 = arith.extui %ge3A_1083 : vector<1x48xi1> to vector<1x48xi32>
    %add3A_1085 = arith.addi %add3A_1078, %convert_element_type3A_1084 : vector<1x48xi32>
    %lt3A_1086 = arith.cmpi slt, %add3A_517, %add3A_637 : i32
    %convert_element_type3A_1087 = arith.extui %lt3A_1086 : i1 to i32
    %add3A_1088 = arith.addi %add3A_1081, %convert_element_type3A_1087 : i32
    %ge3A_1089 = vector.broadcast %add3A_547 : i32 to vector<1x48xi32>
    %ge3A_1090 = arith.cmpi sge, %iota3A_993, %ge3A_1089 : vector<1x48xi32>
    %convert_element_type3A_1091 = arith.extui %ge3A_1090 : vector<1x48xi1> to vector<1x48xi32>
    %add3A_1092 = arith.addi %add3A_1085, %convert_element_type3A_1091 : vector<1x48xi32>
    %lt3A_1093 = arith.cmpi slt, %add3A_547, %add3A_637 : i32
    %convert_element_type3A_1094 = arith.extui %lt3A_1093 : i1 to i32
    %add3A_1095 = arith.addi %add3A_1088, %convert_element_type3A_1094 : i32
    %ge3A_1096 = vector.broadcast %add3A_577 : i32 to vector<1x48xi32>
    %ge3A_1097 = arith.cmpi sge, %iota3A_993, %ge3A_1096 : vector<1x48xi32>
    %convert_element_type3A_1098 = arith.extui %ge3A_1097 : vector<1x48xi1> to vector<1x48xi32>
    %add3A_1099 = arith.addi %add3A_1092, %convert_element_type3A_1098 : vector<1x48xi32>
    %lt3A_1100 = arith.cmpi slt, %add3A_577, %add3A_637 : i32
    %convert_element_type3A_1101 = arith.extui %lt3A_1100 : i1 to i32
    %add3A_1102 = arith.addi %add3A_1095, %convert_element_type3A_1101 : i32
    %ge3A_1103 = vector.broadcast %add3A_607 : i32 to vector<1x48xi32>
    %ge3A_1104 = arith.cmpi sge, %iota3A_993, %ge3A_1103 : vector<1x48xi32>
    %convert_element_type3A_1105 = arith.extui %ge3A_1104 : vector<1x48xi1> to vector<1x48xi32>
    %add3A_1106 = arith.addi %add3A_1099, %convert_element_type3A_1105 : vector<1x48xi32>
    %lt3A_1107 = arith.cmpi slt, %add3A_607, %add3A_637 : i32
    %convert_element_type3A_1108 = arith.extui %lt3A_1107 : i1 to i32
    %add3A_1109 = arith.addi %add3A_1102, %convert_element_type3A_1108 : i32
    %sub3A_1110 = arith.constant 1 : i32
    %sub3A_1111 = vector.broadcast %sub3A_1110 : i32 to vector<1x48xi32>
    %sub3A_1112 = arith.subi %add3A_1106, %sub3A_1111 : vector<1x48xi32>
    %ge3A_1113 = vector.broadcast %add3A_637 : i32 to vector<1x48xi32>
    %ge3A_1114 = arith.cmpi sge, %iota3A_993, %ge3A_1113 : vector<1x48xi32>
    %broadcast_in_dim3A_1115 = vector.broadcast %add3A_1109 : i32 to vector<1x48xi32>
    %select_n3A_1116 = arith.select %ge3A_1114, %broadcast_in_dim3A_1115, %sub3A_1112 : vector<1x48xi1>, vector<1x48xi32>
    %swap3A_1117 = arith.constant 0 : index
    %swap3A_1118 = arith.constant 0 : index
    %swap3A_1119 = vector.load %arg2[%swap3A_1117, %swap3A_1118] : memref<2x48xi32, #tpu.memory_space<vmem>>, vector<1x48xi32>
    tpu.vector_store %arg2[%swap3A_1117, %swap3A_1118], %select_n3A_1116 {strides = array<i32>} : memref<2x48xi32, #tpu.memory_space<vmem>>, vector<1x48xi32>,
    %broadcast_in_dim3A_1120 = arith.constant 1 : i32
    %broadcast_in_dim3A_1121 = vector.broadcast %broadcast_in_dim3A_1120 : i32 to vector<1x48xi32>
    %mul3A_1122 = vector.broadcast %add3A_637 : i32 to vector<1x48xi32>
    %mul3A_1123 = arith.muli %broadcast_in_dim3A_1121, %mul3A_1122 : vector<1x48xi32>
    %swap3A_1124 = arith.constant 1 : index
    %swap3A_1125 = arith.constant 0 : index
    %swap3A_1126 = vector.load %arg2[%swap3A_1124, %swap3A_1125] : memref<2x48xi32, #tpu.memory_space<vmem>>, vector<1x48xi32>
    tpu.vector_store %arg2[%swap3A_1124, %swap3A_1125], %mul3A_1123 {strides = array<i32>} : memref<2x48xi32, #tpu.memory_space<vmem>>, vector<1x48xi32>,
    return
  }
}

module attributes {stable_mosaic.version = 14 : i64} {
  func.func @_grouped_body(%arg0: i32, %arg1: memref<96xi32, #tpu.memory_space<smem>>, %arg2: memref<256x1024xf32, #tpu.memory_space<vmem>>, %arg3: memref<1x512x1024xf32, #tpu.memory_space<vmem>>, %arg4: memref<1x512x1024xf32, #tpu.memory_space<vmem>>, %arg5: memref<1x1024x512xf32, #tpu.memory_space<vmem>>, %arg6: memref<256x1024xf32, #tpu.memory_space<vmem>>) attributes {dimension_semantics = [#tpu.dimension_semantics<arbitrary>], iteration_bounds = array<i64: 48>, scalar_prefetch = 1 : i64, scratch_operands = 0 : i64, tpu.core_type = #tpu.core_type<tc>, window_params = [{transform_indices = @transform_0, window_bounds = array<i64: 256, 1024>}, {transform_indices = @transform_1, window_bounds = array<i64: 1, 512, 1024>}, {transform_indices = @transform_2, window_bounds = array<i64: 1, 512, 1024>}, {transform_indices = @transform_3, window_bounds = array<i64: 1, 1024, 512>}, {transform_indices = @transform_4, window_bounds = array<i64: 256, 1024>}]} {
    %get3A = arith.constant 48 : index
    %get3A_0 = memref.load %arg1[%get3A] : memref<96xi32, #tpu.memory_space<smem>>
    %lt3A = arith.cmpi slt, %arg0, %get3A_0 : i32
    %convert_element_type3A = arith.extui %lt3A : i1 to i32
    %cond3A = arith.constant 0 : i32
    %cond3A_1 = arith.cmpi ne, %convert_element_type3A, %cond3A : i32
    scf.if %cond3A_1 {
      %get3A_2 = arith.constant 0 : index
      %get3A_3 = arith.constant 0 : index
      %get3A_4 = vector.load %arg2[%get3A_2, %get3A_3] : memref<256x1024xf32, #tpu.memory_space<vmem>>, vector<256x1024xf32>
      %get3A_5 = arith.constant 0 : index
      %get3A_6 = arith.constant 0 : index
      %get3A_7 = arith.constant 0 : index
      %get3A_8 = vector.load %arg3[%get3A_5, %get3A_6, %get3A_7] : memref<1x512x1024xf32, #tpu.memory_space<vmem>>, vector<1x512x1024xf32>
      %get3A_9 = vector.shape_cast %get3A_8 : vector<1x512x1024xf32> to vector<512x1024xf32>
      %dot_general3A = arith.constant dense<0.000000e+00> : vector<256x512xf32>
      %dot_general3A_10 = tpu.matmul %get3A_4, %get3A_9, %dot_general3A {dimension_numbers = #tpu.dot_dimension_numbers<[1], [1], [0], [0], [0, 0, 1, 0], [], []>, transpose_lhs_hint = false} : vector<256x1024xf32>, vector<512x1024xf32>, vector<256x512xf32> -> vector<256x512xf32>
      %get3A_11 = arith.constant 0 : index
      %get3A_12 = arith.constant 0 : index
      %get3A_13 = arith.constant 0 : index
      %get3A_14 = vector.load %arg4[%get3A_11, %get3A_12, %get3A_13] : memref<1x512x1024xf32, #tpu.memory_space<vmem>>, vector<1x512x1024xf32>
      %get3A_15 = vector.shape_cast %get3A_14 : vector<1x512x1024xf32> to vector<512x1024xf32>
      %dot_general3A_16 = arith.constant dense<0.000000e+00> : vector<256x512xf32>
      %dot_general3A_17 = tpu.matmul %get3A_4, %get3A_15, %dot_general3A_16 {dimension_numbers = #tpu.dot_dimension_numbers<[1], [1], [0], [0], [0, 0, 1, 0], [], []>, transpose_lhs_hint = false} : vector<256x1024xf32>, vector<512x1024xf32>, vector<256x512xf32> -> vector<256x512xf32>
      %neg3A = arith.constant 0.000000e+00 : f32
      %neg3A_18 = vector.broadcast %neg3A : f32 to vector<256x512xf32>
      %neg3A_19 = arith.subf %neg3A_18, %dot_general3A_10 : vector<256x512xf32>
      %exp3A = math.exp %neg3A_19 : vector<256x512xf32>
      %add3A = arith.constant 1.000000e+00 : f32
      %add3A_20 = vector.broadcast %add3A : f32 to vector<256x512xf32>
      %add3A_21 = arith.addf %add3A_20, %exp3A : vector<256x512xf32>
      %div3A = arith.constant 1.000000e+00 : f32
      %div3A_22 = vector.broadcast %div3A : f32 to vector<256x512xf32>
      %div3A_23 = arith.divf %div3A_22, %add3A_21 : vector<256x512xf32>
      %mul3A = arith.mulf %dot_general3A_10, %div3A_23 : vector<256x512xf32>
      %mul3A_24 = arith.mulf %mul3A, %dot_general3A_17 : vector<256x512xf32>
      %get3A_25 = arith.constant 0 : index
      %get3A_26 = arith.constant 0 : index
      %get3A_27 = arith.constant 0 : index
      %get3A_28 = vector.load %arg5[%get3A_25, %get3A_26, %get3A_27] : memref<1x1024x512xf32, #tpu.memory_space<vmem>>, vector<1x1024x512xf32>
      %get3A_29 = vector.shape_cast %get3A_28 : vector<1x1024x512xf32> to vector<1024x512xf32>
      %dot_general3A_30 = arith.constant dense<0.000000e+00> : vector<256x1024xf32>
      %dot_general3A_31 = tpu.matmul %mul3A_24, %get3A_29, %dot_general3A_30 {dimension_numbers = #tpu.dot_dimension_numbers<[1], [1], [0], [0], [0, 0, 1, 0], [], []>, transpose_lhs_hint = false} : vector<256x512xf32>, vector<1024x512xf32>, vector<256x1024xf32> -> vector<256x1024xf32>
      %swap3A = arith.constant 0 : index
      %swap3A_32 = arith.constant 0 : index
      %swap3A_33 = vector.load %arg6[%swap3A, %swap3A_32] : memref<256x1024xf32, #tpu.memory_space<vmem>>, vector<256x1024xf32>
      tpu.vector_store %arg6[%swap3A, %swap3A_32], %dot_general3A_31 {strides = array<i32>} : memref<256x1024xf32, #tpu.memory_space<vmem>>, vector<256x1024xf32>,
    } else {
    }
    return
  }
  func.func @transform_0(%arg0: i32, %arg1: memref<96xi32, #tpu.memory_space<smem>>) -> (i32, i32) {
    %get3A = arith.constant 48 : index
    %get3A_0 = memref.load %arg1[%get3A] : memref<96xi32, #tpu.memory_space<smem>>
    %lt3A = arith.cmpi slt, %arg0, %get3A_0 : i32
    %get3A_1 = arith.constant 48 : index
    %get3A_2 = memref.load %arg1[%get3A_1] : memref<96xi32, #tpu.memory_space<smem>>
    %sub3A = arith.constant 1 : i32
    %sub3A_3 = arith.subi %get3A_2, %sub3A : i32
    %select_n3A = arith.select %lt3A, %arg0, %sub3A_3 : i32
    %c0_i32 = arith.constant 0 : i32
    %c0_i32_4 = arith.constant 0 : i32
    return %select_n3A, %c0_i32 : i32, i32
  }
  func.func @transform_1(%arg0: i32, %arg1: memref<96xi32, #tpu.memory_space<smem>>) -> (i32, i32, i32) {
    %get3A = arith.index_cast %arg0 : i32 to index
    %get3A_0 = memref.load %arg1[%get3A] : memref<96xi32, #tpu.memory_space<smem>>
    %c0_i32 = arith.constant 0 : i32
    %c0_i32_1 = arith.constant 0 : i32
    %c0_i32_2 = arith.constant 0 : i32
    return %get3A_0, %c0_i32, %c0_i32_1 : i32, i32, i32
  }
  func.func @transform_2(%arg0: i32, %arg1: memref<96xi32, #tpu.memory_space<smem>>) -> (i32, i32, i32) {
    %get3A = arith.index_cast %arg0 : i32 to index
    %get3A_0 = memref.load %arg1[%get3A] : memref<96xi32, #tpu.memory_space<smem>>
    %c0_i32 = arith.constant 0 : i32
    %c0_i32_1 = arith.constant 0 : i32
    %c0_i32_2 = arith.constant 0 : i32
    return %get3A_0, %c0_i32, %c0_i32_1 : i32, i32, i32
  }
  func.func @transform_3(%arg0: i32, %arg1: memref<96xi32, #tpu.memory_space<smem>>) -> (i32, i32, i32) {
    %get3A = arith.index_cast %arg0 : i32 to index
    %get3A_0 = memref.load %arg1[%get3A] : memref<96xi32, #tpu.memory_space<smem>>
    %c0_i32 = arith.constant 0 : i32
    %c0_i32_1 = arith.constant 0 : i32
    %c0_i32_2 = arith.constant 0 : i32
    return %get3A_0, %c0_i32, %c0_i32_1 : i32, i32, i32
  }
  func.func @transform_4(%arg0: i32, %arg1: memref<96xi32, #tpu.memory_space<smem>>) -> (i32, i32) {
    %get3A = arith.constant 48 : index
    %get3A_0 = memref.load %arg1[%get3A] : memref<96xi32, #tpu.memory_space<smem>>
    %lt3A = arith.cmpi slt, %arg0, %get3A_0 : i32
    %get3A_1 = arith.constant 48 : index
    %get3A_2 = memref.load %arg1[%get3A_1] : memref<96xi32, #tpu.memory_space<smem>>
    %sub3A = arith.constant 1 : i32
    %sub3A_3 = arith.subi %get3A_2, %sub3A : i32
    %select_n3A = arith.select %lt3A, %arg0, %sub3A_3 : i32
    %c0_i32 = arith.constant 0 : i32
    %c0_i32_4 = arith.constant 0 : i32
    return %select_n3A, %c0_i32 : i32, i32
  }
}

module attributes {stable_mosaic.version = 14 : i64} {
  func.func @_final_body(%arg0: i32, %arg1: memref<256x1024xf32, #tpu.memory_space<vmem>>, %arg2: memref<2x256x1024xf32, #tpu.memory_space<vmem>>, %arg3: memref<256x2xf32, #tpu.memory_space<vmem>>, %arg4: memref<512x1024xf32, #tpu.memory_space<vmem>>, %arg5: memref<512x1024xf32, #tpu.memory_space<vmem>>, %arg6: memref<1024x512xf32, #tpu.memory_space<vmem>>, %arg7: memref<256x1024xf32, #tpu.memory_space<vmem>>) attributes {dimension_semantics = [#tpu.dimension_semantics<arbitrary>], iteration_bounds = array<i64: 16>, scalar_prefetch = 0 : i64, scratch_operands = 0 : i64, tpu.core_type = #tpu.core_type<tc>, window_params = [{transform_indices = @transform_0, window_bounds = array<i64: 256, 1024>}, {transform_indices = @transform_1, window_bounds = array<i64: 2, 256, 1024>}, {transform_indices = @transform_2, window_bounds = array<i64: 256, 2>}, {pipeline_mode = #tpu.pipeline_mode<synchronous>, transform_indices = @transform_3, window_bounds = array<i64: 512, 1024>}, {pipeline_mode = #tpu.pipeline_mode<synchronous>, transform_indices = @transform_4, window_bounds = array<i64: 512, 1024>}, {pipeline_mode = #tpu.pipeline_mode<synchronous>, transform_indices = @transform_5, window_bounds = array<i64: 1024, 512>}, {transform_indices = @transform_6, window_bounds = array<i64: 256, 1024>}]} {
    %get3A = arith.constant 0 : index
    %get3A_0 = arith.constant 0 : index
    %get3A_1 = vector.load %arg1[%get3A, %get3A_0] : memref<256x1024xf32, #tpu.memory_space<vmem>>, vector<256x1024xf32>
    %get3A_2 = arith.constant 0 : index
    %get3A_3 = arith.constant 0 : index
    %get3A_4 = vector.load %arg4[%get3A_2, %get3A_3] : memref<512x1024xf32, #tpu.memory_space<vmem>>, vector<512x1024xf32>
    %dot_general3A = arith.constant dense<0.000000e+00> : vector<256x512xf32>
    %dot_general3A_5 = tpu.matmul %get3A_1, %get3A_4, %dot_general3A {dimension_numbers = #tpu.dot_dimension_numbers<[1], [1], [0], [0], [0, 0, 1, 0], [], []>, transpose_lhs_hint = false} : vector<256x1024xf32>, vector<512x1024xf32>, vector<256x512xf32> -> vector<256x512xf32>
    %get3A_6 = arith.constant 0 : index
    %get3A_7 = arith.constant 0 : index
    %get3A_8 = vector.load %arg5[%get3A_6, %get3A_7] : memref<512x1024xf32, #tpu.memory_space<vmem>>, vector<512x1024xf32>
    %dot_general3A_9 = arith.constant dense<0.000000e+00> : vector<256x512xf32>
    %dot_general3A_10 = tpu.matmul %get3A_1, %get3A_8, %dot_general3A_9 {dimension_numbers = #tpu.dot_dimension_numbers<[1], [1], [0], [0], [0, 0, 1, 0], [], []>, transpose_lhs_hint = false} : vector<256x1024xf32>, vector<512x1024xf32>, vector<256x512xf32> -> vector<256x512xf32>
    %neg3A = arith.constant 0.000000e+00 : f32
    %neg3A_11 = vector.broadcast %neg3A : f32 to vector<256x512xf32>
    %neg3A_12 = arith.subf %neg3A_11, %dot_general3A_5 : vector<256x512xf32>
    %exp3A = math.exp %neg3A_12 : vector<256x512xf32>
    %add3A = arith.constant 1.000000e+00 : f32
    %add3A_13 = vector.broadcast %add3A : f32 to vector<256x512xf32>
    %add3A_14 = arith.addf %add3A_13, %exp3A : vector<256x512xf32>
    %div3A = arith.constant 1.000000e+00 : f32
    %div3A_15 = vector.broadcast %div3A : f32 to vector<256x512xf32>
    %div3A_16 = arith.divf %div3A_15, %add3A_14 : vector<256x512xf32>
    %mul3A = arith.mulf %dot_general3A_5, %div3A_16 : vector<256x512xf32>
    %mul3A_17 = arith.mulf %mul3A, %dot_general3A_10 : vector<256x512xf32>
    %get3A_18 = arith.constant 0 : index
    %get3A_19 = arith.constant 0 : index
    %get3A_20 = vector.load %arg6[%get3A_18, %get3A_19] : memref<1024x512xf32, #tpu.memory_space<vmem>>, vector<1024x512xf32>
    %dot_general3A_21 = arith.constant dense<0.000000e+00> : vector<256x1024xf32>
    %dot_general3A_22 = tpu.matmul %mul3A_17, %get3A_20, %dot_general3A_21 {dimension_numbers = #tpu.dot_dimension_numbers<[1], [1], [0], [0], [0, 0, 1, 0], [], []>, transpose_lhs_hint = false} : vector<256x512xf32>, vector<1024x512xf32>, vector<256x1024xf32> -> vector<256x1024xf32>
    %get3A_23 = arith.constant 0 : index
    %get3A_24 = arith.constant 0 : index
    %get3A_25 = vector.load %arg3[%get3A_23, %get3A_24] : memref<256x2xf32, #tpu.memory_space<vmem>>, vector<256x2xf32>
    %slice3A = vector.extract_strided_slice %get3A_25 {offsets = [0, 0], sizes = [256, 1], strides = [1, 1]} : vector<256x2xf32> to vector<256x1xf32>
    %get3A_26 = arith.constant 0 : index
    %get3A_27 = arith.constant 0 : index
    %get3A_28 = arith.constant 0 : index
    %get3A_29 = vector.load %arg2[%get3A_26, %get3A_27, %get3A_28] : memref<2x256x1024xf32, #tpu.memory_space<vmem>>, vector<1x256x1024xf32>
    %get3A_30 = vector.shape_cast %get3A_29 : vector<1x256x1024xf32> to vector<256x1024xf32>
    %mul3A_31 = vector.broadcast %slice3A : vector<256x1xf32> to vector<256x1024xf32>
    %mul3A_32 = arith.mulf %mul3A_31, %get3A_30 : vector<256x1024xf32>
    %add3A_33 = arith.addf %dot_general3A_22, %mul3A_32 : vector<256x1024xf32>
    %slice3A_34 = vector.extract_strided_slice %get3A_25 {offsets = [0, 1], sizes = [256, 1], strides = [1, 1]} : vector<256x2xf32> to vector<256x1xf32>
    %get3A_35 = arith.constant 1 : index
    %get3A_36 = arith.constant 0 : index
    %get3A_37 = arith.constant 0 : index
    %get3A_38 = vector.load %arg2[%get3A_35, %get3A_36, %get3A_37] : memref<2x256x1024xf32, #tpu.memory_space<vmem>>, vector<1x256x1024xf32>
    %get3A_39 = vector.shape_cast %get3A_38 : vector<1x256x1024xf32> to vector<256x1024xf32>
    %mul3A_40 = vector.broadcast %slice3A_34 : vector<256x1xf32> to vector<256x1024xf32>
    %mul3A_41 = arith.mulf %mul3A_40, %get3A_39 : vector<256x1024xf32>
    %add3A_42 = arith.addf %add3A_33, %mul3A_41 : vector<256x1024xf32>
    %swap3A = arith.constant 0 : index
    %swap3A_43 = arith.constant 0 : index
    %swap3A_44 = vector.load %arg7[%swap3A, %swap3A_43] : memref<256x1024xf32, #tpu.memory_space<vmem>>, vector<256x1024xf32>
    tpu.vector_store %arg7[%swap3A, %swap3A_43], %add3A_42 {strides = array<i32>} : memref<256x1024xf32, #tpu.memory_space<vmem>>, vector<256x1024xf32>,
    return
  }
  func.func @transform_0(%arg0: i32) -> (i32, i32) {
    %c0_i32 = arith.constant 0 : i32
    %c0_i32_0 = arith.constant 0 : i32
    return %arg0, %c0_i32 : i32, i32
  }
  func.func @transform_1(%arg0: i32) -> (i32, i32, i32) {
    %c0_i32 = arith.constant 0 : i32
    %c0_i32_0 = arith.constant 0 : i32
    %c0_i32_1 = arith.constant 0 : i32
    return %c0_i32, %arg0, %c0_i32_0 : i32, i32, i32
  }
  func.func @transform_2(%arg0: i32) -> (i32, i32) {
    %c0_i32 = arith.constant 0 : i32
    %c0_i32_0 = arith.constant 0 : i32
    return %arg0, %c0_i32 : i32, i32
  }
  func.func @transform_3(%arg0: i32) -> (i32, i32) {
    %c0_i32 = arith.constant 0 : i32
    %c0_i32_0 = arith.constant 0 : i32
    %c0_i32_1 = arith.constant 0 : i32
    return %c0_i32, %c0_i32_0 : i32, i32
  }
  func.func @transform_4(%arg0: i32) -> (i32, i32) {
    %c0_i32 = arith.constant 0 : i32
    %c0_i32_0 = arith.constant 0 : i32
    %c0_i32_1 = arith.constant 0 : i32
    return %c0_i32, %c0_i32_0 : i32, i32
  }
  func.func @transform_5(%arg0: i32) -> (i32, i32) {
    %c0_i32 = arith.constant 0 : i32
    %c0_i32_0 = arith.constant 0 : i32
    %c0_i32_1 = arith.constant 0 : i32
    return %c0_i32, %c0_i32_0 : i32, i32
  }
  func.func @transform_6(%arg0: i32) -> (i32, i32) {
    %c0_i32 = arith.constant 0 : i32
    %c0_i32_0 = arith.constant 0 : i32
    return %arg0, %c0_i32 : i32, i32
  }
}

</mosaic_0001>

<sc_bundles>
// kernel: kernel.11.cloned.1.call-start
scs
__scs_entry_jumppad:
0x0: {  	(pc) =	sbr.rel $0x88, $3  }
0x1: {  	(tag) =	ssettag $0x0;
	lr =	simm.s32 $0x1  }
0x2: {  	[smem:$0x3F99] =	sst lr;
	_ =	strace $0xD0000000  }
0x3: {  	_ = 	snop  }
0x4: {  	_ = 	snop  }
0x5: {  	_ = 	snop  }
0x6: {  	_ = 	snop  }
0x7: {  	_ = 	snop  }
__scs_overlays_trampoline_lowered:
0x8: {  	[smem:$0x3FA8] =	sst s0  }
0x9: {  	[smem:$0x3FA9] =	sst s1  }
0xa: {  	[smem:$0x3FAA] =	sst s2  }
0xb: {  	[smem:$0x3FAB] =	sst s3  }
0xc: {  	[smem:$0x3FAC] =	sst s4  }
0xd: {  	[smem:$0x3FAD] =	sst s5  }
0xe: {  	[smem:$0x3FAE] =	sst s6  }
0xf: {  	[smem:$0x3FAF] =	sst s7  }
0x10: {  	[smem:$0x3FB0] =	sst s8  }
0x11: {  	[smem:$0x3FB1] =	sst s9;
	s0 =	simm.s32 @!p0 $0x0  }
0x12: {  	s1 =	sld [smem:$0x3F97];
	s0 =	simm.s32 @p0 $0x1  }
0x13: {  	[smem:$0x3FB2] =	sst s0;
	s0 =	simm.s32 @!p1 $0x0  }
0x14: {  	s2 =	sld [smem:$0x3F96];
	s0 =	simm.s32 @p1 $0x1  }
0x15: {  	[smem:$0x3FB3] =	sst s0;
	s0 =	simm.s32 @!p2 $0x0  }
0x16: {  	s3 =	sld [smem:$0x3FDB];
	s0 =	simm.s32 @p2 $0x1  }
0x17: {  	s4 =	simm.s32 $0x1BF5;
	[smem:$0x3FB5] =	sst s0  }
0x18: {  	s0 =	sld [smem:$0x3F98];
	_ =	swait.ge [sflag:s4], $0x0  }
0x19: {  	s7 =	sld [smem:$0x3F99]  }
0x1a: {  	s8 =	sadd.s32 $0xFFFFE003, lr  }
0x1b: {  	s9 =	sadd.s32 $0xFFFFFEF7, lr;
	s5 =	simm.s32 $0xFFFFFFFF;
	p2 =	slt.u32 s8, $0xFFFFF086  }
0x1c: {  	p1 =	slt.u32 s9, $0xF7A;
	s5 =	simm.s32 @!p2 $0x0  }
0x1d: {  	s5 =	simm.s32 @p1 $0x1;
	p0 =	seq.s32 s7, s2  }
0x1e: {  	s7 =	smul.u32 @!p0 $0xF7A, s2;
	p2 =	seq.s32 @!p0 s5, $0x0  }
0x1f: {  	s9 =	smul.u32 $0xF7A, s1;
	s8 =	simm.s32 @!p0 $0x1BF5;
	p2 =	por !p2, p0  }
0x20: {  	[sflag:s8] =	ssyncset.s32 @!p0 $0xFFFFF086;
	s6 =	sadd.s32 @!p0 s3, s7;
	s7 =	simm.s32 @!p0 $0x108  }
0x21: {  	s3 =	sadd.s32 s3, s9;
	s6 =	sadd.s32 @!p0 $0x88, s6;
	s7 =	simm.s32 @p2 $0x1082  }
0x22: {  	[simem:s7], [sflag:s8] =	dma.local @!p0 [hbm:s6], $0xF7A  }
0x23: {  	s9 =	sor.u32 $0xD0000000, s2;
	s6 =	simm.s32 $0x108;
	_ =	swait.ge @!p0 [sflag:s8], $0x0  }
0x24: {  	s3 =	sadd.s32 $0x88, s3;
	s6 =	simm.s32 @!p1 $0x1082;
	[sflag:s4] =	ssyncset.s32 $0xFFFFF086  }
0x25: {  	[simem:s6], [sflag:s4] =	dma.local [hbm:s3], $0xF7A  }
0x26: {  	[smem:$0x3F99] =	sst s1;
	(tag) =	ssettag s2;
	_ =	strace s9  }
0x27: {  	s1 =	sld [smem:$0x3FA9]  }
0x28: {  	s2 =	sld [smem:$0x3FAA]  }
0x29: {  	s4 =	sld [smem:$0x3FAC]  }
0x2a: {  	p0 =	seq.s32 s5, $0x0;
	s5 =	sld [smem:$0x3FAD]  }
0x2b: {  	s6 =	sld [smem:$0x3FAE]  }
0x2c: {  	s7 =	sld [smem:$0x3FAF]  }
0x2d: {  	s3 =	simm.s32 $0x108;
	s8 =	sld [smem:$0x3FB0]  }
0x2e: {  	s3 =	simm.s32 @!p0 $0x1082;
	s9 =	sld [smem:$0x3FB1]  }
0x2f: {  	lr =	sadd.s32 s0, s3;
	s0 =	sld [smem:$0x3FA8]  }
0x30: {  	s3 =	sld [smem:$0x3FAB]  }
0x31: {  	[smem:$0x3FB4] =	sst s10  }
0x32: {  	s10 =	sld [smem:$0x3FB2];
	_ =	sdelay $0x3  }
0x33: {  	p0 =	seq.s32 s10, $0x1;
	s10 =	sld [smem:$0x3FB4];
	_ =	sdelay $0x3  }
0x34: {  	[smem:$0x3FB4] =	sst s10  }
0x35: {  	s10 =	sld [smem:$0x3FB3];
	_ =	sdelay $0x3  }
0x36: {  	p1 =	seq.s32 s10, $0x1;
	s10 =	sld [smem:$0x3FB4];
	_ =	sdelay $0x3  }
0x37: {  	[smem:$0x3FB4] =	sst s10  }
0x38: {  	s10 =	sld [smem:$0x3FB5]  }
0x39: {  	_ = 	snop;
	(pc) =	sbr.ind lr, $3  }
0x3a: {  	_ = 	snop  }
0x3b: {  	_ = 	snop  }
0x3c: {  	p2 =	seq.s32 s10, $0x1;
	s10 =	sld [smem:$0x3FB4]  }
0x3d: {  	_ =	shalt  }
0x3e: {  	_ =	shalt  }
0x3f: {  	_ =	shalt  }
0x40: {  	_ =	shalt  }
0x41: {  	_ =	shalt  }
0x42: {  	_ =	shalt  }
0x43: {  	_ =	shalt  }
0x44: {  	_ =	shalt  }
0x45: {  	_ =	shalt  }
0x46: {  	_ =	shalt  }
0x47: {  	_ =	shalt  }
0x48: {  	_ =	shalt  }
0x49: {  	_ =	shalt  }
0x4a: {  	_ =	shalt  }
0x4b: {  	_ =	shalt  }
0x4c: {  	_ =	shalt  }
0x4d: {  	_ =	shalt  }
0x4e: {  	_ =	shalt  }
0x4f: {  	_ =	shalt  }
0x50: {  	_ =	shalt  }
0x51: {  	_ =	shalt  }
0x52: {  	_ =	shalt  }
0x53: {  	_ =	shalt  }
0x54: {  	_ =	shalt  }
0x55: {  	_ =	shalt  }
0x56: {  	_ =	shalt  }
0x57: {  	_ =	shalt  }
0x58: {  	_ =	shalt  }
0x59: {  	_ =	shalt  }
0x5a: {  	_ =	shalt  }
0x5b: {  	_ =	shalt  }
0x5c: {  	_ =	shalt  }
0x5d: {  	_ =	shalt  }
0x5e: {  	_ =	shalt  }
0x5f: {  	_ =	shalt  }
0x60: {  	_ =	shalt  }
0x61: {  	_ =	shalt  }
0x62: {  	_ =	shalt  }
0x63: {  	_ =	shalt  }
0x64: {  	_ =	shalt  }
0x65: {  	_ =	shalt  }
0x66: {  	_ =	shalt  }
0x67: {  	_ =	shalt  }
0x68: {  	_ =	shalt  }
0x69: {  	_ =	shalt  }
0x6a: {  	_ =	shalt  }
0x6b: {  	_ =	shalt  }
0x6c: {  	_ =	shalt  }
0x6d: {  	_ =	shalt  }
0x6e: {  	_ =	shalt  }
0x6f: {  	_ =	shalt  }
0x70: {  	_ =	shalt  }
0x71: {  	_ =	shalt  }
0x72: {  	_ =	shalt  }
0x73: {  	_ =	shalt  }
0x74: {  	_ =	shalt  }
0x75: {  	_ =	shalt  }
0x76: {  	_ =	shalt  }
0x77: {  	_ =	shalt  }
0x78: {  	_ =	shalt  }
0x79: {  	_ =	shalt  }
0x7a: {  	_ =	shalt  }
0x7b: {  	_ =	shalt  }
0x7c: {  	_ =	shalt  }
0x7d: {  	_ =	shalt  }
0x7e: {  	_ =	shalt  }
0x7f: {  	_ =	shalt  }
0x80: {  	_ =	shalt  }
0x81: {  	_ =	shalt  }
0x82: {  	_ =	shalt  }
0x83: {  	_ =	shalt  }
0x84: {  	_ =	shalt  }
0x85: {  	_ =	shalt  }
0x86: {  	_ =	shalt  }
0x87: {  	_ =	shalt  }
.Lfunc_end0:
.L_simem_size_0:
called_computation.1_lowered:
.L_overlay_start_0:
0x88: {  	s2 =	sld [smem:$0x3FD9]  }
0x89: {  	s3 =	sld [smem:$0x3FFE];
	_ =	sdelay $0x1  }
0x8a: {  	s1 =	srdreg.scid  }
0x8b: {  	s0 =	sand.u32 $0x1, s1  }
0x8c: {  	s16 =	sshll.u32 s0, $0xA;
	s2 =	sadd.s32 s3, s2  }
0x8d: {  	s2 =	sadd.s32 s2, s16  }
0x8e: {  	[smem:$0x3FC0] =	sst s2  }
0x8f: {  	_ = 	snop  }
0x90: {  	(tm) =	ssettm $0x1  }
0x91: {  	s17 =	sld [smem:$0x3FFB];
	_ =	sdelay $0x3  }
0x92: {  	_ =	strace s17  }
0x93: {  	s2 =	sld [smem:$0x3FFC];
	_ =	sdelay $0x3  }
0x94: {  	_ =	strace s2  }
0x95: {  	s2 =	sld [smem:$0x3FFD];
	_ =	sdelay $0x3  }
0x96: {  	_ =	strace s2  }
0x97: {  	_ =	strace $0x8FFFFFFF  }
0x98: {  	s18 =	sld [smem:$0x3FDB];
	_ =	sdelay $0x1  }
0x99: {  	s19 =	simm.s32 $_scs_section_size  }
0x9a: {  	s4 =	simm.s32 $_size__tile_overlayer_lowered;
	s5 =	simm.s32 $_tile_overlayer_lowered  }
0x9b: {  	s22 =	simm.s32 $0x1BFF;
	s21 =	sshll.u32 s5, $0x1;
	s2 =	sadd.s32 s19, s18  }
0x9c: {  	s6 =	simm.s32 $0x0;
	s20 =	sshll.u32 s4, $0x1;
	s4 =	sadd.s32 s21, s2  }
0x9d: {  	[timem:s6], [sflag:s22] =	dma.local [hbm:s4], s20  }
0x9e: {  	_ =	swait.ge [sflag:s22], s20  }
0x9f: {  	s3 =	ssub.s32 $0x0, s20;
	[sflag:s22] =	ssyncset.done $0x0  }
0xa0: {  	[sflag:s22] =	ssyncadd.s32 s3;
	_ =	sdelay $0x1  }
0xa1: {  	s23 =	simm.s32 $0x1B8B  }
0xa2: {  	_ =	swait.ge [sflag:s23], $0x1  }
0xa3: {  	[sflag:s23] =	ssyncset.done $0x0  }
0xa4: {  	s25 =	simm.s32 $0x1B8E;
	s24 =	sld [smem:$0x3FFE];
	[sflag:s23] =	ssyncadd.s32 $0xFFFFFFFF  }
0xa5: {  	s26 =	simm.s32 $execute0_lowered;
	[smem:$0x3FD2] =	sst s25  }
0xa6: {  	s4 =	sshll.u32 s26, $0x1;
	_ =	strace $0x80000049;
	[dreg:$0x1] =	wrdreg $0xFFFFFFFF  }
0xa7: {  	s28 =	simm.s32 $_size_execute0_lowered;
	s2 =	sadd.s32 s2, s4;
	[dreg:$0x0] =	wrdreg $0x0  }
0xa8: {  	s4 =	sshll.u32 s28, $0x1;
	[dreg:$0x2] =	wrdreg s2  }
0xa9: {  	[dreg:$0x3] =	wrdreg s4  }
0xaa: {  	[dreg:$0x4] =	wrdreg $0xC0  }
0xab: {  	_ =	task [dreg:s6], $0x5FFFF  }
0xac: {  	[dreg:$0x1] =	wrdreg $0xFFFFFFFF  }
0xad: {  	[dreg:$0x0] =	wrdreg $0x60  }
0xae: {  	[dreg:$0x2] =	wrdreg s24  }
0xaf: {  	[dreg:$0x3] =	wrdreg $0x9  }
0xb0: {  	_ =	task.clear_ibuf [dreg:s6], $0x4FFFF;
	_ =	strace $0x90000049  }
0xb1: {  	s29 =	simm.s32 $0x9;
	_ =	strace $0x8000004B  }
0xb2: {  	_ =	swait.ge [sflag:s29], $0x1  }
0xb3: {  	[sflag:s29] =	ssyncadd.s32 $0xFFFFFFFF  }
0xb4: {  	_ =	strace $0x9000004B  }
0xb5: {  	_ =	sfence  }
0xb6: {  	s30 =	sld [smem:$0x0];
	_ =	sdelay $0x2  }
0xb7: {  	s31 =	sshll.u32 s1, $0xD;
	s1 =	sshrl.u32 s1, $0x2  }
0xb8: {  	s3 =	sand.u32 $0x4000, s31;
	s1 =	sadd.s32 s1, s30  }
0xb9: {  	s0 =	sor.u32 s3, s0;
	s1 =	sshll.u32 s1, $0x11  }
0xba: {  	s0 =	sor.u32 s1, s0  }
0xbb: {  	s0 =	sadd.s32 $0x8F2B, s0  }
0xbc: {  	[sflag:s0] =	ssyncadd.remote.s32 $0x1  }
0xbd: {  	_ =	sfence.sel $0xFFFF  }
0xbe: {  	[dreg:$0x0] =	wrdreg $0xFFFFFFFF;
	(pc) =	sbr.abs _section_cstart, $3  }
0xbf: {  	[dreg:$0x1] =	wrdreg $0xFFFFFFFF  }
0xc0: {  	_ =	task.clear_ibuf [dreg:s6], $0x2FFFF;
	_ =	strace $0x9FFFFFFF  }
0xc1: {  	(tm) =	ssettm $0x7FFFFFFF  }
tec
execute0_lowered:
.L_overlay_start_1:
0x0: {  	(tag) =	ssettag $0x1  }
0x1: {  	s0 =	srdreg.scid  }
0x2: {  	s1 =	stileid.u32;
	s6 =	rddreg [dreg:$0x0];
	s2 =	simm.s32 $0x0  }
0x3: {  	s18 =	simm.s32 $0x1;
	s19 =	simm.s32 $0x2;
	s28 =	simm.s32 $0x3400  }
0x4: {  	s29 =	simm.s32 $0x3C00;
	s30 =	simm.s32 $0x4400;
	s31 =	simm.s32 $0x4C00  }
0x5: {  	s8 =	simm.s32 $0x11400;
	s9 =	simm.s32 $0x11C00;
	s10 =	simm.s32 $0x12400  }
0x6: {  	s11 =	simm.s32 $0x12C00;
	s0 =	sand.u32 $0x1, s0;
	s1 =	sshll.u32 s1, $0x1  }
0x7: {  	s12 =	simm.s32 $0x13400;
	s13 =	simm.s32 $0x13C00;
	s1 =	sor.u32 s0, s1  }
0x8: {  	s14 =	simm.s32 $0x14400;
	s15 =	simm.s32 $0x14C00;
	s3 =	sshll.u32 s1, $0x7  }
0x9: {  	s16 =	simm.s32 $0x15400;
	s1 =	sshll.u32 s1, $0xF;
	s3 =	sadd.s32 s3, s6  }
0xa: {  	[smem:$0x7FF] =	sst s2;
	s1 =	sadd.s32 s1, s6;
	s3 =	sadd.s32 $0x182200, s3  }
0xb: {  	_ =	strace $0x8000004A;
	s22 =	sadd.s32 $0x1200, s1;
	[dreg:$0x2] =	wrdreg s3  }
0xc: {  	s17 =	simm.s32 $0x15C00;
	s4 =	sadd.s32 $0x2200, s1;
	[dreg:$0x3] =	wrdreg s22  }
0xd: {  	s21 =	simm.s32 $0x16400;
	s23 =	sadd.s32 $0x3200, s1;
	[dreg:$0x4] =	wrdreg s4  }
0xe: {  	s0 =	ssub.s32 $0x2, s0;
	s24 =	sadd.s32 $0x4200, s1;
	[dreg:$0x5] =	wrdreg s23  }
0xf: {  	s5 =	sshrl.u32 s0, $0x1;
	s25 =	sadd.s32 $0x5200, s1;
	[dreg:$0x6] =	wrdreg s24  }
0x10: {  	s0 =	ssub.s32 s0, s5;
	s26 =	sadd.s32 $0x6200, s1;
	[dreg:$0x7] =	wrdreg s25  }
0x11: {  	s5 =	sadd.s32 $0x183400, s6;
	s7 =	sadd.s32 $0x7200, s1;
	[dreg:$0x8] =	wrdreg s26  }
0x12: {  	s1 =	sadd.s32 $0x8200, s1;
	s3 =	sadd.s32 $0x183200, s6;
	[dreg:$0x9] =	wrdreg s7  }
0x13: {  	v2 =	vlaneseq.u32;
	s4 =	sadd.s32 $0x183300, s6;
	s6 =	sadd.s32 $0x183500, s6;
	[dreg:$0xa] =	wrdreg s1  }
0x14: {  	vm0 =	vmmov $0xffff;
	v1 =	vshrl.u32 v2, $0x3;
	s7 =	smax.u32 s0, $0x1;
	s25 =	simm.s32 $0x400;
	s26 =	simm.s32 $0x10400  }
0x15: {  	v0 =	vand.u32 $0x7, v2;
	v2 =	vor.u32 $0x8, v2;
	v1 =	vmul.u32 $0x8, v1;
	s22 =	simm.s32 $0x16C00;
	s23 =	simm.s32 $0x17400;
	s24 =	simm.s32 $0x17C00  }
.LBB2_1:
0x16: {  	s20 =	rddreg [dreg:$0x2];
	s1 =	simm.s32 $0x3  }
0x17: {  	[tilespmem:s2], [sflag:$0x3] =	stream.linear.gather [hbm4b:s20+s2], $0x400, $0x38;
	[tilespmem:$0x18400] =	vst v63  }
0x18: {  	_ =	swait.ge [sflag:s1], $0x400  }
0x19: {  	[sflag:s1] =	ssyncset.done $0x0  }
0x1a: {  	[sflag:s1] =	ssyncadd.s32 $0xFFFFFC00  }
0x1b: {  	v3 =	vld [tilespmem:$0x0];
	_ =	sdelay $0x4  }
0x1c: {  	v4 =	vshll.u32 v3, $0x3  }
0x1d: {  	v3 =	vand.u32 $0x7, v3;
	v4 =	vand.u32 $0xFFFFFFC0, v4  }
0x1e: {  	v3 =	vor.u32 v3, v4  }
0x1f: {  	v4 =	vperm.xlane v3, v0;
	_ =	sdelay $0x1  }
0x20: {  	v4 =	vadd.s32 v1, v4;
	_ =	sdelay $0x4  }
0x21: {  	[tilespmem:s25], [sflag:$0x1] =	stream.indirect_vreg.gather [hbm4b:s3+s2], $0x80, v4, vm0, $0xb8;
	[tilespmem:$0x18400] =	vst v63  }
0x22: {  	s0 =	simm.s32 $0xC00;
	v3 =	vperm.xlane v3, v2  }
0x23: {  	[tilespmem:s0], [sflag:$0x1] =	stream.indirect_vreg.gather [hbm4b:s4+s2], $0x80, v4, vm0, $0xb8;
	[tilespmem:$0x18400] =	vst v63  }
0x24: {  	s20 =	simm.s32 $0x1400;
	v3 =	vadd.s32 v1, v3  }
0x25: {  	[tilespmem:s20], [sflag:$0x1] =	stream.indirect_vreg.gather [hbm4b:s5+s2], $0x80, v4, vm0, $0xb8;
	[tilespmem:$0x18400] =	vst v63  }
0x26: {  	s1 =	simm.s32 $0x1C00  }
0x27: {  	[tilespmem:s1], [sflag:$0x1] =	stream.indirect_vreg.gather [hbm4b:s6+s2], $0x80, v4, vm0, $0xb8;
	[tilespmem:$0x18400] =	vst v63  }
0x28: {  	s20 =	simm.s32 $0x2400  }
0x29: {  	[tilespmem:s20], [sflag:$0x1] =	stream.indirect_vreg.gather [hbm4b:s3+s2], $0x80, v3, vm0, $0xb8;
	[tilespmem:$0x18400] =	vst v63  }
0x2a: {  	s1 =	simm.s32 $0x2C00  }
0x2b: {  	[tilespmem:s1], [sflag:$0x1] =	stream.indirect_vreg.gather [hbm4b:s4+s2], $0x80, v3, vm0, $0xb8;
	[tilespmem:$0x18400] =	vst v63  }
0x2c: {  	_ = 	snop  }
0x2d: {  	[tilespmem:s28], [sflag:$0x1] =	stream.indirect_vreg.gather [hbm4b:s5+s2], $0x80, v3, vm0, $0xb8;
	[tilespmem:$0x18400] =	vst v63  }
0x2e: {  	_ = 	snop  }
0x2f: {  	[tilespmem:s29], [sflag:$0x1] =	stream.indirect_vreg.gather [hbm4b:s6+s2], $0x80, v3, vm0, $0xb8;
	[tilespmem:$0x18400] =	vst v63  }
0x30: {  	v3 =	vld [tilespmem:$0x10];
	_ =	sdelay $0x4  }
0x31: {  	v49 =	vshll.u32 v3, $0x3  }
0x32: {  	v3 =	vand.u32 $0x7, v3;
	v4 =	vand.u32 $0xFFFFFFC0, v49  }
0x33: {  	v3 =	vor.u32 v3, v4  }
0x34: {  	v4 =	vperm.xlane v3, v0;
	_ =	sdelay $0x1  }
0x35: {  	v4 =	vadd.s32 v1, v4;
	_ =	sdelay $0x4  }
0x36: {  	[tilespmem:s30], [sflag:$0x1] =	stream.indirect_vreg.gather [hbm4b:s3+s2], $0x80, v4, vm0, $0xb8;
	[tilespmem:$0x18400] =	vst v63  }
0x37: {  	v3 =	vperm.xlane v3, v2  }
0x38: {  	[tilespmem:s31], [sflag:$0x1] =	stream.indirect_vreg.gather [hbm4b:s4+s2], $0x80, v4, vm0, $0xb8;
	[tilespmem:$0x18400] =	vst v63  }
0x39: {  	s20 =	simm.s32 $0x5400;
	v3 =	vadd.s32 v1, v3  }
0x3a: {  	[tilespmem:s20], [sflag:$0x1] =	stream.indirect_vreg.gather [hbm4b:s5+s2], $0x80, v4, vm0, $0xb8;
	[tilespmem:$0x18400] =	vst v63  }
0x3b: {  	s1 =	simm.s32 $0x5C00  }
0x3c: {  	[tilespmem:s1], [sflag:$0x1] =	stream.indirect_vreg.gather [hbm4b:s6+s2], $0x80, v4, vm0, $0xb8;
	[tilespmem:$0x18400] =	vst v63  }
0x3d: {  	s20 =	simm.s32 $0x6400  }
0x3e: {  	[tilespmem:s20], [sflag:$0x1] =	stream.indirect_vreg.gather [hbm4b:s3+s2], $0x80, v3, vm0, $0xb8;
	[tilespmem:$0x18400] =	vst v63  }
0x3f: {  	s1 =	simm.s32 $0x6C00  }
0x40: {  	[tilespmem:s1], [sflag:$0x1] =	stream.indirect_vreg.gather [hbm4b:s4+s2], $0x80, v3, vm0, $0xb8;
	[tilespmem:$0x18400] =	vst v63  }
0x41: {  	s20 =	simm.s32 $0x7400  }
0x42: {  	[tilespmem:s20], [sflag:$0x1] =	stream.indirect_vreg.gather [hbm4b:s5+s2], $0x80, v3, vm0, $0xb8;
	[tilespmem:$0x18400] =	vst v63  }
0x43: {  	s1 =	simm.s32 $0x7C00  }
0x44: {  	[tilespmem:s1], [sflag:$0x1] =	stream.indirect_vreg.gather [hbm4b:s6+s2], $0x80, v3, vm0, $0xb8;
	[tilespmem:$0x18400] =	vst v63  }
0x45: {  	v3 =	vld [tilespmem:$0x80];
	_ =	sdelay $0x4  }
0x46: {  	v50 =	vshll.u32 v3, $0x3  }
0x47: {  	v3 =	vand.u32 $0x7, v3;
	v4 =	vand.u32 $0xFFFFFFC0, v50  }
0x48: {  	v3 =	vor.u32 v3, v4  }
0x49: {  	v4 =	vperm.xlane v3, v0;
	_ =	sdelay $0x1  }
0x4a: {  	v4 =	vadd.s32 v1, v4;
	_ =	sdelay $0x3  }
0x4b: {  	s0 =	simm.s32 $0x8400  }
0x4c: {  	[tilespmem:s0], [sflag:$0x1] =	stream.indirect_vreg.gather [hbm4b:s3+s2], $0x80, v4, vm0, $0xb8;
	[tilespmem:$0x18400] =	vst v63  }
0x4d: {  	s1 =	simm.s32 $0x8C00;
	v3 =	vperm.xlane v3, v2  }
0x4e: {  	[tilespmem:s1], [sflag:$0x1] =	stream.indirect_vreg.gather [hbm4b:s4+s2], $0x80, v4, vm0, $0xb8;
	[tilespmem:$0x18400] =	vst v63  }
0x4f: {  	s20 =	simm.s32 $0x9400;
	v3 =	vadd.s32 v1, v3  }
0x50: {  	[tilespmem:s20], [sflag:$0x1] =	stream.indirect_vreg.gather [hbm4b:s5+s2], $0x80, v4, vm0, $0xb8;
	[tilespmem:$0x18400] =	vst v63  }
0x51: {  	s20 =	simm.s32 $0x9C00  }
0x52: {  	[tilespmem:s20], [sflag:$0x1] =	stream.indirect_vreg.gather [hbm4b:s6+s2], $0x80, v4, vm0, $0xb8;
	[tilespmem:$0x18400] =	vst v63  }
0x53: {  	s20 =	simm.s32 $0xA400  }
0x54: {  	[tilespmem:s20], [sflag:$0x1] =	stream.indirect_vreg.gather [hbm4b:s3+s2], $0x80, v3, vm0, $0xb8;
	[tilespmem:$0x18400] =	vst v63  }
0x55: {  	s20 =	simm.s32 $0xAC00  }
0x56: {  	[tilespmem:s20], [sflag:$0x1] =	stream.indirect_vreg.gather [hbm4b:s4+s2], $0x80, v3, vm0, $0xb8;
	[tilespmem:$0x18400] =	vst v63  }
0x57: {  	s20 =	simm.s32 $0xB400  }
0x58: {  	[tilespmem:s20], [sflag:$0x1] =	stream.indirect_vreg.gather [hbm4b:s5+s2], $0x80, v3, vm0, $0xb8;
	[tilespmem:$0x18400] =	vst v63  }
0x59: {  	s20 =	simm.s32 $0xBC00  }
0x5a: {  	[tilespmem:s20], [sflag:$0x1] =	stream.indirect_vreg.gather [hbm4b:s6+s2], $0x80, v3, vm0, $0xb8;
	[tilespmem:$0x18400] =	vst v63  }
0x5b: {  	v3 =	vld [tilespmem:$0x90];
	_ =	sdelay $0x4  }
0x5c: {  	v51 =	vshll.u32 v3, $0x3  }
0x5d: {  	v3 =	vand.u32 $0x7, v3;
	v4 =	vand.u32 $0xFFFFFFC0, v51  }
0x5e: {  	v3 =	vor.u32 v3, v4  }
0x5f: {  	v4 =	vperm.xlane v3, v0;
	_ =	sdelay $0x1  }
0x60: {  	v4 =	vadd.s32 v1, v4;
	_ =	sdelay $0x3  }
0x61: {  	s20 =	simm.s32 $0xC400  }
0x62: {  	[tilespmem:s20], [sflag:$0x1] =	stream.indirect_vreg.gather [hbm4b:s3+s2], $0x80, v4, vm0, $0xb8;
	[tilespmem:$0x18400] =	vst v63  }
0x63: {  	v3 =	vperm.xlane v3, v2;
	s20 =	simm.s32 $0xCC00  }
0x64: {  	[tilespmem:s20], [sflag:$0x1] =	stream.indirect_vreg.gather [hbm4b:s4+s2], $0x80, v4, vm0, $0xb8;
	[tilespmem:$0x18400] =	vst v63  }
0x65: {  	v3 =	vadd.s32 v1, v3;
	s20 =	simm.s32 $0xD400  }
0x66: {  	[tilespmem:s20], [sflag:$0x1] =	stream.indirect_vreg.gather [hbm4b:s5+s2], $0x80, v4, vm0, $0xb8;
	[tilespmem:$0x18400] =	vst v63  }
0x67: {  	s20 =	simm.s32 $0xDC00  }
0x68: {  	[tilespmem:s20], [sflag:$0x1] =	stream.indirect_vreg.gather [hbm4b:s6+s2], $0x80, v4, vm0, $0xb8;
	[tilespmem:$0x18400] =	vst v63  }
0x69: {  	s20 =	simm.s32 $0xE400  }
0x6a: {  	[tilespmem:s20], [sflag:$0x1] =	stream.indirect_vreg.gather [hbm4b:s3+s2], $0x80, v3, vm0, $0xb8;
	[tilespmem:$0x18400] =	vst v63  }
0x6b: {  	s20 =	simm.s32 $0xEC00  }
0x6c: {  	[tilespmem:s20], [sflag:$0x1] =	stream.indirect_vreg.gather [hbm4b:s4+s2], $0x80, v3, vm0, $0xb8;
	[tilespmem:$0x18400] =	vst v63  }
0x6d: {  	s20 =	simm.s32 $0xF400  }
0x6e: {  	[tilespmem:s20], [sflag:$0x1] =	stream.indirect_vreg.gather [hbm4b:s5+s2], $0x80, v3, vm0, $0xb8;
	[tilespmem:$0x18400] =	vst v63  }
0x6f: {  	s20 =	simm.s32 $0xFC00  }
0x70: {  	[tilespmem:s20], [sflag:$0x1] =	stream.indirect_vreg.gather [hbm4b:s6+s2], $0x80, v3, vm0, $0xb8;
	[tilespmem:$0x18400] =	vst v63  }
0x71: {  	v3 =	vld [tilespmem:$0x100];
	_ =	sdelay $0x4  }
0x72: {  	v52 =	vshll.u32 v3, $0x3  }
0x73: {  	v3 =	vand.u32 $0x7, v3;
	v4 =	vand.u32 $0xFFFFFFC0, v52  }
0x74: {  	v3 =	vor.u32 v3, v4  }
0x75: {  	v4 =	vperm.xlane v3, v0;
	_ =	sdelay $0x1  }
0x76: {  	v4 =	vadd.s32 v1, v4;
	_ =	sdelay $0x4  }
0x77: {  	[tilespmem:s26], [sflag:$0x1] =	stream.indirect_vreg.gather [hbm4b:s3+s2], $0x80, v4, vm0, $0xb8;
	[tilespmem:$0x18400] =	vst v63  }
0x78: {  	s1 =	simm.s32 $0x10C00;
	v3 =	vperm.xlane v3, v2  }
0x79: {  	[tilespmem:s1], [sflag:$0x1] =	stream.indirect_vreg.gather [hbm4b:s4+s2], $0x80, v4, vm0, $0xb8;
	[tilespmem:$0x18400] =	vst v63  }
0x7a: {  	v3 =	vadd.s32 v1, v3  }
0x7b: {  	[tilespmem:s8], [sflag:$0x1] =	stream.indirect_vreg.gather [hbm4b:s5+s2], $0x80, v4, vm0, $0xb8;
	[tilespmem:$0x18400] =	vst v63  }
0x7c: {  	_ = 	snop  }
0x7d: {  	[tilespmem:s9], [sflag:$0x1] =	stream.indirect_vreg.gather [hbm4b:s6+s2], $0x80, v4, vm0, $0xb8;
	[tilespmem:$0x18400] =	vst v63  }
0x7e: {  	_ = 	snop  }
0x7f: {  	[tilespmem:s10], [sflag:$0x1] =	stream.indirect_vreg.gather [hbm4b:s3+s2], $0x80, v3, vm0, $0xb8;
	[tilespmem:$0x18400] =	vst v63  }
0x80: {  	_ = 	snop  }
0x81: {  	[tilespmem:s11], [sflag:$0x1] =	stream.indirect_vreg.gather [hbm4b:s4+s2], $0x80, v3, vm0, $0xb8;
	[tilespmem:$0x18400] =	vst v63  }
0x82: {  	_ = 	snop  }
0x83: {  	[tilespmem:s12], [sflag:$0x1] =	stream.indirect_vreg.gather [hbm4b:s5+s2], $0x80, v3, vm0, $0xb8;
	[tilespmem:$0x18400] =	vst v63  }
0x84: {  	_ = 	snop  }
0x85: {  	[tilespmem:s13], [sflag:$0x1] =	stream.indirect_vreg.gather [hbm4b:s6+s2], $0x80, v3, vm0, $0xb8;
	[tilespmem:$0x18400] =	vst v63  }
0x86: {  	v3 =	vld [tilespmem:$0x110];
	_ =	sdelay $0x4  }
0x87: {  	v53 =	vshll.u32 v3, $0x3  }
0x88: {  	v3 =	vand.u32 $0x7, v3;
	v4 =	vand.u32 $0xFFFFFFC0, v53  }
0x89: {  	v3 =	vor.u32 v3, v4  }
0x8a: {  	v4 =	vperm.xlane v3, v0;
	_ =	sdelay $0x1  }
0x8b: {  	v4 =	vadd.s32 v1, v4;
	_ =	sdelay $0x4  }
0x8c: {  	[tilespmem:s14], [sflag:$0x1] =	stream.indirect_vreg.gather [hbm4b:s3+s2], $0x80, v4, vm0, $0xb8;
	[tilespmem:$0x18400] =	vst v63  }
0x8d: {  	v3 =	vperm.xlane v3, v2  }
0x8e: {  	[tilespmem:s15], [sflag:$0x1] =	stream.indirect_vreg.gather [hbm4b:s4+s2], $0x80, v4, vm0, $0xb8;
	[tilespmem:$0x18400] =	vst v63  }
0x8f: {  	v3 =	vadd.s32 v1, v3  }
0x90: {  	[tilespmem:s16], [sflag:$0x1] =	stream.indirect_vreg.gather [hbm4b:s5+s2], $0x80, v4, vm0, $0xb8;
	[tilespmem:$0x18400] =	vst v63  }
0x91: {  	_ = 	snop  }
0x92: {  	[tilespmem:s17], [sflag:$0x1] =	stream.indirect_vreg.gather [hbm4b:s6+s2], $0x80, v4, vm0, $0xb8;
	[tilespmem:$0x18400] =	vst v63  }
0x93: {  	_ = 	snop  }
0x94: {  	[tilespmem:s21], [sflag:$0x1] =	stream.indirect_vreg.gather [hbm4b:s3+s2], $0x80, v3, vm0, $0xb8;
	[tilespmem:$0x18400] =	vst v63  }
0x95: {  	_ = 	snop  }
0x96: {  	[tilespmem:s22], [sflag:$0x1] =	stream.indirect_vreg.gather [hbm4b:s4+s2], $0x80, v3, vm0, $0xb8;
	[tilespmem:$0x18400] =	vst v63  }
0x97: {  	_ = 	snop  }
0x98: {  	[tilespmem:s23], [sflag:$0x1] =	stream.indirect_vreg.gather [hbm4b:s5+s2], $0x80, v3, vm0, $0xb8;
	[tilespmem:$0x18400] =	vst v63  }
0x99: {  	_ = 	snop  }
0x9a: {  	[tilespmem:s24], [sflag:$0x1] =	stream.indirect_vreg.gather [hbm4b:s6+s2], $0x80, v3, vm0, $0xb8;
	[tilespmem:$0x18400] =	vst v63  }
0x9b: {  	_ =	swait.ge [sflag:s18], $0x8000  }
0x9c: {  	[sflag:s18] =	ssyncset.done $0x0  }
0x9d: {  	s20 =	rddreg [dreg:$0x3];
	[sflag:s18] =	ssyncadd.s32 $0xFFFF8000  }
0x9e: {  	[hbm4b:s20+s2] =	stream.linear.scatter [tilespmem:s25], [sflag:$0x2], $0x8000, $0x38;
	[tilespmem:$0x18400] =	vst v63  }
0x9f: {  	_ =	swait.ge [sflag:s19], $0x8000  }
0xa0: {  	[sflag:s19] =	ssyncset.done $0x0  }
0xa1: {  	[sflag:s19] =	ssyncadd.s32 $0xFFFF8000  }
0xa2: {  	v3 =	vld [tilespmem:$0x180];
	_ =	sdelay $0x4  }
0xa3: {  	v54 =	vshll.u32 v3, $0x3  }
0xa4: {  	v3 =	vand.u32 $0x7, v3;
	v4 =	vand.u32 $0xFFFFFFC0, v54  }
0xa5: {  	v3 =	vor.u32 v3, v4  }
0xa6: {  	v4 =	vperm.xlane v3, v0;
	_ =	sdelay $0x1  }
0xa7: {  	v4 =	vadd.s32 v1, v4;
	_ =	sdelay $0x4  }
0xa8: {  	[tilespmem:s25], [sflag:$0x1] =	stream.indirect_vreg.gather [hbm4b:s3+s2], $0x80, v4, vm0, $0xb8;
	[tilespmem:$0x18400] =	vst v63  }
0xa9: {  	s20 =	simm.s32 $0xC00;
	v3 =	vperm.xlane v3, v2  }
0xaa: {  	[tilespmem:s20], [sflag:$0x1] =	stream.indirect_vreg.gather [hbm4b:s4+s2], $0x80, v4, vm0, $0xb8;
	[tilespmem:$0x18400] =	vst v63  }
0xab: {  	v3 =	vadd.s32 v1, v3;
	s20 =	simm.s32 $0x1400  }
0xac: {  	[tilespmem:s20], [sflag:$0x1] =	stream.indirect_vreg.gather [hbm4b:s5+s2], $0x80, v4, vm0, $0xb8;
	[tilespmem:$0x18400] =	vst v63  }
0xad: {  	s20 =	simm.s32 $0x1C00  }
0xae: {  	[tilespmem:s20], [sflag:$0x1] =	stream.indirect_vreg.gather [hbm4b:s6+s2], $0x80, v4, vm0, $0xb8;
	[tilespmem:$0x18400] =	vst v63  }
0xaf: {  	s20 =	simm.s32 $0x2400  }
0xb0: {  	[tilespmem:s20], [sflag:$0x1] =	stream.indirect_vreg.gather [hbm4b:s3+s2], $0x80, v3, vm0, $0xb8;
	[tilespmem:$0x18400] =	vst v63  }
0xb1: {  	s20 =	simm.s32 $0x2C00  }
0xb2: {  	[tilespmem:s20], [sflag:$0x1] =	stream.indirect_vreg.gather [hbm4b:s4+s2], $0x80, v3, vm0, $0xb8;
	[tilespmem:$0x18400] =	vst v63  }
0xb3: {  	_ = 	snop  }
0xb4: {  	[tilespmem:s28], [sflag:$0x1] =	stream.indirect_vreg.gather [hbm4b:s5+s2], $0x80, v3, vm0, $0xb8;
	[tilespmem:$0x18400] =	vst v63  }
0xb5: {  	_ = 	snop  }
0xb6: {  	[tilespmem:s29], [sflag:$0x1] =	stream.indirect_vreg.gather [hbm4b:s6+s2], $0x80, v3, vm0, $0xb8;
	[tilespmem:$0x18400] =	vst v63  }
0xb7: {  	v3 =	vld [tilespmem:$0x190];
	_ =	sdelay $0x4  }
0xb8: {  	v55 =	vshll.u32 v3, $0x3  }
0xb9: {  	v3 =	vand.u32 $0x7, v3;
	v4 =	vand.u32 $0xFFFFFFC0, v55  }
0xba: {  	v3 =	vor.u32 v3, v4  }
0xbb: {  	v4 =	vperm.xlane v3, v0;
	_ =	sdelay $0x1  }
0xbc: {  	v4 =	vadd.s32 v1, v4;
	_ =	sdelay $0x4  }
0xbd: {  	[tilespmem:s30], [sflag:$0x1] =	stream.indirect_vreg.gather [hbm4b:s3+s2], $0x80, v4, vm0, $0xb8;
	[tilespmem:$0x18400] =	vst v63  }
0xbe: {  	v3 =	vperm.xlane v3, v2  }
0xbf: {  	[tilespmem:s31], [sflag:$0x1] =	stream.indirect_vreg.gather [hbm4b:s4+s2], $0x80, v4, vm0, $0xb8;
	[tilespmem:$0x18400] =	vst v63  }
0xc0: {  	s20 =	simm.s32 $0x5400;
	v3 =	vadd.s32 v1, v3  }
0xc1: {  	[tilespmem:s20], [sflag:$0x1] =	stream.indirect_vreg.gather [hbm4b:s5+s2], $0x80, v4, vm0, $0xb8;
	[tilespmem:$0x18400] =	vst v63  }
0xc2: {  	s20 =	simm.s32 $0x5C00  }
0xc3: {  	[tilespmem:s20], [sflag:$0x1] =	stream.indirect_vreg.gather [hbm4b:s6+s2], $0x80, v4, vm0, $0xb8;
	[tilespmem:$0x18400] =	vst v63  }
0xc4: {  	s20 =	simm.s32 $0x6400  }
0xc5: {  	[tilespmem:s20], [sflag:$0x1] =	stream.indirect_vreg.gather [hbm4b:s3+s2], $0x80, v3, vm0, $0xb8;
	[tilespmem:$0x18400] =	vst v63  }
0xc6: {  	s20 =	simm.s32 $0x6C00  }
0xc7: {  	[tilespmem:s20], [sflag:$0x1] =	stream.indirect_vreg.gather [hbm4b:s4+s2], $0x80, v3, vm0, $0xb8;
	[tilespmem:$0x18400] =	vst v63  }
0xc8: {  	s20 =	simm.s32 $0x7400  }
0xc9: {  	[tilespmem:s20], [sflag:$0x1] =	stream.indirect_vreg.gather [hbm4b:s5+s2], $0x80, v3, vm0, $0xb8;
	[tilespmem:$0x18400] =	vst v63  }
0xca: {  	s20 =	simm.s32 $0x7C00  }
0xcb: {  	[tilespmem:s20], [sflag:$0x1] =	stream.indirect_vreg.gather [hbm4b:s6+s2], $0x80, v3, vm0, $0xb8;
	[tilespmem:$0x18400] =	vst v63  }
0xcc: {  	_ =	swait.ge [sflag:s18], $0x8000  }
0xcd: {  	[sflag:s18] =	ssyncset.done $0x0  }
0xce: {  	s20 =	rddreg [dreg:$0x4];
	[sflag:s18] =	ssyncadd.s32 $0xFFFF8000  }
0xcf: {  	[hbm4b:s20+s2] =	stream.linear.scatter [tilespmem:s0], [sflag:$0x2], $0x8000, $0x38;
	[tilespmem:$0x18400] =	vst v63  }
0xd0: {  	_ =	swait.ge [sflag:s19], $0x8000  }
0xd1: {  	[sflag:s19] =	ssyncset.done $0x0  }
0xd2: {  	[sflag:s19] =	ssyncadd.s32 $0xFFFF8000  }
0xd3: {  	v3 =	vld [tilespmem:$0x200];
	_ =	sdelay $0x4  }
0xd4: {  	v56 =	vshll.u32 v3, $0x3  }
0xd5: {  	v3 =	vand.u32 $0x7, v3;
	v4 =	vand.u32 $0xFFFFFFC0, v56  }
0xd6: {  	v3 =	vor.u32 v3, v4  }
0xd7: {  	v4 =	vperm.xlane v3, v0;
	_ =	sdelay $0x1  }
0xd8: {  	v4 =	vadd.s32 v1, v4;
	_ =	sdelay $0x4  }
0xd9: {  	[tilespmem:s0], [sflag:$0x1] =	stream.indirect_vreg.gather [hbm4b:s3+s2], $0x80, v4, vm0, $0xb8;
	[tilespmem:$0x18400] =	vst v63  }
0xda: {  	s20 =	simm.s32 $0x8C00;
	v3 =	vperm.xlane v3, v2  }
0xdb: {  	[tilespmem:s20], [sflag:$0x1] =	stream.indirect_vreg.gather [hbm4b:s4+s2], $0x80, v4, vm0, $0xb8;
	[tilespmem:$0x18400] =	vst v63  }
0xdc: {  	v3 =	vadd.s32 v1, v3;
	s20 =	simm.s32 $0x9400  }
0xdd: {  	[tilespmem:s20], [sflag:$0x1] =	stream.indirect_vreg.gather [hbm4b:s5+s2], $0x80, v4, vm0, $0xb8;
	[tilespmem:$0x18400] =	vst v63  }
0xde: {  	s20 =	simm.s32 $0x9C00  }
0xdf: {  	[tilespmem:s20], [sflag:$0x1] =	stream.indirect_vreg.gather [hbm4b:s6+s2], $0x80, v4, vm0, $0xb8;
	[tilespmem:$0x18400] =	vst v63  }
0xe0: {  	s20 =	simm.s32 $0xA400  }
0xe1: {  	[tilespmem:s20], [sflag:$0x1] =	stream.indirect_vreg.gather [hbm4b:s3+s2], $0x80, v3, vm0, $0xb8;
	[tilespmem:$0x18400] =	vst v63  }
0xe2: {  	s20 =	simm.s32 $0xAC00  }
0xe3: {  	[tilespmem:s20], [sflag:$0x1] =	stream.indirect_vreg.gather [hbm4b:s4+s2], $0x80, v3, vm0, $0xb8;
	[tilespmem:$0x18400] =	vst v63  }
0xe4: {  	s20 =	simm.s32 $0xB400  }
0xe5: {  	[tilespmem:s20], [sflag:$0x1] =	stream.indirect_vreg.gather [hbm4b:s5+s2], $0x80, v3, vm0, $0xb8;
	[tilespmem:$0x18400] =	vst v63  }
0xe6: {  	s20 =	simm.s32 $0xBC00  }
0xe7: {  	[tilespmem:s20], [sflag:$0x1] =	stream.indirect_vreg.gather [hbm4b:s6+s2], $0x80, v3, vm0, $0xb8;
	[tilespmem:$0x18400] =	vst v63  }
0xe8: {  	v3 =	vld [tilespmem:$0x210];
	_ =	sdelay $0x4  }
0xe9: {  	v57 =	vshll.u32 v3, $0x3  }
0xea: {  	v3 =	vand.u32 $0x7, v3;
	v4 =	vand.u32 $0xFFFFFFC0, v57  }
0xeb: {  	v3 =	vor.u32 v3, v4  }
0xec: {  	v4 =	vperm.xlane v3, v0;
	_ =	sdelay $0x1  }
0xed: {  	v4 =	vadd.s32 v1, v4;
	_ =	sdelay $0x3  }
0xee: {  	s20 =	simm.s32 $0xC400  }
0xef: {  	[tilespmem:s20], [sflag:$0x1] =	stream.indirect_vreg.gather [hbm4b:s3+s2], $0x80, v4, vm0, $0xb8;
	[tilespmem:$0x18400] =	vst v63  }
0xf0: {  	v3 =	vperm.xlane v3, v2;
	s20 =	simm.s32 $0xCC00  }
0xf1: {  	[tilespmem:s20], [sflag:$0x1] =	stream.indirect_vreg.gather [hbm4b:s4+s2], $0x80, v4, vm0, $0xb8;
	[tilespmem:$0x18400] =	vst v63  }
0xf2: {  	v3 =	vadd.s32 v1, v3;
	s20 =	simm.s32 $0xD400  }
0xf3: {  	[tilespmem:s20], [sflag:$0x1] =	stream.indirect_vreg.gather [hbm4b:s5+s2], $0x80, v4, vm0, $0xb8;
	[tilespmem:$0x18400] =	vst v63  }
0xf4: {  	s20 =	simm.s32 $0xDC00  }
0xf5: {  	[tilespmem:s20], [sflag:$0x1] =	stream.indirect_vreg.gather [hbm4b:s6+s2], $0x80, v4, vm0, $0xb8;
	[tilespmem:$0x18400] =	vst v63  }
0xf6: {  	s20 =	simm.s32 $0xE400  }
0xf7: {  	[tilespmem:s20], [sflag:$0x1] =	stream.indirect_vreg.gather [hbm4b:s3+s2], $0x80, v3, vm0, $0xb8;
	[tilespmem:$0x18400] =	vst v63  }
0xf8: {  	s20 =	simm.s32 $0xEC00  }
0xf9: {  	[tilespmem:s20], [sflag:$0x1] =	stream.indirect_vreg.gather [hbm4b:s4+s2], $0x80, v3, vm0, $0xb8;
	[tilespmem:$0x18400] =	vst v63  }
0xfa: {  	s20 =	simm.s32 $0xF400  }
0xfb: {  	[tilespmem:s20], [sflag:$0x1] =	stream.indirect_vreg.gather [hbm4b:s5+s2], $0x80, v3, vm0, $0xb8;
	[tilespmem:$0x18400] =	vst v63  }
0xfc: {  	s20 =	simm.s32 $0xFC00  }
0xfd: {  	[tilespmem:s20], [sflag:$0x1] =	stream.indirect_vreg.gather [hbm4b:s6+s2], $0x80, v3, vm0, $0xb8;
	[tilespmem:$0x18400] =	vst v63  }
0xfe: {  	_ =	swait.ge [sflag:s18], $0x8000  }
0xff: {  	[sflag:s18] =	ssyncset.done $0x0  }
0x100: {  	s20 =	rddreg [dreg:$0x5];
	[sflag:s18] =	ssyncadd.s32 $0xFFFF8000  }
0x101: {  	[hbm4b:s20+s2] =	stream.linear.scatter [tilespmem:s26], [sflag:$0x2], $0x8000, $0x38;
	[tilespmem:$0x18400] =	vst v63  }
0x102: {  	_ =	swait.ge [sflag:s19], $0x8000  }
0x103: {  	[sflag:s19] =	ssyncset.done $0x0  }
0x104: {  	[sflag:s19] =	ssyncadd.s32 $0xFFFF8000  }
0x105: {  	v3 =	vld [tilespmem:$0x280];
	_ =	sdelay $0x4  }
0x106: {  	v58 =	vshll.u32 v3, $0x3  }
0x107: {  	v3 =	vand.u32 $0x7, v3;
	v4 =	vand.u32 $0xFFFFFFC0, v58  }
0x108: {  	v3 =	vor.u32 v3, v4  }
0x109: {  	v4 =	vperm.xlane v3, v0;
	_ =	sdelay $0x1  }
0x10a: {  	v4 =	vadd.s32 v1, v4;
	_ =	sdelay $0x4  }
0x10b: {  	[tilespmem:s26], [sflag:$0x1] =	stream.indirect_vreg.gather [hbm4b:s3+s2], $0x80, v4, vm0, $0xb8;
	[tilespmem:$0x18400] =	vst v63  }
0x10c: {  	v3 =	vperm.xlane v3, v2  }
0x10d: {  	[tilespmem:s1], [sflag:$0x1] =	stream.indirect_vreg.gather [hbm4b:s4+s2], $0x80, v4, vm0, $0xb8;
	[tilespmem:$0x18400] =	vst v63  }
0x10e: {  	v3 =	vadd.s32 v1, v3  }
0x10f: {  	[tilespmem:s8], [sflag:$0x1] =	stream.indirect_vreg.gather [hbm4b:s5+s2], $0x80, v4, vm0, $0xb8;
	[tilespmem:$0x18400] =	vst v63  }
0x110: {  	_ = 	snop  }
0x111: {  	[tilespmem:s9], [sflag:$0x1] =	stream.indirect_vreg.gather [hbm4b:s6+s2], $0x80, v4, vm0, $0xb8;
	[tilespmem:$0x18400] =	vst v63  }
0x112: {  	_ = 	snop  }
0x113: {  	[tilespmem:s10], [sflag:$0x1] =	stream.indirect_vreg.gather [hbm4b:s3+s2], $0x80, v3, vm0, $0xb8;
	[tilespmem:$0x18400] =	vst v63  }
0x114: {  	_ = 	snop  }
0x115: {  	[tilespmem:s11], [sflag:$0x1] =	stream.indirect_vreg.gather [hbm4b:s4+s2], $0x80, v3, vm0, $0xb8;
	[tilespmem:$0x18400] =	vst v63  }
0x116: {  	_ = 	snop  }
0x117: {  	[tilespmem:s12], [sflag:$0x1] =	stream.indirect_vreg.gather [hbm4b:s5+s2], $0x80, v3, vm0, $0xb8;
	[tilespmem:$0x18400] =	vst v63  }
0x118: {  	_ = 	snop  }
0x119: {  	[tilespmem:s13], [sflag:$0x1] =	stream.indirect_vreg.gather [hbm4b:s6+s2], $0x80, v3, vm0, $0xb8;
	[tilespmem:$0x18400] =	vst v63  }
0x11a: {  	v3 =	vld [tilespmem:$0x290];
	_ =	sdelay $0x4  }
0x11b: {  	v59 =	vshll.u32 v3, $0x3  }
0x11c: {  	v3 =	vand.u32 $0x7, v3;
	v4 =	vand.u32 $0xFFFFFFC0, v59  }
0x11d: {  	v3 =	vor.u32 v3, v4  }
0x11e: {  	v4 =	vperm.xlane v3, v0;
	_ =	sdelay $0x1  }
0x11f: {  	v4 =	vadd.s32 v1, v4;
	_ =	sdelay $0x4  }
0x120: {  	[tilespmem:s14], [sflag:$0x1] =	stream.indirect_vreg.gather [hbm4b:s3+s2], $0x80, v4, vm0, $0xb8;
	[tilespmem:$0x18400] =	vst v63  }
0x121: {  	v3 =	vperm.xlane v3, v2  }
0x122: {  	[tilespmem:s15], [sflag:$0x1] =	stream.indirect_vreg.gather [hbm4b:s4+s2], $0x80, v4, vm0, $0xb8;
	[tilespmem:$0x18400] =	vst v63  }
0x123: {  	v3 =	vadd.s32 v1, v3  }
0x124: {  	[tilespmem:s16], [sflag:$0x1] =	stream.indirect_vreg.gather [hbm4b:s5+s2], $0x80, v4, vm0, $0xb8;
	[tilespmem:$0x18400] =	vst v63  }
0x125: {  	_ = 	snop  }
0x126: {  	[tilespmem:s17], [sflag:$0x1] =	stream.indirect_vreg.gather [hbm4b:s6+s2], $0x80, v4, vm0, $0xb8;
	[tilespmem:$0x18400] =	vst v63  }
0x127: {  	_ = 	snop  }
0x128: {  	[tilespmem:s21], [sflag:$0x1] =	stream.indirect_vreg.gather [hbm4b:s3+s2], $0x80, v3, vm0, $0xb8;
	[tilespmem:$0x18400] =	vst v63  }
0x129: {  	_ = 	snop  }
0x12a: {  	[tilespmem:s22], [sflag:$0x1] =	stream.indirect_vreg.gather [hbm4b:s4+s2], $0x80, v3, vm0, $0xb8;
	[tilespmem:$0x18400] =	vst v63  }
0x12b: {  	_ = 	snop  }
0x12c: {  	[tilespmem:s23], [sflag:$0x1] =	stream.indirect_vreg.gather [hbm4b:s5+s2], $0x80, v3, vm0, $0xb8;
	[tilespmem:$0x18400] =	vst v63  }
0x12d: {  	_ = 	snop  }
0x12e: {  	[tilespmem:s24], [sflag:$0x1] =	stream.indirect_vreg.gather [hbm4b:s6+s2], $0x80, v3, vm0, $0xb8;
	[tilespmem:$0x18400] =	vst v63  }
0x12f: {  	_ =	swait.ge [sflag:s18], $0x8000  }
0x130: {  	[sflag:s18] =	ssyncset.done $0x0  }
0x131: {  	s1 =	rddreg [dreg:$0x6];
	[sflag:s18] =	ssyncadd.s32 $0xFFFF8000  }
0x132: {  	[hbm4b:s1+s2] =	stream.linear.scatter [tilespmem:s25], [sflag:$0x2], $0x8000, $0x38;
	[tilespmem:$0x18400] =	vst v63  }
0x133: {  	_ =	swait.ge [sflag:s19], $0x8000  }
0x134: {  	[sflag:s19] =	ssyncset.done $0x0  }
0x135: {  	[sflag:s19] =	ssyncadd.s32 $0xFFFF8000  }
0x136: {  	v3 =	vld [tilespmem:$0x300];
	_ =	sdelay $0x4  }
0x137: {  	v60 =	vshll.u32 v3, $0x3  }
0x138: {  	v3 =	vand.u32 $0x7, v3;
	v4 =	vand.u32 $0xFFFFFFC0, v60  }
0x139: {  	v3 =	vor.u32 v3, v4  }
0x13a: {  	v4 =	vperm.xlane v3, v0;
	_ =	sdelay $0x1  }
0x13b: {  	v4 =	vadd.s32 v1, v4;
	_ =	sdelay $0x4  }
0x13c: {  	[tilespmem:s25], [sflag:$0x1] =	stream.indirect_vreg.gather [hbm4b:s3+s2], $0x80, v4, vm0, $0xb8;
	[tilespmem:$0x18400] =	vst v63  }
0x13d: {  	s20 =	simm.s32 $0xC00;
	v3 =	vperm.xlane v3, v2  }
0x13e: {  	[tilespmem:s20], [sflag:$0x1] =	stream.indirect_vreg.gather [hbm4b:s4+s2], $0x80, v4, vm0, $0xb8;
	[tilespmem:$0x18400] =	vst v63  }
0x13f: {  	v3 =	vadd.s32 v1, v3;
	s20 =	simm.s32 $0x1400  }
0x140: {  	[tilespmem:s20], [sflag:$0x1] =	stream.indirect_vreg.gather [hbm4b:s5+s2], $0x80, v4, vm0, $0xb8;
	[tilespmem:$0x18400] =	vst v63  }
0x141: {  	s20 =	simm.s32 $0x1C00  }
0x142: {  	[tilespmem:s20], [sflag:$0x1] =	stream.indirect_vreg.gather [hbm4b:s6+s2], $0x80, v4, vm0, $0xb8;
	[tilespmem:$0x18400] =	vst v63  }
0x143: {  	s20 =	simm.s32 $0x2400  }
0x144: {  	[tilespmem:s20], [sflag:$0x1] =	stream.indirect_vreg.gather [hbm4b:s3+s2], $0x80, v3, vm0, $0xb8;
	[tilespmem:$0x18400] =	vst v63  }
0x145: {  	s20 =	simm.s32 $0x2C00  }
0x146: {  	[tilespmem:s20], [sflag:$0x1] =	stream.indirect_vreg.gather [hbm4b:s4+s2], $0x80, v3, vm0, $0xb8;
	[tilespmem:$0x18400] =	vst v63  }
0x147: {  	_ = 	snop  }
0x148: {  	[tilespmem:s28], [sflag:$0x1] =	stream.indirect_vreg.gather [hbm4b:s5+s2], $0x80, v3, vm0, $0xb8;
	[tilespmem:$0x18400] =	vst v63  }
0x149: {  	_ = 	snop  }
0x14a: {  	[tilespmem:s29], [sflag:$0x1] =	stream.indirect_vreg.gather [hbm4b:s6+s2], $0x80, v3, vm0, $0xb8;
	[tilespmem:$0x18400] =	vst v63  }
0x14b: {  	v3 =	vld [tilespmem:$0x310];
	_ =	sdelay $0x4  }
0x14c: {  	v61 =	vshll.u32 v3, $0x3  }
0x14d: {  	v3 =	vand.u32 $0x7, v3;
	v4 =	vand.u32 $0xFFFFFFC0, v61  }
0x14e: {  	v3 =	vor.u32 v3, v4  }
0x14f: {  	v4 =	vperm.xlane v3, v0;
	_ =	sdelay $0x1  }
0x150: {  	v4 =	vadd.s32 v1, v4;
	_ =	sdelay $0x4  }
0x151: {  	[tilespmem:s30], [sflag:$0x1] =	stream.indirect_vreg.gather [hbm4b:s3+s2], $0x80, v4, vm0, $0xb8;
	[tilespmem:$0x18400] =	vst v63  }
0x152: {  	v3 =	vperm.xlane v3, v2  }
0x153: {  	[tilespmem:s31], [sflag:$0x1] =	stream.indirect_vreg.gather [hbm4b:s4+s2], $0x80, v4, vm0, $0xb8;
	[tilespmem:$0x18400] =	vst v63  }
0x154: {  	s20 =	simm.s32 $0x5400;
	v3 =	vadd.s32 v1, v3  }
0x155: {  	[tilespmem:s20], [sflag:$0x1] =	stream.indirect_vreg.gather [hbm4b:s5+s2], $0x80, v4, vm0, $0xb8;
	[tilespmem:$0x18400] =	vst v63  }
0x156: {  	s20 =	simm.s32 $0x5C00  }
0x157: {  	[tilespmem:s20], [sflag:$0x1] =	stream.indirect_vreg.gather [hbm4b:s6+s2], $0x80, v4, vm0, $0xb8;
	[tilespmem:$0x18400] =	vst v63  }
0x158: {  	s20 =	simm.s32 $0x6400  }
0x159: {  	[tilespmem:s20], [sflag:$0x1] =	stream.indirect_vreg.gather [hbm4b:s3+s2], $0x80, v3, vm0, $0xb8;
	[tilespmem:$0x18400] =	vst v63  }
0x15a: {  	s20 =	simm.s32 $0x6C00  }
0x15b: {  	[tilespmem:s20], [sflag:$0x1] =	stream.indirect_vreg.gather [hbm4b:s4+s2], $0x80, v3, vm0, $0xb8;
	[tilespmem:$0x18400] =	vst v63  }
0x15c: {  	s20 =	simm.s32 $0x7400  }
0x15d: {  	[tilespmem:s20], [sflag:$0x1] =	stream.indirect_vreg.gather [hbm4b:s5+s2], $0x80, v3, vm0, $0xb8;
	[tilespmem:$0x18400] =	vst v63  }
0x15e: {  	s20 =	simm.s32 $0x7C00  }
0x15f: {  	[tilespmem:s20], [sflag:$0x1] =	stream.indirect_vreg.gather [hbm4b:s6+s2], $0x80, v3, vm0, $0xb8;
	[tilespmem:$0x18400] =	vst v63  }
0x160: {  	_ =	swait.ge [sflag:s18], $0x8000  }
0x161: {  	[sflag:s18] =	ssyncset.done $0x0  }
0x162: {  	s1 =	rddreg [dreg:$0x7];
	[sflag:s18] =	ssyncadd.s32 $0xFFFF8000  }
0x163: {  	[hbm4b:s1+s2] =	stream.linear.scatter [tilespmem:s0], [sflag:$0x2], $0x8000, $0x38;
	[tilespmem:$0x18400] =	vst v63  }
0x164: {  	_ =	swait.ge [sflag:s19], $0x8000  }
0x165: {  	[sflag:s19] =	ssyncset.done $0x0  }
0x166: {  	[sflag:s19] =	ssyncadd.s32 $0xFFFF8000  }
0x167: {  	v3 =	vld [tilespmem:$0x380];
	_ =	sdelay $0x4  }
0x168: {  	v62 =	vshll.u32 v3, $0x3  }
0x169: {  	v3 =	vand.u32 $0x7, v3;
	v4 =	vand.u32 $0xFFFFFFC0, v62  }
0x16a: {  	v3 =	vor.u32 v3, v4  }
0x16b: {  	v4 =	vperm.xlane v3, v0;
	_ =	sdelay $0x1  }
0x16c: {  	v4 =	vadd.s32 v1, v4;
	_ =	sdelay $0x4  }
0x16d: {  	[tilespmem:s0], [sflag:$0x1] =	stream.indirect_vreg.gather [hbm4b:s3+s2], $0x80, v4, vm0, $0xb8;
	[tilespmem:$0x18400] =	vst v63  }
0x16e: {  	s20 =	simm.s32 $0x8C00;
	v3 =	vperm.xlane v3, v2  }
0x16f: {  	[tilespmem:s20], [sflag:$0x1] =	stream.indirect_vreg.gather [hbm4b:s4+s2], $0x80, v4, vm0, $0xb8;
	[tilespmem:$0x18400] =	vst v63  }
0x170: {  	v3 =	vadd.s32 v1, v3;
	s20 =	simm.s32 $0x9400  }
0x171: {  	[tilespmem:s20], [sflag:$0x1] =	stream.indirect_vreg.gather [hbm4b:s5+s2], $0x80, v4, vm0, $0xb8;
	[tilespmem:$0x18400] =	vst v63  }
0x172: {  	s20 =	simm.s32 $0x9C00  }
0x173: {  	[tilespmem:s20], [sflag:$0x1] =	stream.indirect_vreg.gather [hbm4b:s6+s2], $0x80, v4, vm0, $0xb8;
	[tilespmem:$0x18400] =	vst v63  }
0x174: {  	s20 =	simm.s32 $0xA400  }
0x175: {  	[tilespmem:s20], [sflag:$0x1] =	stream.indirect_vreg.gather [hbm4b:s3+s2], $0x80, v3, vm0, $0xb8;
	[tilespmem:$0x18400] =	vst v63  }
0x176: {  	s20 =	simm.s32 $0xAC00  }
0x177: {  	[tilespmem:s20], [sflag:$0x1] =	stream.indirect_vreg.gather [hbm4b:s4+s2], $0x80, v3, vm0, $0xb8;
	[tilespmem:$0x18400] =	vst v63  }
0x178: {  	s20 =	simm.s32 $0xB400  }
0x179: {  	[tilespmem:s20], [sflag:$0x1] =	stream.indirect_vreg.gather [hbm4b:s5+s2], $0x80, v3, vm0, $0xb8;
	[tilespmem:$0x18400] =	vst v63  }
0x17a: {  	s20 =	simm.s32 $0xBC00  }
0x17b: {  	[tilespmem:s20], [sflag:$0x1] =	stream.indirect_vreg.gather [hbm4b:s6+s2], $0x80, v3, vm0, $0xb8;
	[tilespmem:$0x18400] =	vst v63  }
0x17c: {  	v3 =	vld [tilespmem:$0x390];
	_ =	sdelay $0x4  }
0x17d: {  	v63 =	vshll.u32 v3, $0x3  }
0x17e: {  	v3 =	vand.u32 $0x7, v3;
	v4 =	vand.u32 $0xFFFFFFC0, v63  }
0x17f: {  	v3 =	vor.u32 v3, v4  }
0x180: {  	v4 =	vperm.xlane v3, v0;
	_ =	sdelay $0x1  }
0x181: {  	v4 =	vadd.s32 v1, v4;
	_ =	sdelay $0x3  }
0x182: {  	s20 =	simm.s32 $0xC400  }
0x183: {  	[tilespmem:s20], [sflag:$0x1] =	stream.indirect_vreg.gather [hbm4b:s3+s2], $0x80, v4, vm0, $0xb8;
	[tilespmem:$0x18400] =	vst v63  }
0x184: {  	v3 =	vperm.xlane v3, v2;
	s20 =	simm.s32 $0xCC00  }
0x185: {  	[tilespmem:s20], [sflag:$0x1] =	stream.indirect_vreg.gather [hbm4b:s4+s2], $0x80, v4, vm0, $0xb8;
	[tilespmem:$0x18400] =	vst v63  }
0x186: {  	v3 =	vadd.s32 v1, v3;
	s20 =	simm.s32 $0xD400  }
0x187: {  	[tilespmem:s20], [sflag:$0x1] =	stream.indirect_vreg.gather [hbm4b:s5+s2], $0x80, v4, vm0, $0xb8;
	[tilespmem:$0x18400] =	vst v63  }
0x188: {  	s20 =	simm.s32 $0xDC00  }
0x189: {  	[tilespmem:s20], [sflag:$0x1] =	stream.indirect_vreg.gather [hbm4b:s6+s2], $0x80, v4, vm0, $0xb8;
	[tilespmem:$0x18400] =	vst v63  }
0x18a: {  	s20 =	simm.s32 $0xE400  }
0x18b: {  	[tilespmem:s20], [sflag:$0x1] =	stream.indirect_vreg.gather [hbm4b:s3+s2], $0x80, v3, vm0, $0xb8;
	[tilespmem:$0x18400] =	vst v63  }
0x18c: {  	s20 =	simm.s32 $0xEC00  }
0x18d: {  	[tilespmem:s20], [sflag:$0x1] =	stream.indirect_vreg.gather [hbm4b:s4+s2], $0x80, v3, vm0, $0xb8;
	[tilespmem:$0x18400] =	vst v63  }
0x18e: {  	s20 =	simm.s32 $0xF400  }
0x18f: {  	[tilespmem:s20], [sflag:$0x1] =	stream.indirect_vreg.gather [hbm4b:s5+s2], $0x80, v3, vm0, $0xb8;
	[tilespmem:$0x18400] =	vst v63  }
0x190: {  	s20 =	simm.s32 $0xFC00  }
0x191: {  	[tilespmem:s20], [sflag:$0x1] =	stream.indirect_vreg.gather [hbm4b:s6+s2], $0x80, v3, vm0, $0xb8;
	[tilespmem:$0x18400] =	vst v63  }
0x192: {  	_ =	swait.ge [sflag:s18], $0x8000  }
0x193: {  	[sflag:s18] =	ssyncset.done $0x0  }
0x194: {  	s1 =	rddreg [dreg:$0x8];
	[sflag:s18] =	ssyncadd.s32 $0xFFFF8000  }
0x195: {  	[hbm4b:s1+s2] =	stream.linear.scatter [tilespmem:s26], [sflag:$0x2], $0x8000, $0x38;
	[tilespmem:$0x18400] =	vst v63  }
0x196: {  	_ =	swait.ge [sflag:s18], $0x8000  }
0x197: {  	[sflag:s18] =	ssyncset.done $0x0  }
0x198: {  	s1 =	rddreg [dreg:$0x9];
	[sflag:s18] =	ssyncadd.s32 $0xFFFF8000  }
0x199: {  	[hbm4b:s1+s2] =	stream.linear.scatter [tilespmem:s25], [sflag:$0x2], $0x8000, $0x38;
	[tilespmem:$0x18400] =	vst v63  }
0x19a: {  	_ =	swait.ge [sflag:s18], $0x8000  }
0x19b: {  	[sflag:s18] =	ssyncset.done $0x0  }
0x19c: {  	s1 =	rddreg [dreg:$0xa];
	[sflag:s18] =	ssyncadd.s32 $0xFFFF8000  }
0x19d: {  	[hbm4b:s1+s2] =	stream.linear.scatter [tilespmem:s0], [sflag:$0x2], $0x8000, $0x38;
	[tilespmem:$0x18400] =	vst v63  }
0x19e: {  	_ =	swait.ge [sflag:s19], $0x8000  }
0x19f: {  	[sflag:s19] =	ssyncset.done $0x0  }
0x1a0: {  	[sflag:s19] =	ssyncadd.s32 $0xFFFF8000  }
0x1a1: {  	p0 =	sne.s32 s7, $0x1;
	_ =	swait.ge [sflag:s19], $0x8000  }
.Ltmp0:
0x1a2: {  	[sflag:s19] =	ssyncset.done $0x0;
	(pc) =	sbr.rel @p0 .LBB2_1-.Ltmp0, $4  }
0x1a3: {  	[sflag:s19] =	ssyncadd.s32 $0xFFFF8000  }
0x1a4: {  	_ =	swait.ge [sflag:s19], $0x8000  }
0x1a5: {  	[sflag:s19] =	ssyncset.done $0x0  }
0x1a6: {  	s7 =	sadd.s32 $0xFFFFFFFF, s7;
	[sflag:s19] =	ssyncadd.s32 $0xFFFF8000  }
0x1a7: {  	_ =	sfence.sel $0x180000  }
0x1a8: {  	[bflag:$0x0] =	sbarrier.arrive $0xFFFF  }
0x1a9: {  	_ =	strace $0x9000004A  }
0x1aa: {  	s0 =	stileid.u32;
	[bflag:$0x2] =	sbarrier.arrive $0xFFFF  }
0x1ab: {  	p0 =	sne.s32 s0, $0x0;
	s0 =	rddreg [dreg:$0x1]  }
0x1ac: {  	s0 =	sadd.s32 @!p0 $0x100000, s0  }
0x1ad: {  	[sflag:s0] =	ssyncadd.tile.s32 @!p0 $0x1;
	_ =	shalt  }
.Lfunc_end2:
_tile_overlayer_lowered:
.L_overlay_start_2:
0x1ae: {  	(tag) =	ssettag $0x2  }
0x1af: {  	s0 =	rddreg [dreg:$0x0];
	s2 =	stileid.u32  }
0x1b0: {  	s1 =	rddreg [dreg:$0x1];
	p0 =	sne.s32 s2, $0x0  }
0x1b1: {  	s3 =	rddreg [dreg:$0x2];
	[bflag:$0x3] =	sbarrier.arrive $0xFFFF;
	s2 =	simm.s32 @!p0 $0x1C03  }
0x1b2: {  	[timem:s3], [sflag:s2] =	dma.local @!p0 [hbm:s0], s1  }
0x1b3: {  	s0 =	simm.s32 @!p0 $0x3  }
0x1b4: {  	_ =	swait.ge @!p0 [sflag:s0], s1  }
0x1b5: {  	s1 =	ssub.s32 @!p0 $0x0, s1;
	[sflag:s0] =	ssyncset.done @!p0 $0x0  }
0x1b6: {  	[sflag:s0] =	ssyncadd.s32 @!p0 s1  }
0x1b7: {  	[bflag:$0x3] =	sbarrier.arrive $0xFFFF  }
0x1b8: {  	_ =	shalt  }

// kernel: kernel.8.cloned.1.call-start
scs
__scs_entry_jumppad:
0x0: {  	(pc) =	sbr.rel $0x88, $3  }
0x1: {  	(tag) =	ssettag $0x0;
	lr =	simm.s32 $0x1  }
0x2: {  	[smem:$0x3F99] =	sst lr;
	_ =	strace $0xD0000000  }
0x3: {  	_ = 	snop  }
0x4: {  	_ = 	snop  }
0x5: {  	_ = 	snop  }
0x6: {  	_ = 	snop  }
0x7: {  	_ = 	snop  }
__scs_overlays_trampoline_lowered:
0x8: {  	[smem:$0x3FA8] =	sst s0  }
0x9: {  	[smem:$0x3FA9] =	sst s1  }
0xa: {  	[smem:$0x3FAA] =	sst s2  }
0xb: {  	[smem:$0x3FAB] =	sst s3  }
0xc: {  	[smem:$0x3FAC] =	sst s4  }
0xd: {  	[smem:$0x3FAD] =	sst s5  }
0xe: {  	[smem:$0x3FAE] =	sst s6  }
0xf: {  	[smem:$0x3FAF] =	sst s7  }
0x10: {  	[smem:$0x3FB0] =	sst s8  }
0x11: {  	[smem:$0x3FB1] =	sst s9;
	s0 =	simm.s32 @!p0 $0x0  }
0x12: {  	s1 =	sld [smem:$0x3F97];
	s0 =	simm.s32 @p0 $0x1  }
0x13: {  	[smem:$0x3FB2] =	sst s0;
	s0 =	simm.s32 @!p1 $0x0  }
0x14: {  	s2 =	sld [smem:$0x3F96];
	s0 =	simm.s32 @p1 $0x1  }
0x15: {  	[smem:$0x3FB3] =	sst s0;
	s0 =	simm.s32 @!p2 $0x0  }
0x16: {  	s3 =	sld [smem:$0x3FDB];
	s0 =	simm.s32 @p2 $0x1  }
0x17: {  	s4 =	simm.s32 $0x1BF5;
	[smem:$0x3FB5] =	sst s0  }
0x18: {  	s0 =	sld [smem:$0x3F98];
	_ =	swait.ge [sflag:s4], $0x0  }
0x19: {  	s7 =	sld [smem:$0x3F99]  }
0x1a: {  	s8 =	sadd.s32 $0xFFFFE003, lr  }
0x1b: {  	s9 =	sadd.s32 $0xFFFFFEF7, lr;
	s5 =	simm.s32 $0xFFFFFFFF;
	p2 =	slt.u32 s8, $0xFFFFF086  }
0x1c: {  	p1 =	slt.u32 s9, $0xF7A;
	s5 =	simm.s32 @!p2 $0x0  }
0x1d: {  	s5 =	simm.s32 @p1 $0x1;
	p0 =	seq.s32 s7, s2  }
0x1e: {  	s7 =	smul.u32 @!p0 $0xF7A, s2;
	p2 =	seq.s32 @!p0 s5, $0x0  }
0x1f: {  	s9 =	smul.u32 $0xF7A, s1;
	s8 =	simm.s32 @!p0 $0x1BF5;
	p2 =	por !p2, p0  }
0x20: {  	[sflag:s8] =	ssyncset.s32 @!p0 $0xFFFFF086;
	s6 =	sadd.s32 @!p0 s3, s7;
	s7 =	simm.s32 @!p0 $0x108  }
0x21: {  	s3 =	sadd.s32 s3, s9;
	s6 =	sadd.s32 @!p0 $0x88, s6;
	s7 =	simm.s32 @p2 $0x1082  }
0x22: {  	[simem:s7], [sflag:s8] =	dma.local @!p0 [hbm:s6], $0xF7A  }
0x23: {  	s9 =	sor.u32 $0xD0000000, s2;
	s6 =	simm.s32 $0x108;
	_ =	swait.ge @!p0 [sflag:s8], $0x0  }
0x24: {  	s3 =	sadd.s32 $0x88, s3;
	s6 =	simm.s32 @!p1 $0x1082;
	[sflag:s4] =	ssyncset.s32 $0xFFFFF086  }
0x25: {  	[simem:s6], [sflag:s4] =	dma.local [hbm:s3], $0xF7A  }
0x26: {  	[smem:$0x3F99] =	sst s1;
	(tag) =	ssettag s2;
	_ =	strace s9  }
0x27: {  	s1 =	sld [smem:$0x3FA9]  }
0x28: {  	s2 =	sld [smem:$0x3FAA]  }
0x29: {  	s4 =	sld [smem:$0x3FAC]  }
0x2a: {  	p0 =	seq.s32 s5, $0x0;
	s5 =	sld [smem:$0x3FAD]  }
0x2b: {  	s6 =	sld [smem:$0x3FAE]  }
0x2c: {  	s7 =	sld [smem:$0x3FAF]  }
0x2d: {  	s3 =	simm.s32 $0x108;
	s8 =	sld [smem:$0x3FB0]  }
0x2e: {  	s3 =	simm.s32 @!p0 $0x1082;
	s9 =	sld [smem:$0x3FB1]  }
0x2f: {  	lr =	sadd.s32 s0, s3;
	s0 =	sld [smem:$0x3FA8]  }
0x30: {  	s3 =	sld [smem:$0x3FAB]  }
0x31: {  	[smem:$0x3FB4] =	sst s10  }
0x32: {  	s10 =	sld [smem:$0x3FB2];
	_ =	sdelay $0x3  }
0x33: {  	p0 =	seq.s32 s10, $0x1;
	s10 =	sld [smem:$0x3FB4];
	_ =	sdelay $0x3  }
0x34: {  	[smem:$0x3FB4] =	sst s10  }
0x35: {  	s10 =	sld [smem:$0x3FB3];
	_ =	sdelay $0x3  }
0x36: {  	p1 =	seq.s32 s10, $0x1;
	s10 =	sld [smem:$0x3FB4];
	_ =	sdelay $0x3  }
0x37: {  	[smem:$0x3FB4] =	sst s10  }
0x38: {  	s10 =	sld [smem:$0x3FB5]  }
0x39: {  	_ = 	snop;
	(pc) =	sbr.ind lr, $3  }
0x3a: {  	_ = 	snop  }
0x3b: {  	_ = 	snop  }
0x3c: {  	p2 =	seq.s32 s10, $0x1;
	s10 =	sld [smem:$0x3FB4]  }
0x3d: {  	_ =	shalt  }
0x3e: {  	_ =	shalt  }
0x3f: {  	_ =	shalt  }
0x40: {  	_ =	shalt  }
0x41: {  	_ =	shalt  }
0x42: {  	_ =	shalt  }
0x43: {  	_ =	shalt  }
0x44: {  	_ =	shalt  }
0x45: {  	_ =	shalt  }
0x46: {  	_ =	shalt  }
0x47: {  	_ =	shalt  }
0x48: {  	_ =	shalt  }
0x49: {  	_ =	shalt  }
0x4a: {  	_ =	shalt  }
0x4b: {  	_ =	shalt  }
0x4c: {  	_ =	shalt  }
0x4d: {  	_ =	shalt  }
0x4e: {  	_ =	shalt  }
0x4f: {  	_ =	shalt  }
0x50: {  	_ =	shalt  }
0x51: {  	_ =	shalt  }
0x52: {  	_ =	shalt  }
0x53: {  	_ =	shalt  }
0x54: {  	_ =	shalt  }
0x55: {  	_ =	shalt  }
0x56: {  	_ =	shalt  }
0x57: {  	_ =	shalt  }
0x58: {  	_ =	shalt  }
0x59: {  	_ =	shalt  }
0x5a: {  	_ =	shalt  }
0x5b: {  	_ =	shalt  }
0x5c: {  	_ =	shalt  }
0x5d: {  	_ =	shalt  }
0x5e: {  	_ =	shalt  }
0x5f: {  	_ =	shalt  }
0x60: {  	_ =	shalt  }
0x61: {  	_ =	shalt  }
0x62: {  	_ =	shalt  }
0x63: {  	_ =	shalt  }
0x64: {  	_ =	shalt  }
0x65: {  	_ =	shalt  }
0x66: {  	_ =	shalt  }
0x67: {  	_ =	shalt  }
0x68: {  	_ =	shalt  }
0x69: {  	_ =	shalt  }
0x6a: {  	_ =	shalt  }
0x6b: {  	_ =	shalt  }
0x6c: {  	_ =	shalt  }
0x6d: {  	_ =	shalt  }
0x6e: {  	_ =	shalt  }
0x6f: {  	_ =	shalt  }
0x70: {  	_ =	shalt  }
0x71: {  	_ =	shalt  }
0x72: {  	_ =	shalt  }
0x73: {  	_ =	shalt  }
0x74: {  	_ =	shalt  }
0x75: {  	_ =	shalt  }
0x76: {  	_ =	shalt  }
0x77: {  	_ =	shalt  }
0x78: {  	_ =	shalt  }
0x79: {  	_ =	shalt  }
0x7a: {  	_ =	shalt  }
0x7b: {  	_ =	shalt  }
0x7c: {  	_ =	shalt  }
0x7d: {  	_ =	shalt  }
0x7e: {  	_ =	shalt  }
0x7f: {  	_ =	shalt  }
0x80: {  	_ =	shalt  }
0x81: {  	_ =	shalt  }
0x82: {  	_ =	shalt  }
0x83: {  	_ =	shalt  }
0x84: {  	_ =	shalt  }
0x85: {  	_ =	shalt  }
0x86: {  	_ =	shalt  }
0x87: {  	_ =	shalt  }
.Lfunc_end0:
.L_simem_size_0:
called_computation_lowered:
.L_overlay_start_0:
0x88: {  	s2 =	sld [smem:$0x3FD9]  }
0x89: {  	s3 =	sld [smem:$0x3FFE];
	_ =	sdelay $0x1  }
0x8a: {  	s1 =	srdreg.scid  }
0x8b: {  	s0 =	sand.u32 $0x1, s1  }
0x8c: {  	s17 =	sshll.u32 s0, $0xA;
	s2 =	sadd.s32 s3, s2  }
0x8d: {  	s2 =	sadd.s32 s2, s17  }
0x8e: {  	[smem:$0x3FC0] =	sst s2  }
0x8f: {  	_ = 	snop  }
0x90: {  	s2 =	sld [smem:$0x3FC9];
	(tm) =	ssettm $0x1  }
0x91: {  	s18 =	sld [smem:$0x3FFB];
	_ =	sdelay $0x3  }
0x92: {  	_ =	strace s18  }
0x93: {  	s3 =	sld [smem:$0x3FFC];
	_ =	sdelay $0x3  }
0x94: {  	_ =	strace s3  }
0x95: {  	s3 =	sld [smem:$0x3FFD];
	_ =	sdelay $0x3  }
0x96: {  	_ =	strace s3  }
0x97: {  	_ =	strace $0x8FFFFFFF  }
0x98: {  	s19 =	sld [smem:$0x3FDB];
	_ =	sdelay $0x1  }
0x99: {  	s4 =	simm.s32 $_scs_section_size  }
0x9a: {  	s5 =	simm.s32 $_size__tile_overlayer_lowered;
	s6 =	simm.s32 $_tile_overlayer_lowered  }
0x9b: {  	s22 =	simm.s32 $0x1BFF;
	s21 =	sshll.u32 s6, $0x1;
	s3 =	sadd.s32 s4, s19  }
0x9c: {  	s7 =	simm.s32 $0x0;
	s20 =	sshll.u32 s5, $0x1;
	s5 =	sadd.s32 s21, s3  }
0x9d: {  	[timem:s7], [sflag:s22] =	dma.local [hbm:s5], s20  }
0x9e: {  	_ =	swait.ge [sflag:s22], s20  }
0x9f: {  	s4 =	ssub.s32 $0x0, s20;
	[sflag:s22] =	ssyncset.done $0x0  }
0xa0: {  	[sflag:s22] =	ssyncadd.s32 s4;
	_ =	sdelay $0x1  }
0xa1: {  	s23 =	simm.s32 $0x1B8B  }
0xa2: {  	_ =	swait.ge [sflag:s23], $0x1  }
0xa3: {  	[sflag:s23] =	ssyncset.done $0x0  }
0xa4: {  	s25 =	simm.s32 $0x1B8E;
	s24 =	sld [smem:$0x3FFE];
	[sflag:s23] =	ssyncadd.s32 $0xFFFFFFFF  }
0xa5: {  	s26 =	simm.s32 $execute0_lowered;
	[smem:$0x3FD2] =	sst s25  }
0xa6: {  	s5 =	sshll.u32 s26, $0x1;
	_ =	strace $0x80000046;
	[dreg:$0x1] =	wrdreg $0xFFFFFFFF  }
0xa7: {  	s28 =	simm.s32 $_size_execute0_lowered;
	s3 =	sadd.s32 s3, s5;
	[dreg:$0x0] =	wrdreg $0x0  }
0xa8: {  	s5 =	sshll.u32 s28, $0x1;
	[dreg:$0x2] =	wrdreg s3  }
0xa9: {  	[dreg:$0x3] =	wrdreg s5  }
0xaa: {  	[dreg:$0x4] =	wrdreg $0xC0  }
0xab: {  	_ =	task [dreg:s7], $0x5FFFF  }
0xac: {  	[dreg:$0x1] =	wrdreg $0xFFFFFFFF  }
0xad: {  	[dreg:$0x0] =	wrdreg $0x60  }
0xae: {  	[dreg:$0x2] =	wrdreg s2  }
0xaf: {  	[dreg:$0x3] =	wrdreg s24  }
0xb0: {  	[dreg:$0x4] =	wrdreg $0x9  }
0xb1: {  	_ =	task.clear_ibuf [dreg:s7], $0x5FFFF;
	_ =	strace $0x90000046  }
0xb2: {  	s29 =	simm.s32 $0x9;
	_ =	strace $0x80000048  }
0xb3: {  	_ =	swait.ge [sflag:s29], $0x1  }
0xb4: {  	[sflag:s29] =	ssyncadd.s32 $0xFFFFFFFF  }
0xb5: {  	_ =	strace $0x90000048  }
0xb6: {  	_ =	sfence  }
0xb7: {  	s30 =	sld [smem:$0x0];
	_ =	sdelay $0x2  }
0xb8: {  	s31 =	sshll.u32 s1, $0xD;
	s1 =	sshrl.u32 s1, $0x2  }
0xb9: {  	s3 =	sand.u32 $0x4000, s31;
	s1 =	sadd.s32 s1, s30  }
0xba: {  	s0 =	sor.u32 s3, s0;
	s1 =	sshll.u32 s1, $0x11  }
0xbb: {  	s0 =	sor.u32 s1, s0  }
0xbc: {  	s0 =	sadd.s32 $0x8F2B, s0  }
0xbd: {  	[sflag:s0] =	ssyncadd.remote.s32 $0x1  }
0xbe: {  	_ =	sfence.sel $0xFFFF  }
0xbf: {  	[dreg:$0x0] =	wrdreg $0xFFFFFFFF;
	(pc) =	sbr.abs _section_cstart, $3  }
0xc0: {  	[dreg:$0x1] =	wrdreg $0xFFFFFFFF  }
0xc1: {  	_ =	task.clear_ibuf [dreg:s7], $0x2FFFF;
	_ =	strace $0x9FFFFFFF  }
0xc2: {  	(tm) =	ssettm $0x7FFFFFFF  }
0xc3: {  	_ =	shalt  }
tec
execute0_lowered:
.L_overlay_start_1:
0x0: {  	(tag) =	ssettag $0x1  }
0x1: {  	s0 =	rddreg [dreg:$0x0];
	s1 =	srdreg.scid  }
0x2: {  	s2 =	stileid.u32;
	s4 =	rddreg [dreg:$0x1]  }
0x3: {  	s31 =	simm.s32 $0x200;
	s30 =	simm.s32 $0x2;
	s9 =	simm.s32 $0x400  }
0x4: {  	s28 =	simm.s32 $0x6C00;
	s1 =	sand.u32 $0x1, s1;
	s3 =	sshll.u32 s2, $0x1  }
0x5: {  	s29 =	simm.s32 $0x7400;
	s2 =	simm.s32 $0x0;
	s5 =	sor.u32 s1, s3  }
0x6: {  	[smem:$0x7FF] =	sst s2;
	s1 =	ssub.s32 $0x2, s1;
	s3 =	sshll.u32 s5, $0x6  }
0x7: {  	_ =	strace $0x80000047;
	s5 =	sshll.u32 s5, $0xE;
	s24 =	sshrl.u32 s1, $0x1  }
0x8: {  	[dreg:$0x8] =	wrdreg s31;
	s6 =	sadd.s32 s3, s4;
	s23 =	sadd.s32 s0, s5  }
0x9: {  	s3 =	sadd.s32 $0x2200, s4;
	s7 =	sadd.s32 $0x1A00, s6;
	[dreg:$0x9] =	wrdreg s23  }
0xa: {  	s0 =	ssub.s32 s1, s24;
	s6 =	sadd.s32 $0x1200, s6;
	[dreg:$0x3] =	wrdreg s7  }
0xb: {  	s24 =	simm.s32 $0x5400;
	s5 =	sadd.s32 $0x1000, s23;
	[dreg:$0x4] =	wrdreg s6  }
0xc: {  	s25 =	sadd.s32 $0x2000, s23;
	s26 =	sadd.s32 $0x3000, s23;
	[dreg:$0x5] =	wrdreg s5  }
0xd: {  	v2 =	vlaneseq.u32;
	s8 =	smax.u32 s0, $0x1;
	s23 =	simm.s32 $0x1;
	[dreg:$0x6] =	wrdreg s25  }
0xe: {  	vm0 =	vmmov $0xffff;
	v1 =	vshrl.u32 v2, $0x3;
	s5 =	sadd.s32 $0x2300, s4;
	s6 =	sadd.s32 $0x2400, s4;
	s7 =	sadd.s32 $0x2500, s4  }
0xf: {  	v0 =	vand.u32 $0x7, v2;
	v2 =	vor.u32 $0x8, v2;
	v1 =	vmul.u32 $0x8, v1;
	[dreg:$0x7] =	wrdreg s26;
	s25 =	simm.s32 $0x5C00;
	s26 =	simm.s32 $0x6400  }
.LBB2_1:
0x10: {  	s31 =	rddreg [dreg:$0x3];
	s0 =	simm.s32 $0x3  }
0x11: {  	[tilespmem:s2], [sflag:$0x3] =	stream.linear.gather [hbm4b:s31+s2], $0x200, $0x38;
	[tilespmem:$0x18400] =	vst v63  }
0x12: {  	_ =	swait.ge [sflag:s0], $0x200  }
0x13: {  	s21 =	rddreg [dreg:$0x4];
	[sflag:s0] =	ssyncset.done $0x0  }
0x14: {  	s1 =	rddreg [dreg:$0x8];
	[sflag:s0] =	ssyncadd.s32 $0xFFFFFE00  }
0x15: {  	[tilespmem:s1], [sflag:$0x3] =	stream.linear.gather [hbm4b:s21+s2], $0x200, $0x38;
	[tilespmem:$0x18400] =	vst v63  }
0x16: {  	_ =	swait.ge [sflag:s0], $0x200  }
0x17: {  	[sflag:s0] =	ssyncset.done $0x0  }
0x18: {  	[sflag:s0] =	ssyncadd.s32 $0xFFFFFE00;
	s0 =	rddreg [dreg:$0x9]  }
0x19: {  	[tilespmem:s9], [sflag:$0x1] =	stream.linear.gather [hbm4b:s0+s2], $0x8000, $0x38;
	[tilespmem:$0x18400] =	vst v63  }
0x1a: {  	s12 =	simm.s32 $0x8400;
	s22 =	rddreg [dreg:$0x5]  }
0x1b: {  	[tilespmem:s12], [sflag:$0x1] =	stream.linear.gather [hbm4b:s22+s2], $0x8000, $0x38;
	[tilespmem:$0x18400] =	vst v63  }
0x1c: {  	s14 =	simm.s32 $0x10400;
	s4 =	rddreg [dreg:$0x6]  }
0x1d: {  	[tilespmem:s14], [sflag:$0x1] =	stream.linear.gather [hbm4b:s4+s2], $0x8000, $0x38;
	[tilespmem:$0x18400] =	vst v63  }
0x1e: {  	_ =	swait.ge [sflag:s23], $0x8000  }
0x1f: {  	[sflag:s23] =	ssyncset.done $0x0  }
0x20: {  	[sflag:s23] =	ssyncadd.s32 $0xFFFF8000  }
0x21: {  	v3 =	vld [tilespmem:$0x0];
	_ =	sdelay $0x4  }
0x22: {  	v4 =	vshll.u32 v3, $0x3  }
0x23: {  	v3 =	vand.u32 $0x7, v3;
	v4 =	vand.u32 $0xFFFFFFC0, v4  }
0x24: {  	v3 =	vor.u32 v3, v4  }
0x25: {  	v4 =	vperm.xlane v3, v0;
	_ =	sdelay $0x1  }
0x26: {  	v4 =	vadd.s32 v1, v4;
	_ =	sdelay $0x4  }
0x27: {  	[hbm4b:s3+s2] =	stream.indirect_vreg.scatter [tilespmem:s9], [sflag:$0x2], $0x80, v4, vm0, $0xb8;
	[tilespmem:$0x18400] =	vst v63  }
0x28: {  	s10 =	simm.s32 $0xC00;
	v3 =	vperm.xlane v3, v2  }
0x29: {  	[hbm4b:s5+s2] =	stream.indirect_vreg.scatter [tilespmem:s10], [sflag:$0x2], $0x80, v4, vm0, $0xb8;
	[tilespmem:$0x18400] =	vst v63  }
0x2a: {  	s11 =	simm.s32 $0x1400;
	v3 =	vadd.s32 v1, v3  }
0x2b: {  	[hbm4b:s6+s2] =	stream.indirect_vreg.scatter [tilespmem:s11], [sflag:$0x2], $0x80, v4, vm0, $0xb8;
	[tilespmem:$0x18400] =	vst v63  }
0x2c: {  	s13 =	simm.s32 $0x1C00  }
0x2d: {  	[hbm4b:s7+s2] =	stream.indirect_vreg.scatter [tilespmem:s13], [sflag:$0x2], $0x80, v4, vm0, $0xb8;
	[tilespmem:$0x18400] =	vst v63  }
0x2e: {  	s16 =	simm.s32 $0x2400  }
0x2f: {  	[hbm4b:s3+s2] =	stream.indirect_vreg.scatter [tilespmem:s16], [sflag:$0x2], $0x80, v3, vm0, $0xb8;
	[tilespmem:$0x18400] =	vst v63  }
0x30: {  	s17 =	simm.s32 $0x2C00  }
0x31: {  	[hbm4b:s5+s2] =	stream.indirect_vreg.scatter [tilespmem:s17], [sflag:$0x2], $0x80, v3, vm0, $0xb8;
	[tilespmem:$0x18400] =	vst v63  }
0x32: {  	s18 =	simm.s32 $0x3400  }
0x33: {  	[hbm4b:s6+s2] =	stream.indirect_vreg.scatter [tilespmem:s18], [sflag:$0x2], $0x80, v3, vm0, $0xb8;
	[tilespmem:$0x18400] =	vst v63  }
0x34: {  	s19 =	simm.s32 $0x3C00  }
0x35: {  	[hbm4b:s7+s2] =	stream.indirect_vreg.scatter [tilespmem:s19], [sflag:$0x2], $0x80, v3, vm0, $0xb8;
	[tilespmem:$0x18400] =	vst v63  }
0x36: {  	v3 =	vld [tilespmem:$0x10];
	_ =	sdelay $0x4  }
0x37: {  	v49 =	vshll.u32 v3, $0x3  }
0x38: {  	v3 =	vand.u32 $0x7, v3;
	v4 =	vand.u32 $0xFFFFFFC0, v49  }
0x39: {  	v3 =	vor.u32 v3, v4  }
0x3a: {  	v4 =	vperm.xlane v3, v0;
	_ =	sdelay $0x1  }
0x3b: {  	v4 =	vadd.s32 v1, v4;
	_ =	sdelay $0x3  }
0x3c: {  	s20 =	simm.s32 $0x4400  }
0x3d: {  	[hbm4b:s3+s2] =	stream.indirect_vreg.scatter [tilespmem:s20], [sflag:$0x2], $0x80, v4, vm0, $0xb8;
	[tilespmem:$0x18400] =	vst v63  }
0x3e: {  	s21 =	simm.s32 $0x4C00;
	v3 =	vperm.xlane v3, v2  }
0x3f: {  	[hbm4b:s5+s2] =	stream.indirect_vreg.scatter [tilespmem:s21], [sflag:$0x2], $0x80, v4, vm0, $0xb8;
	[tilespmem:$0x18400] =	vst v63  }
0x40: {  	v3 =	vadd.s32 v1, v3  }
0x41: {  	[hbm4b:s6+s2] =	stream.indirect_vreg.scatter [tilespmem:s24], [sflag:$0x2], $0x80, v4, vm0, $0xb8;
	[tilespmem:$0x18400] =	vst v63  }
0x42: {  	_ = 	snop  }
0x43: {  	[hbm4b:s7+s2] =	stream.indirect_vreg.scatter [tilespmem:s25], [sflag:$0x2], $0x80, v4, vm0, $0xb8;
	[tilespmem:$0x18400] =	vst v63  }
0x44: {  	_ = 	snop  }
0x45: {  	[hbm4b:s3+s2] =	stream.indirect_vreg.scatter [tilespmem:s26], [sflag:$0x2], $0x80, v3, vm0, $0xb8;
	[tilespmem:$0x18400] =	vst v63  }
0x46: {  	_ = 	snop  }
0x47: {  	[hbm4b:s5+s2] =	stream.indirect_vreg.scatter [tilespmem:s28], [sflag:$0x2], $0x80, v3, vm0, $0xb8;
	[tilespmem:$0x18400] =	vst v63  }
0x48: {  	_ = 	snop  }
0x49: {  	[hbm4b:s6+s2] =	stream.indirect_vreg.scatter [tilespmem:s29], [sflag:$0x2], $0x80, v3, vm0, $0xb8;
	[tilespmem:$0x18400] =	vst v63  }
0x4a: {  	s22 =	simm.s32 $0x7C00  }
0x4b: {  	[hbm4b:s7+s2] =	stream.indirect_vreg.scatter [tilespmem:s22], [sflag:$0x2], $0x80, v3, vm0, $0xb8;
	[tilespmem:$0x18400] =	vst v63  }
0x4c: {  	v3 =	vld [tilespmem:$0x200];
	_ =	sdelay $0x4  }
0x4d: {  	v50 =	vshll.u32 v3, $0x3  }
0x4e: {  	v3 =	vand.u32 $0x7, v3;
	v4 =	vand.u32 $0xFFFFFFC0, v50  }
0x4f: {  	v3 =	vor.u32 v3, v4  }
0x50: {  	v4 =	vperm.xlane v3, v0;
	_ =	sdelay $0x1  }
0x51: {  	v4 =	vadd.s32 v1, v4;
	_ =	sdelay $0x4  }
0x52: {  	[hbm4b:s3+s2] =	stream.indirect_vreg.scatter [tilespmem:s9], [sflag:$0x2], $0x80, v4, vm0, $0xb8;
	[tilespmem:$0x18400] =	vst v63  }
0x53: {  	s15 =	simm.s32 $0xC00;
	v3 =	vperm.xlane v3, v2  }
0x54: {  	[hbm4b:s5+s2] =	stream.indirect_vreg.scatter [tilespmem:s15], [sflag:$0x2], $0x80, v4, vm0, $0xb8;
	[tilespmem:$0x18400] =	vst v63  }
0x55: {  	s1 =	simm.s32 $0x1400;
	v3 =	vadd.s32 v1, v3  }
0x56: {  	[hbm4b:s6+s2] =	stream.indirect_vreg.scatter [tilespmem:s1], [sflag:$0x2], $0x80, v4, vm0, $0xb8;
	[tilespmem:$0x18400] =	vst v63  }
0x57: {  	s4 =	simm.s32 $0x1C00  }
0x58: {  	[hbm4b:s7+s2] =	stream.indirect_vreg.scatter [tilespmem:s4], [sflag:$0x2], $0x80, v4, vm0, $0xb8;
	[tilespmem:$0x18400] =	vst v63  }
0x59: {  	s10 =	simm.s32 $0x2400  }
0x5a: {  	[hbm4b:s3+s2] =	stream.indirect_vreg.scatter [tilespmem:s10], [sflag:$0x2], $0x80, v3, vm0, $0xb8;
	[tilespmem:$0x18400] =	vst v63  }
0x5b: {  	s11 =	simm.s32 $0x2C00  }
0x5c: {  	[hbm4b:s5+s2] =	stream.indirect_vreg.scatter [tilespmem:s11], [sflag:$0x2], $0x80, v3, vm0, $0xb8;
	[tilespmem:$0x18400] =	vst v63  }
0x5d: {  	s13 =	simm.s32 $0x3400  }
0x5e: {  	[hbm4b:s6+s2] =	stream.indirect_vreg.scatter [tilespmem:s13], [sflag:$0x2], $0x80, v3, vm0, $0xb8;
	[tilespmem:$0x18400] =	vst v63  }
0x5f: {  	s16 =	simm.s32 $0x3C00  }
0x60: {  	[hbm4b:s7+s2] =	stream.indirect_vreg.scatter [tilespmem:s16], [sflag:$0x2], $0x80, v3, vm0, $0xb8;
	[tilespmem:$0x18400] =	vst v63  }
0x61: {  	v3 =	vld [tilespmem:$0x210];
	_ =	sdelay $0x4  }
0x62: {  	v51 =	vshll.u32 v3, $0x3  }
0x63: {  	v3 =	vand.u32 $0x7, v3;
	v4 =	vand.u32 $0xFFFFFFC0, v51  }
0x64: {  	v3 =	vor.u32 v3, v4  }
0x65: {  	v4 =	vperm.xlane v3, v0;
	_ =	sdelay $0x1  }
0x66: {  	v4 =	vadd.s32 v1, v4;
	_ =	sdelay $0x3  }
0x67: {  	s17 =	simm.s32 $0x4400  }
0x68: {  	[hbm4b:s3+s2] =	stream.indirect_vreg.scatter [tilespmem:s17], [sflag:$0x2], $0x80, v4, vm0, $0xb8;
	[tilespmem:$0x18400] =	vst v63  }
0x69: {  	s18 =	simm.s32 $0x4C00;
	v3 =	vperm.xlane v3, v2  }
0x6a: {  	[hbm4b:s5+s2] =	stream.indirect_vreg.scatter [tilespmem:s18], [sflag:$0x2], $0x80, v4, vm0, $0xb8;
	[tilespmem:$0x18400] =	vst v63  }
0x6b: {  	v3 =	vadd.s32 v1, v3  }
0x6c: {  	[hbm4b:s6+s2] =	stream.indirect_vreg.scatter [tilespmem:s24], [sflag:$0x2], $0x80, v4, vm0, $0xb8;
	[tilespmem:$0x18400] =	vst v63  }
0x6d: {  	_ = 	snop  }
0x6e: {  	[hbm4b:s7+s2] =	stream.indirect_vreg.scatter [tilespmem:s25], [sflag:$0x2], $0x80, v4, vm0, $0xb8;
	[tilespmem:$0x18400] =	vst v63  }
0x6f: {  	_ = 	snop  }
0x70: {  	[hbm4b:s3+s2] =	stream.indirect_vreg.scatter [tilespmem:s26], [sflag:$0x2], $0x80, v3, vm0, $0xb8;
	[tilespmem:$0x18400] =	vst v63  }
0x71: {  	_ = 	snop  }
0x72: {  	[hbm4b:s5+s2] =	stream.indirect_vreg.scatter [tilespmem:s28], [sflag:$0x2], $0x80, v3, vm0, $0xb8;
	[tilespmem:$0x18400] =	vst v63  }
0x73: {  	_ = 	snop  }
0x74: {  	[hbm4b:s6+s2] =	stream.indirect_vreg.scatter [tilespmem:s29], [sflag:$0x2], $0x80, v3, vm0, $0xb8;
	[tilespmem:$0x18400] =	vst v63  }
0x75: {  	s31 =	simm.s32 $0x7C00  }
0x76: {  	[hbm4b:s7+s2] =	stream.indirect_vreg.scatter [tilespmem:s31], [sflag:$0x2], $0x80, v3, vm0, $0xb8;
	[tilespmem:$0x18400] =	vst v63  }
0x77: {  	_ =	swait.ge [sflag:s30], $0x8000  }
0x78: {  	[sflag:s30] =	ssyncset.done $0x0  }
0x79: {  	[sflag:s30] =	ssyncadd.s32 $0xFFFF8000  }
0x7a: {  	_ =	swait.ge [sflag:s30], $0x8000  }
0x7b: {  	[sflag:s30] =	ssyncset.done $0x0  }
0x7c: {  	s0 =	rddreg [dreg:$0x7];
	[sflag:s30] =	ssyncadd.s32 $0xFFFF8000  }
0x7d: {  	[tilespmem:s9], [sflag:$0x1] =	stream.linear.gather [hbm4b:s0+s2], $0x8000, $0x38;
	[tilespmem:$0x18400] =	vst v63  }
0x7e: {  	_ =	swait.ge [sflag:s23], $0x8000  }
0x7f: {  	[sflag:s23] =	ssyncset.done $0x0  }
0x80: {  	[sflag:s23] =	ssyncadd.s32 $0xFFFF8000  }
0x81: {  	v3 =	vld [tilespmem:$0x80];
	_ =	sdelay $0x4  }
0x82: {  	v52 =	vshll.u32 v3, $0x3  }
0x83: {  	v3 =	vand.u32 $0x7, v3;
	v4 =	vand.u32 $0xFFFFFFC0, v52  }
0x84: {  	v3 =	vor.u32 v3, v4  }
0x85: {  	v4 =	vperm.xlane v3, v0;
	_ =	sdelay $0x1  }
0x86: {  	v4 =	vadd.s32 v1, v4;
	_ =	sdelay $0x4  }
0x87: {  	[hbm4b:s3+s2] =	stream.indirect_vreg.scatter [tilespmem:s12], [sflag:$0x2], $0x80, v4, vm0, $0xb8;
	[tilespmem:$0x18400] =	vst v63  }
0x88: {  	s1 =	simm.s32 $0x8C00;
	v3 =	vperm.xlane v3, v2  }
0x89: {  	[hbm4b:s5+s2] =	stream.indirect_vreg.scatter [tilespmem:s1], [sflag:$0x2], $0x80, v4, vm0, $0xb8;
	[tilespmem:$0x18400] =	vst v63  }
0x8a: {  	s31 =	simm.s32 $0x9400;
	v3 =	vadd.s32 v1, v3  }
0x8b: {  	[hbm4b:s6+s2] =	stream.indirect_vreg.scatter [tilespmem:s31], [sflag:$0x2], $0x80, v4, vm0, $0xb8;
	[tilespmem:$0x18400] =	vst v63  }
0x8c: {  	s4 =	simm.s32 $0x9C00  }
0x8d: {  	[hbm4b:s7+s2] =	stream.indirect_vreg.scatter [tilespmem:s4], [sflag:$0x2], $0x80, v4, vm0, $0xb8;
	[tilespmem:$0x18400] =	vst v63  }
0x8e: {  	s0 =	simm.s32 $0xA400  }
0x8f: {  	[hbm4b:s3+s2] =	stream.indirect_vreg.scatter [tilespmem:s0], [sflag:$0x2], $0x80, v3, vm0, $0xb8;
	[tilespmem:$0x18400] =	vst v63  }
0x90: {  	s11 =	simm.s32 $0xAC00  }
0x91: {  	[hbm4b:s5+s2] =	stream.indirect_vreg.scatter [tilespmem:s11], [sflag:$0x2], $0x80, v3, vm0, $0xb8;
	[tilespmem:$0x18400] =	vst v63  }
0x92: {  	s10 =	simm.s32 $0xB400  }
0x93: {  	[hbm4b:s6+s2] =	stream.indirect_vreg.scatter [tilespmem:s10], [sflag:$0x2], $0x80, v3, vm0, $0xb8;
	[tilespmem:$0x18400] =	vst v63  }
0x94: {  	s13 =	simm.s32 $0xBC00  }
0x95: {  	[hbm4b:s7+s2] =	stream.indirect_vreg.scatter [tilespmem:s13], [sflag:$0x2], $0x80, v3, vm0, $0xb8;
	[tilespmem:$0x18400] =	vst v63  }
0x96: {  	v3 =	vld [tilespmem:$0x90];
	_ =	sdelay $0x4  }
0x97: {  	v53 =	vshll.u32 v3, $0x3  }
0x98: {  	v3 =	vand.u32 $0x7, v3;
	v4 =	vand.u32 $0xFFFFFFC0, v53  }
0x99: {  	v3 =	vor.u32 v3, v4  }
0x9a: {  	v4 =	vperm.xlane v3, v0;
	_ =	sdelay $0x1  }
0x9b: {  	v4 =	vadd.s32 v1, v4;
	_ =	sdelay $0x3  }
0x9c: {  	s15 =	simm.s32 $0xC400  }
0x9d: {  	[hbm4b:s3+s2] =	stream.indirect_vreg.scatter [tilespmem:s15], [sflag:$0x2], $0x80, v4, vm0, $0xb8;
	[tilespmem:$0x18400] =	vst v63  }
0x9e: {  	s16 =	simm.s32 $0xCC00;
	v3 =	vperm.xlane v3, v2  }
0x9f: {  	[hbm4b:s5+s2] =	stream.indirect_vreg.scatter [tilespmem:s16], [sflag:$0x2], $0x80, v4, vm0, $0xb8;
	[tilespmem:$0x18400] =	vst v63  }
0xa0: {  	s17 =	simm.s32 $0xD400;
	v3 =	vadd.s32 v1, v3  }
0xa1: {  	[hbm4b:s6+s2] =	stream.indirect_vreg.scatter [tilespmem:s17], [sflag:$0x2], $0x80, v4, vm0, $0xb8;
	[tilespmem:$0x18400] =	vst v63  }
0xa2: {  	s18 =	simm.s32 $0xDC00  }
0xa3: {  	[hbm4b:s7+s2] =	stream.indirect_vreg.scatter [tilespmem:s18], [sflag:$0x2], $0x80, v4, vm0, $0xb8;
	[tilespmem:$0x18400] =	vst v63  }
0xa4: {  	s19 =	simm.s32 $0xE400  }
0xa5: {  	[hbm4b:s3+s2] =	stream.indirect_vreg.scatter [tilespmem:s19], [sflag:$0x2], $0x80, v3, vm0, $0xb8;
	[tilespmem:$0x18400] =	vst v63  }
0xa6: {  	s20 =	simm.s32 $0xEC00  }
0xa7: {  	[hbm4b:s5+s2] =	stream.indirect_vreg.scatter [tilespmem:s20], [sflag:$0x2], $0x80, v3, vm0, $0xb8;
	[tilespmem:$0x18400] =	vst v63  }
0xa8: {  	s21 =	simm.s32 $0xF400  }
0xa9: {  	[hbm4b:s6+s2] =	stream.indirect_vreg.scatter [tilespmem:s21], [sflag:$0x2], $0x80, v3, vm0, $0xb8;
	[tilespmem:$0x18400] =	vst v63  }
0xaa: {  	s22 =	simm.s32 $0xFC00  }
0xab: {  	[hbm4b:s7+s2] =	stream.indirect_vreg.scatter [tilespmem:s22], [sflag:$0x2], $0x80, v3, vm0, $0xb8;
	[tilespmem:$0x18400] =	vst v63  }
0xac: {  	v3 =	vld [tilespmem:$0x280];
	_ =	sdelay $0x4  }
0xad: {  	v54 =	vshll.u32 v3, $0x3  }
0xae: {  	v3 =	vand.u32 $0x7, v3;
	v4 =	vand.u32 $0xFFFFFFC0, v54  }
0xaf: {  	v3 =	vor.u32 v3, v4  }
0xb0: {  	v4 =	vperm.xlane v3, v0;
	_ =	sdelay $0x1  }
0xb1: {  	v4 =	vadd.s32 v1, v4;
	_ =	sdelay $0x4  }
0xb2: {  	[hbm4b:s3+s2] =	stream.indirect_vreg.scatter [tilespmem:s12], [sflag:$0x2], $0x80, v4, vm0, $0xb8;
	[tilespmem:$0x18400] =	vst v63  }
0xb3: {  	v3 =	vperm.xlane v3, v2  }
0xb4: {  	[hbm4b:s5+s2] =	stream.indirect_vreg.scatter [tilespmem:s1], [sflag:$0x2], $0x80, v4, vm0, $0xb8;
	[tilespmem:$0x18400] =	vst v63  }
0xb5: {  	v3 =	vadd.s32 v1, v3  }
0xb6: {  	[hbm4b:s6+s2] =	stream.indirect_vreg.scatter [tilespmem:s31], [sflag:$0x2], $0x80, v4, vm0, $0xb8;
	[tilespmem:$0x18400] =	vst v63  }
0xb7: {  	_ = 	snop  }
0xb8: {  	[hbm4b:s7+s2] =	stream.indirect_vreg.scatter [tilespmem:s4], [sflag:$0x2], $0x80, v4, vm0, $0xb8;
	[tilespmem:$0x18400] =	vst v63  }
0xb9: {  	_ = 	snop  }
0xba: {  	[hbm4b:s3+s2] =	stream.indirect_vreg.scatter [tilespmem:s0], [sflag:$0x2], $0x80, v3, vm0, $0xb8;
	[tilespmem:$0x18400] =	vst v63  }
0xbb: {  	_ = 	snop  }
0xbc: {  	[hbm4b:s5+s2] =	stream.indirect_vreg.scatter [tilespmem:s11], [sflag:$0x2], $0x80, v3, vm0, $0xb8;
	[tilespmem:$0x18400] =	vst v63  }
0xbd: {  	_ = 	snop  }
0xbe: {  	[hbm4b:s6+s2] =	stream.indirect_vreg.scatter [tilespmem:s10], [sflag:$0x2], $0x80, v3, vm0, $0xb8;
	[tilespmem:$0x18400] =	vst v63  }
0xbf: {  	_ = 	snop  }
0xc0: {  	[hbm4b:s7+s2] =	stream.indirect_vreg.scatter [tilespmem:s13], [sflag:$0x2], $0x80, v3, vm0, $0xb8;
	[tilespmem:$0x18400] =	vst v63  }
0xc1: {  	v3 =	vld [tilespmem:$0x290];
	_ =	sdelay $0x4  }
0xc2: {  	v55 =	vshll.u32 v3, $0x3  }
0xc3: {  	v3 =	vand.u32 $0x7, v3;
	v4 =	vand.u32 $0xFFFFFFC0, v55  }
0xc4: {  	v3 =	vor.u32 v3, v4  }
0xc5: {  	v4 =	vperm.xlane v3, v0;
	_ =	sdelay $0x1  }
0xc6: {  	v4 =	vadd.s32 v1, v4;
	_ =	sdelay $0x4  }
0xc7: {  	[hbm4b:s3+s2] =	stream.indirect_vreg.scatter [tilespmem:s15], [sflag:$0x2], $0x80, v4, vm0, $0xb8;
	[tilespmem:$0x18400] =	vst v63  }
0xc8: {  	v3 =	vperm.xlane v3, v2  }
0xc9: {  	[hbm4b:s5+s2] =	stream.indirect_vreg.scatter [tilespmem:s16], [sflag:$0x2], $0x80, v4, vm0, $0xb8;
	[tilespmem:$0x18400] =	vst v63  }
0xca: {  	v3 =	vadd.s32 v1, v3  }
0xcb: {  	[hbm4b:s6+s2] =	stream.indirect_vreg.scatter [tilespmem:s17], [sflag:$0x2], $0x80, v4, vm0, $0xb8;
	[tilespmem:$0x18400] =	vst v63  }
0xcc: {  	_ = 	snop  }
0xcd: {  	[hbm4b:s7+s2] =	stream.indirect_vreg.scatter [tilespmem:s18], [sflag:$0x2], $0x80, v4, vm0, $0xb8;
	[tilespmem:$0x18400] =	vst v63  }
0xce: {  	_ = 	snop  }
0xcf: {  	[hbm4b:s3+s2] =	stream.indirect_vreg.scatter [tilespmem:s19], [sflag:$0x2], $0x80, v3, vm0, $0xb8;
	[tilespmem:$0x18400] =	vst v63  }
0xd0: {  	_ = 	snop  }
0xd1: {  	[hbm4b:s5+s2] =	stream.indirect_vreg.scatter [tilespmem:s20], [sflag:$0x2], $0x80, v3, vm0, $0xb8;
	[tilespmem:$0x18400] =	vst v63  }
0xd2: {  	_ = 	snop  }
0xd3: {  	[hbm4b:s6+s2] =	stream.indirect_vreg.scatter [tilespmem:s21], [sflag:$0x2], $0x80, v3, vm0, $0xb8;
	[tilespmem:$0x18400] =	vst v63  }
0xd4: {  	_ = 	snop  }
0xd5: {  	[hbm4b:s7+s2] =	stream.indirect_vreg.scatter [tilespmem:s22], [sflag:$0x2], $0x80, v3, vm0, $0xb8;
	[tilespmem:$0x18400] =	vst v63  }
0xd6: {  	_ =	swait.ge [sflag:s23], $0x8000  }
0xd7: {  	[sflag:s23] =	ssyncset.done $0x0  }
0xd8: {  	[sflag:s23] =	ssyncadd.s32 $0xFFFF8000  }
0xd9: {  	v3 =	vld [tilespmem:$0x100];
	_ =	sdelay $0x4  }
0xda: {  	v56 =	vshll.u32 v3, $0x3  }
0xdb: {  	v3 =	vand.u32 $0x7, v3;
	v4 =	vand.u32 $0xFFFFFFC0, v56  }
0xdc: {  	v3 =	vor.u32 v3, v4  }
0xdd: {  	v4 =	vperm.xlane v3, v0;
	_ =	sdelay $0x1  }
0xde: {  	v4 =	vadd.s32 v1, v4;
	_ =	sdelay $0x4  }
0xdf: {  	[hbm4b:s3+s2] =	stream.indirect_vreg.scatter [tilespmem:s14], [sflag:$0x2], $0x80, v4, vm0, $0xb8;
	[tilespmem:$0x18400] =	vst v63  }
0xe0: {  	s1 =	simm.s32 $0x10C00;
	v3 =	vperm.xlane v3, v2  }
0xe1: {  	[hbm4b:s5+s2] =	stream.indirect_vreg.scatter [tilespmem:s1], [sflag:$0x2], $0x80, v4, vm0, $0xb8;
	[tilespmem:$0x18400] =	vst v63  }
0xe2: {  	s4 =	simm.s32 $0x11400;
	v3 =	vadd.s32 v1, v3  }
0xe3: {  	[hbm4b:s6+s2] =	stream.indirect_vreg.scatter [tilespmem:s4], [sflag:$0x2], $0x80, v4, vm0, $0xb8;
	[tilespmem:$0x18400] =	vst v63  }
0xe4: {  	s10 =	simm.s32 $0x11C00  }
0xe5: {  	[hbm4b:s7+s2] =	stream.indirect_vreg.scatter [tilespmem:s10], [sflag:$0x2], $0x80, v4, vm0, $0xb8;
	[tilespmem:$0x18400] =	vst v63  }
0xe6: {  	s11 =	simm.s32 $0x12400  }
0xe7: {  	[hbm4b:s3+s2] =	stream.indirect_vreg.scatter [tilespmem:s11], [sflag:$0x2], $0x80, v3, vm0, $0xb8;
	[tilespmem:$0x18400] =	vst v63  }
0xe8: {  	s12 =	simm.s32 $0x12C00  }
0xe9: {  	[hbm4b:s5+s2] =	stream.indirect_vreg.scatter [tilespmem:s12], [sflag:$0x2], $0x80, v3, vm0, $0xb8;
	[tilespmem:$0x18400] =	vst v63  }
0xea: {  	s13 =	simm.s32 $0x13400  }
0xeb: {  	[hbm4b:s6+s2] =	stream.indirect_vreg.scatter [tilespmem:s13], [sflag:$0x2], $0x80, v3, vm0, $0xb8;
	[tilespmem:$0x18400] =	vst v63  }
0xec: {  	s15 =	simm.s32 $0x13C00  }
0xed: {  	[hbm4b:s7+s2] =	stream.indirect_vreg.scatter [tilespmem:s15], [sflag:$0x2], $0x80, v3, vm0, $0xb8;
	[tilespmem:$0x18400] =	vst v63  }
0xee: {  	v3 =	vld [tilespmem:$0x110];
	_ =	sdelay $0x4  }
0xef: {  	v57 =	vshll.u32 v3, $0x3  }
0xf0: {  	v3 =	vand.u32 $0x7, v3;
	v4 =	vand.u32 $0xFFFFFFC0, v57  }
0xf1: {  	v3 =	vor.u32 v3, v4  }
0xf2: {  	v4 =	vperm.xlane v3, v0;
	_ =	sdelay $0x1  }
0xf3: {  	v4 =	vadd.s32 v1, v4;
	_ =	sdelay $0x3  }
0xf4: {  	s16 =	simm.s32 $0x14400  }
0xf5: {  	[hbm4b:s3+s2] =	stream.indirect_vreg.scatter [tilespmem:s16], [sflag:$0x2], $0x80, v4, vm0, $0xb8;
	[tilespmem:$0x18400] =	vst v63  }
0xf6: {  	s17 =	simm.s32 $0x14C00;
	v3 =	vperm.xlane v3, v2  }
0xf7: {  	[hbm4b:s5+s2] =	stream.indirect_vreg.scatter [tilespmem:s17], [sflag:$0x2], $0x80, v4, vm0, $0xb8;
	[tilespmem:$0x18400] =	vst v63  }
0xf8: {  	s18 =	simm.s32 $0x15400;
	v3 =	vadd.s32 v1, v3  }
0xf9: {  	[hbm4b:s6+s2] =	stream.indirect_vreg.scatter [tilespmem:s18], [sflag:$0x2], $0x80, v4, vm0, $0xb8;
	[tilespmem:$0x18400] =	vst v63  }
0xfa: {  	s19 =	simm.s32 $0x15C00  }
0xfb: {  	[hbm4b:s7+s2] =	stream.indirect_vreg.scatter [tilespmem:s19], [sflag:$0x2], $0x80, v4, vm0, $0xb8;
	[tilespmem:$0x18400] =	vst v63  }
0xfc: {  	s20 =	simm.s32 $0x16400  }
0xfd: {  	[hbm4b:s3+s2] =	stream.indirect_vreg.scatter [tilespmem:s20], [sflag:$0x2], $0x80, v3, vm0, $0xb8;
	[tilespmem:$0x18400] =	vst v63  }
0xfe: {  	s21 =	simm.s32 $0x16C00  }
0xff: {  	[hbm4b:s5+s2] =	stream.indirect_vreg.scatter [tilespmem:s21], [sflag:$0x2], $0x80, v3, vm0, $0xb8;
	[tilespmem:$0x18400] =	vst v63  }
0x100: {  	s22 =	simm.s32 $0x17400  }
0x101: {  	[hbm4b:s6+s2] =	stream.indirect_vreg.scatter [tilespmem:s22], [sflag:$0x2], $0x80, v3, vm0, $0xb8;
	[tilespmem:$0x18400] =	vst v63  }
0x102: {  	s31 =	simm.s32 $0x17C00  }
0x103: {  	[hbm4b:s7+s2] =	stream.indirect_vreg.scatter [tilespmem:s31], [sflag:$0x2], $0x80, v3, vm0, $0xb8;
	[tilespmem:$0x18400] =	vst v63  }
0x104: {  	v3 =	vld [tilespmem:$0x300];
	_ =	sdelay $0x4  }
0x105: {  	v58 =	vshll.u32 v3, $0x3  }
0x106: {  	v3 =	vand.u32 $0x7, v3;
	v4 =	vand.u32 $0xFFFFFFC0, v58  }
0x107: {  	v3 =	vor.u32 v3, v4  }
0x108: {  	v4 =	vperm.xlane v3, v0;
	_ =	sdelay $0x1  }
0x109: {  	v4 =	vadd.s32 v1, v4;
	_ =	sdelay $0x4  }
0x10a: {  	[hbm4b:s3+s2] =	stream.indirect_vreg.scatter [tilespmem:s14], [sflag:$0x2], $0x80, v4, vm0, $0xb8;
	[tilespmem:$0x18400] =	vst v63  }
0x10b: {  	v3 =	vperm.xlane v3, v2  }
0x10c: {  	[hbm4b:s5+s2] =	stream.indirect_vreg.scatter [tilespmem:s1], [sflag:$0x2], $0x80, v4, vm0, $0xb8;
	[tilespmem:$0x18400] =	vst v63  }
0x10d: {  	v3 =	vadd.s32 v1, v3  }
0x10e: {  	[hbm4b:s6+s2] =	stream.indirect_vreg.scatter [tilespmem:s4], [sflag:$0x2], $0x80, v4, vm0, $0xb8;
	[tilespmem:$0x18400] =	vst v63  }
0x10f: {  	_ = 	snop  }
0x110: {  	[hbm4b:s7+s2] =	stream.indirect_vreg.scatter [tilespmem:s10], [sflag:$0x2], $0x80, v4, vm0, $0xb8;
	[tilespmem:$0x18400] =	vst v63  }
0x111: {  	_ = 	snop  }
0x112: {  	[hbm4b:s3+s2] =	stream.indirect_vreg.scatter [tilespmem:s11], [sflag:$0x2], $0x80, v3, vm0, $0xb8;
	[tilespmem:$0x18400] =	vst v63  }
0x113: {  	_ = 	snop  }
0x114: {  	[hbm4b:s5+s2] =	stream.indirect_vreg.scatter [tilespmem:s12], [sflag:$0x2], $0x80, v3, vm0, $0xb8;
	[tilespmem:$0x18400] =	vst v63  }
0x115: {  	_ = 	snop  }
0x116: {  	[hbm4b:s6+s2] =	stream.indirect_vreg.scatter [tilespmem:s13], [sflag:$0x2], $0x80, v3, vm0, $0xb8;
	[tilespmem:$0x18400] =	vst v63  }
0x117: {  	_ = 	snop  }
0x118: {  	[hbm4b:s7+s2] =	stream.indirect_vreg.scatter [tilespmem:s15], [sflag:$0x2], $0x80, v3, vm0, $0xb8;
	[tilespmem:$0x18400] =	vst v63  }
0x119: {  	v3 =	vld [tilespmem:$0x310];
	_ =	sdelay $0x4  }
0x11a: {  	v59 =	vshll.u32 v3, $0x3  }
0x11b: {  	v3 =	vand.u32 $0x7, v3;
	v4 =	vand.u32 $0xFFFFFFC0, v59  }
0x11c: {  	v3 =	vor.u32 v3, v4  }
0x11d: {  	v4 =	vperm.xlane v3, v0;
	_ =	sdelay $0x1  }
0x11e: {  	v4 =	vadd.s32 v1, v4;
	_ =	sdelay $0x4  }
0x11f: {  	[hbm4b:s3+s2] =	stream.indirect_vreg.scatter [tilespmem:s16], [sflag:$0x2], $0x80, v4, vm0, $0xb8;
	[tilespmem:$0x18400] =	vst v63  }
0x120: {  	v3 =	vperm.xlane v3, v2  }
0x121: {  	[hbm4b:s5+s2] =	stream.indirect_vreg.scatter [tilespmem:s17], [sflag:$0x2], $0x80, v4, vm0, $0xb8;
	[tilespmem:$0x18400] =	vst v63  }
0x122: {  	v3 =	vadd.s32 v1, v3  }
0x123: {  	[hbm4b:s6+s2] =	stream.indirect_vreg.scatter [tilespmem:s18], [sflag:$0x2], $0x80, v4, vm0, $0xb8;
	[tilespmem:$0x18400] =	vst v63  }
0x124: {  	_ = 	snop  }
0x125: {  	[hbm4b:s7+s2] =	stream.indirect_vreg.scatter [tilespmem:s19], [sflag:$0x2], $0x80, v4, vm0, $0xb8;
	[tilespmem:$0x18400] =	vst v63  }
0x126: {  	_ = 	snop  }
0x127: {  	[hbm4b:s3+s2] =	stream.indirect_vreg.scatter [tilespmem:s20], [sflag:$0x2], $0x80, v3, vm0, $0xb8;
	[tilespmem:$0x18400] =	vst v63  }
0x128: {  	_ = 	snop  }
0x129: {  	[hbm4b:s5+s2] =	stream.indirect_vreg.scatter [tilespmem:s21], [sflag:$0x2], $0x80, v3, vm0, $0xb8;
	[tilespmem:$0x18400] =	vst v63  }
0x12a: {  	_ = 	snop  }
0x12b: {  	[hbm4b:s6+s2] =	stream.indirect_vreg.scatter [tilespmem:s22], [sflag:$0x2], $0x80, v3, vm0, $0xb8;
	[tilespmem:$0x18400] =	vst v63  }
0x12c: {  	_ = 	snop  }
0x12d: {  	[hbm4b:s7+s2] =	stream.indirect_vreg.scatter [tilespmem:s31], [sflag:$0x2], $0x80, v3, vm0, $0xb8;
	[tilespmem:$0x18400] =	vst v63  }
0x12e: {  	_ =	swait.ge [sflag:s23], $0x8000  }
0x12f: {  	[sflag:s23] =	ssyncset.done $0x0  }
0x130: {  	[sflag:s23] =	ssyncadd.s32 $0xFFFF8000  }
0x131: {  	v3 =	vld [tilespmem:$0x180];
	_ =	sdelay $0x4  }
0x132: {  	v60 =	vshll.u32 v3, $0x3  }
0x133: {  	v3 =	vand.u32 $0x7, v3;
	v4 =	vand.u32 $0xFFFFFFC0, v60  }
0x134: {  	v3 =	vor.u32 v3, v4  }
0x135: {  	v4 =	vperm.xlane v3, v0;
	_ =	sdelay $0x1  }
0x136: {  	v4 =	vadd.s32 v1, v4;
	_ =	sdelay $0x4  }
0x137: {  	[hbm4b:s3+s2] =	stream.indirect_vreg.scatter [tilespmem:s9], [sflag:$0x2], $0x80, v4, vm0, $0xb8;
	[tilespmem:$0x18400] =	vst v63  }
0x138: {  	s14 =	simm.s32 $0xC00;
	v3 =	vperm.xlane v3, v2  }
0x139: {  	[hbm4b:s5+s2] =	stream.indirect_vreg.scatter [tilespmem:s14], [sflag:$0x2], $0x80, v4, vm0, $0xb8;
	[tilespmem:$0x18400] =	vst v63  }
0x13a: {  	s15 =	simm.s32 $0x1400;
	v3 =	vadd.s32 v1, v3  }
0x13b: {  	[hbm4b:s6+s2] =	stream.indirect_vreg.scatter [tilespmem:s15], [sflag:$0x2], $0x80, v4, vm0, $0xb8;
	[tilespmem:$0x18400] =	vst v63  }
0x13c: {  	s16 =	simm.s32 $0x1C00  }
0x13d: {  	[hbm4b:s7+s2] =	stream.indirect_vreg.scatter [tilespmem:s16], [sflag:$0x2], $0x80, v4, vm0, $0xb8;
	[tilespmem:$0x18400] =	vst v63  }
0x13e: {  	s17 =	simm.s32 $0x2400  }
0x13f: {  	[hbm4b:s3+s2] =	stream.indirect_vreg.scatter [tilespmem:s17], [sflag:$0x2], $0x80, v3, vm0, $0xb8;
	[tilespmem:$0x18400] =	vst v63  }
0x140: {  	s18 =	simm.s32 $0x2C00  }
0x141: {  	[hbm4b:s5+s2] =	stream.indirect_vreg.scatter [tilespmem:s18], [sflag:$0x2], $0x80, v3, vm0, $0xb8;
	[tilespmem:$0x18400] =	vst v63  }
0x142: {  	s19 =	simm.s32 $0x3400  }
0x143: {  	[hbm4b:s6+s2] =	stream.indirect_vreg.scatter [tilespmem:s19], [sflag:$0x2], $0x80, v3, vm0, $0xb8;
	[tilespmem:$0x18400] =	vst v63  }
0x144: {  	s20 =	simm.s32 $0x3C00  }
0x145: {  	[hbm4b:s7+s2] =	stream.indirect_vreg.scatter [tilespmem:s20], [sflag:$0x2], $0x80, v3, vm0, $0xb8;
	[tilespmem:$0x18400] =	vst v63  }
0x146: {  	v3 =	vld [tilespmem:$0x190];
	_ =	sdelay $0x4  }
0x147: {  	v61 =	vshll.u32 v3, $0x3  }
0x148: {  	v3 =	vand.u32 $0x7, v3;
	v4 =	vand.u32 $0xFFFFFFC0, v61  }
0x149: {  	v3 =	vor.u32 v3, v4  }
0x14a: {  	v4 =	vperm.xlane v3, v0;
	_ =	sdelay $0x1  }
0x14b: {  	v4 =	vadd.s32 v1, v4;
	_ =	sdelay $0x3  }
0x14c: {  	s21 =	simm.s32 $0x4400  }
0x14d: {  	[hbm4b:s3+s2] =	stream.indirect_vreg.scatter [tilespmem:s21], [sflag:$0x2], $0x80, v4, vm0, $0xb8;
	[tilespmem:$0x18400] =	vst v63  }
0x14e: {  	s22 =	simm.s32 $0x4C00;
	v3 =	vperm.xlane v3, v2  }
0x14f: {  	[hbm4b:s5+s2] =	stream.indirect_vreg.scatter [tilespmem:s22], [sflag:$0x2], $0x80, v4, vm0, $0xb8;
	[tilespmem:$0x18400] =	vst v63  }
0x150: {  	v3 =	vadd.s32 v1, v3  }
0x151: {  	[hbm4b:s6+s2] =	stream.indirect_vreg.scatter [tilespmem:s24], [sflag:$0x2], $0x80, v4, vm0, $0xb8;
	[tilespmem:$0x18400] =	vst v63  }
0x152: {  	_ = 	snop  }
0x153: {  	[hbm4b:s7+s2] =	stream.indirect_vreg.scatter [tilespmem:s25], [sflag:$0x2], $0x80, v4, vm0, $0xb8;
	[tilespmem:$0x18400] =	vst v63  }
0x154: {  	_ = 	snop  }
0x155: {  	[hbm4b:s3+s2] =	stream.indirect_vreg.scatter [tilespmem:s26], [sflag:$0x2], $0x80, v3, vm0, $0xb8;
	[tilespmem:$0x18400] =	vst v63  }
0x156: {  	_ = 	snop  }
0x157: {  	[hbm4b:s5+s2] =	stream.indirect_vreg.scatter [tilespmem:s28], [sflag:$0x2], $0x80, v3, vm0, $0xb8;
	[tilespmem:$0x18400] =	vst v63  }
0x158: {  	_ = 	snop  }
0x159: {  	[hbm4b:s6+s2] =	stream.indirect_vreg.scatter [tilespmem:s29], [sflag:$0x2], $0x80, v3, vm0, $0xb8;
	[tilespmem:$0x18400] =	vst v63  }
0x15a: {  	s31 =	simm.s32 $0x7C00  }
0x15b: {  	[hbm4b:s7+s2] =	stream.indirect_vreg.scatter [tilespmem:s31], [sflag:$0x2], $0x80, v3, vm0, $0xb8;
	[tilespmem:$0x18400] =	vst v63  }
0x15c: {  	v3 =	vld [tilespmem:$0x380];
	_ =	sdelay $0x4  }
0x15d: {  	v62 =	vshll.u32 v3, $0x3  }
0x15e: {  	v3 =	vand.u32 $0x7, v3;
	v4 =	vand.u32 $0xFFFFFFC0, v62  }
0x15f: {  	v3 =	vor.u32 v3, v4  }
0x160: {  	v4 =	vperm.xlane v3, v0;
	_ =	sdelay $0x1  }
0x161: {  	v4 =	vadd.s32 v1, v4;
	_ =	sdelay $0x4  }
0x162: {  	[hbm4b:s3+s2] =	stream.indirect_vreg.scatter [tilespmem:s9], [sflag:$0x2], $0x80, v4, vm0, $0xb8;
	[tilespmem:$0x18400] =	vst v63  }
0x163: {  	v3 =	vperm.xlane v3, v2  }
0x164: {  	[hbm4b:s5+s2] =	stream.indirect_vreg.scatter [tilespmem:s14], [sflag:$0x2], $0x80, v4, vm0, $0xb8;
	[tilespmem:$0x18400] =	vst v63  }
0x165: {  	v3 =	vadd.s32 v1, v3  }
0x166: {  	[hbm4b:s6+s2] =	stream.indirect_vreg.scatter [tilespmem:s15], [sflag:$0x2], $0x80, v4, vm0, $0xb8;
	[tilespmem:$0x18400] =	vst v63  }
0x167: {  	_ = 	snop  }
0x168: {  	[hbm4b:s7+s2] =	stream.indirect_vreg.scatter [tilespmem:s16], [sflag:$0x2], $0x80, v4, vm0, $0xb8;
	[tilespmem:$0x18400] =	vst v63  }
0x169: {  	_ = 	snop  }
0x16a: {  	[hbm4b:s3+s2] =	stream.indirect_vreg.scatter [tilespmem:s17], [sflag:$0x2], $0x80, v3, vm0, $0xb8;
	[tilespmem:$0x18400] =	vst v63  }
0x16b: {  	_ = 	snop  }
0x16c: {  	[hbm4b:s5+s2] =	stream.indirect_vreg.scatter [tilespmem:s18], [sflag:$0x2], $0x80, v3, vm0, $0xb8;
	[tilespmem:$0x18400] =	vst v63  }
0x16d: {  	_ = 	snop  }
0x16e: {  	[hbm4b:s6+s2] =	stream.indirect_vreg.scatter [tilespmem:s19], [sflag:$0x2], $0x80, v3, vm0, $0xb8;
	[tilespmem:$0x18400] =	vst v63  }
0x16f: {  	_ = 	snop  }
0x170: {  	[hbm4b:s7+s2] =	stream.indirect_vreg.scatter [tilespmem:s20], [sflag:$0x2], $0x80, v3, vm0, $0xb8;
	[tilespmem:$0x18400] =	vst v63  }
0x171: {  	v3 =	vld [tilespmem:$0x390];
	_ =	sdelay $0x4  }
0x172: {  	v63 =	vshll.u32 v3, $0x3  }
0x173: {  	v3 =	vand.u32 $0x7, v3;
	v4 =	vand.u32 $0xFFFFFFC0, v63  }
0x174: {  	v3 =	vor.u32 v3, v4  }
0x175: {  	v4 =	vperm.xlane v3, v0;
	_ =	sdelay $0x1  }
0x176: {  	v4 =	vadd.s32 v1, v4;
	_ =	sdelay $0x4  }
0x177: {  	[hbm4b:s3+s2] =	stream.indirect_vreg.scatter [tilespmem:s21], [sflag:$0x2], $0x80, v4, vm0, $0xb8;
	[tilespmem:$0x18400] =	vst v63  }
0x178: {  	v3 =	vperm.xlane v3, v2  }
0x179: {  	[hbm4b:s5+s2] =	stream.indirect_vreg.scatter [tilespmem:s22], [sflag:$0x2], $0x80, v4, vm0, $0xb8;
	[tilespmem:$0x18400] =	vst v63  }
0x17a: {  	v3 =	vadd.s32 v1, v3  }
0x17b: {  	[hbm4b:s6+s2] =	stream.indirect_vreg.scatter [tilespmem:s24], [sflag:$0x2], $0x80, v4, vm0, $0xb8;
	[tilespmem:$0x18400] =	vst v63  }
0x17c: {  	_ = 	snop  }
0x17d: {  	[hbm4b:s7+s2] =	stream.indirect_vreg.scatter [tilespmem:s25], [sflag:$0x2], $0x80, v4, vm0, $0xb8;
	[tilespmem:$0x18400] =	vst v63  }
0x17e: {  	_ = 	snop  }
0x17f: {  	[hbm4b:s3+s2] =	stream.indirect_vreg.scatter [tilespmem:s26], [sflag:$0x2], $0x80, v3, vm0, $0xb8;
	[tilespmem:$0x18400] =	vst v63  }
0x180: {  	_ = 	snop  }
0x181: {  	[hbm4b:s5+s2] =	stream.indirect_vreg.scatter [tilespmem:s28], [sflag:$0x2], $0x80, v3, vm0, $0xb8;
	[tilespmem:$0x18400] =	vst v63  }
0x182: {  	_ = 	snop  }
0x183: {  	[hbm4b:s6+s2] =	stream.indirect_vreg.scatter [tilespmem:s29], [sflag:$0x2], $0x80, v3, vm0, $0xb8;
	[tilespmem:$0x18400] =	vst v63  }
0x184: {  	_ = 	snop  }
0x185: {  	[hbm4b:s7+s2] =	stream.indirect_vreg.scatter [tilespmem:s31], [sflag:$0x2], $0x80, v3, vm0, $0xb8;
	[tilespmem:$0x18400] =	vst v63  }
0x186: {  	_ =	swait.ge [sflag:s30], $0x8000  }
0x187: {  	[sflag:s30] =	ssyncset.done $0x0  }
0x188: {  	[sflag:s30] =	ssyncadd.s32 $0xFFFF8000  }
0x189: {  	_ =	swait.ge [sflag:s30], $0x8000  }
0x18a: {  	[sflag:s30] =	ssyncset.done $0x0  }
0x18b: {  	[sflag:s30] =	ssyncadd.s32 $0xFFFF8000  }
0x18c: {  	_ =	swait.ge [sflag:s30], $0x8000  }
0x18d: {  	[sflag:s30] =	ssyncset.done $0x0  }
0x18e: {  	[sflag:s30] =	ssyncadd.s32 $0xFFFF8000  }
0x18f: {  	_ =	swait.ge [sflag:s30], $0x8000  }
0x190: {  	[sflag:s30] =	ssyncset.done $0x0  }
0x191: {  	[sflag:s30] =	ssyncadd.s32 $0xFFFF8000  }
0x192: {  	p0 =	sne.s32 s8, $0x1;
	_ =	swait.ge [sflag:s30], $0x8000  }
.Ltmp0:
0x193: {  	[sflag:s30] =	ssyncset.done $0x0;
	(pc) =	sbr.rel @p0 .LBB2_1-.Ltmp0, $4  }
0x194: {  	[sflag:s30] =	ssyncadd.s32 $0xFFFF8000  }
0x195: {  	_ =	swait.ge [sflag:s30], $0x8000  }
0x196: {  	[sflag:s30] =	ssyncset.done $0x0  }
0x197: {  	s8 =	sadd.s32 $0xFFFFFFFF, s8;
	[sflag:s30] =	ssyncadd.s32 $0xFFFF8000  }
0x198: {  	_ =	sfence.sel $0x180000  }
0x199: {  	[bflag:$0x0] =	sbarrier.arrive $0xFFFF  }
0x19a: {  	_ =	strace $0x90000047  }
0x19b: {  	s0 =	stileid.u32;
	[bflag:$0x2] =	sbarrier.arrive $0xFFFF  }
0x19c: {  	p0 =	sne.s32 s0, $0x0;
	s0 =	rddreg [dreg:$0x2]  }
0x19d: {  	s0 =	sadd.s32 @!p0 $0x100000, s0  }
0x19e: {  	[sflag:s0] =	ssyncadd.tile.s32 @!p0 $0x1;
	_ =	shalt  }
.Lfunc_end2:
_tile_overlayer_lowered:
.L_overlay_start_2:
0x19f: {  	(tag) =	ssettag $0x2  }
0x1a0: {  	s0 =	rddreg [dreg:$0x0];
	s2 =	stileid.u32  }
0x1a1: {  	s1 =	rddreg [dreg:$0x1];
	p0 =	sne.s32 s2, $0x0  }
0x1a2: {  	s3 =	rddreg [dreg:$0x2];
	[bflag:$0x3] =	sbarrier.arrive $0xFFFF;
	s2 =	simm.s32 @!p0 $0x1C03  }
0x1a3: {  	[timem:s3], [sflag:s2] =	dma.local @!p0 [hbm:s0], s1  }
0x1a4: {  	s0 =	simm.s32 @!p0 $0x3  }
0x1a5: {  	_ =	swait.ge @!p0 [sflag:s0], s1  }
0x1a6: {  	s1 =	ssub.s32 @!p0 $0x0, s1;
	[sflag:s0] =	ssyncset.done @!p0 $0x0  }
0x1a7: {  	[sflag:s0] =	ssyncadd.s32 @!p0 s1  }
0x1a8: {  	[bflag:$0x3] =	sbarrier.arrive $0xFFFF  }
0x1a9: {  	_ =	shalt  }

</sc_bundles>
